<compile_context>
chip_gen: v7x
topology: tpu7x:2x2x1
jax: 0.10.2.dev20260603
libtpu: 0.0.44.dev20260713+nightly
codegen_flags: <defaults>
</compile_context>

<pallas_src>
import functools

import jax
import jax.numpy as jnp
from jax import lax
from jax.experimental import pallas as pl
from jax.experimental.pallas import tpu as pltpu
from jax.experimental.pallas import tpu_sc as plsc

_N = 100000
_D = 64
_L = 128
_NW = 32
_CHUNKS = 24
_NBUF = 6
_BPW = _CHUNKS * _L
_MAIN = _NW * _BPW
_EXTRA = 13
_TAIL = _N - _MAIN - _EXTRA * _L


def _make_gather():
    mesh = plsc.VectorSubcoreMesh(core_axis_name="c", subcore_axis_name="s")

    @functools.partial(
        pl.kernel,
        mesh=mesh,
        out_type=jax.ShapeDtypeStruct((_N, _D), jnp.float32),
        compiler_params=pltpu.CompilerParams(
            use_tc_tiling_on_sc=False, skip_device_barrier=True),
        scratch_types=(
            [pltpu.VMEM((_BPW,), jnp.int32),
             pltpu.VMEM((_NBUF, _L, 2 * _D), jnp.float32),
             pltpu.VMEM((_L,), jnp.int32),
             pltpu.VMEM((_TAIL,), jnp.int32),
             pltpu.VMEM((_TAIL, 2 * _D), jnp.float32)]
            + [pltpu.SemaphoreType.DMA] * (2 * _NBUF + 1)
        ),
    )
    def gather_kernel(table_hbm, idx_hbm, out_hbm,
                      idx_v, rows_v, xidx_v, tidx_v, trows_v, *sems):
        gsem, osem, xsem = sems[:_NBUF], sems[_NBUF:2 * _NBUF], sems[-1]
        wid = lax.axis_index("s") * 2 + lax.axis_index("c")
        base = wid * _BPW
        pltpu.sync_copy(idx_hbm.at[pl.ds(base, _BPW)], idx_v)
        gathers = [None] * _NBUF
        outs = [None] * _NBUF
        for g in range(_CHUNKS + _NBUF - 1):
            if g < _CHUNKS:
                b = g % _NBUF
                if g >= _NBUF:
                    outs[b].wait()
                gathers[b] = pltpu.async_copy(
                    table_hbm.at[idx_v.at[pl.ds(g * _L, _L)]],
                    rows_v.at[b], gsem[b])
            d = g - (_NBUF - 1)
            if d >= 0:
                db = d % _NBUF
                gathers[db].wait()
                outs[db] = pltpu.async_copy(
                    rows_v.at[db, :, pl.ds(0, _D)],
                    out_hbm.at[pl.ds(base + d * _L, _L)], osem[db])
        for d in range(max(0, _CHUNKS - _NBUF), _CHUNKS):
            outs[d % _NBUF].wait()

        @pl.when(wid < _EXTRA)
        def _extra():
            start = _MAIN + wid * _L
            pltpu.sync_copy(idx_hbm.at[pl.ds(start, _L)], xidx_v)
            pltpu.async_copy(table_hbm.at[xidx_v], rows_v.at[0], xsem).wait()
            pltpu.sync_copy(rows_v.at[0, :, pl.ds(0, _D)],
                            out_hbm.at[pl.ds(start, _L)])

        @pl.when(wid == _EXTRA)
        def _tail():
            start = _MAIN + _EXTRA * _L
            pltpu.sync_copy(idx_hbm.at[pl.ds(start, _TAIL)], tidx_v)
            pltpu.async_copy(table_hbm.at[tidx_v], trows_v, xsem).wait()
            pltpu.sync_copy(trows_v.at[:, pl.ds(0, _D)],
                            out_hbm.at[pl.ds(start, _TAIL)])

    return gather_kernel


_gather = _make_gather()


def kernel(node_ids, x, etypes, norm, table):
    del x, etypes, norm
    table2 = jnp.pad(table, ((0, 0), (0, _D)))
    return _gather(table2, node_ids.astype(jnp.int32))

# --- scband reference (transcript-rebuilt; emitter-appended) ---
"""Pipeline reference for scband-rgcnembedding-30313879175773 (READ-ONLY COPY).

The authoritative reference and input builder live on the scoring server;
editing this copy changes nothing except your own understanding.
"""

import jax, jax.numpy as jnp
import numpy as np

NUM_NODES = 1000000
HIDDEN_DIM = 64
N_BATCH_NODES = 100000
N_EDGES = 1600000

def setup_inputs(seed: int = 0) -> dict:
    key = jax.random.key(seed)
    k1, k2, k3, k4, k5 = jax.random.split(key, 5)
    node_ids = jax.random.randint(k1, (N_BATCH_NODES,), 0, NUM_NODES, dtype=jnp.int64) if jax.config.jax_enable_x64 else jax.random.randint(k1, (N_BATCH_NODES,), 0, NUM_NODES, dtype=jnp.int32)
    x = jax.random.normal(k2, (N_BATCH_NODES, HIDDEN_DIM), dtype=jnp.float32)
    etypes = jax.random.randint(k3, (N_EDGES,), 0, 16)
    norm = jax.random.uniform(k4, (N_EDGES, 1), dtype=jnp.float32)
    # learned parameter: embedding table (Embedding(num_nodes, hidden_dim))
    table = jax.random.normal(k5, (NUM_NODES, HIDDEN_DIM), dtype=jnp.float32)
    return {"node_ids": node_ids, "x": x, "etypes": etypes, "norm": norm, "table": table}

def reference(node_ids, x, etypes, norm, table):
    # RGCNEmbedding.forward: node_ids = graph.ndata['id'].squeeze();
    # node_embedding = self.embedding(node_ids); return node_embedding
    # x, etypes, norm are accepted but unused by the module's forward.
    node_embedding = jnp.take(table, node_ids, axis=0)
    return node_embedding

if __name__ == "__main__":
    import jax
    _d = setup_inputs()
    print(jax.jit(kernel)(*tuple(_d.values())))

</pallas_src>

<mosaic_0001>
#map = affine_map<(d0, d1) -> (0, 0)>
#map1 = affine_map<(d0, d1) -> (0)>
module attributes {stable_mosaic.version = 14 : i64} {
  func.func @gather_kernel(%arg0: i32, %arg1: i32, %arg2: memref<1000000x128xf32, #tpu.memory_space<hbm>>, %arg3: memref<100000xi32, #tpu.memory_space<hbm>>, %arg4: memref<100000x64xf32, #tpu.memory_space<hbm>>, %arg5: memref<3072xi32, #tpu.memory_space<vmem>>, %arg6: memref<6x128x128xf32, #tpu.memory_space<vmem>>, %arg7: memref<128xi32, #tpu.memory_space<vmem>>, %arg8: memref<32xi32, #tpu.memory_space<vmem>>, %arg9: memref<32x128xf32, #tpu.memory_space<vmem>>, %arg10: memref<!tpu.dma_semaphore, #tpu.memory_space<semaphore_mem>>, %arg11: memref<!tpu.dma_semaphore, #tpu.memory_space<semaphore_mem>>, %arg12: memref<!tpu.dma_semaphore, #tpu.memory_space<semaphore_mem>>, %arg13: memref<!tpu.dma_semaphore, #tpu.memory_space<semaphore_mem>>, %arg14: memref<!tpu.dma_semaphore, #tpu.memory_space<semaphore_mem>>, %arg15: memref<!tpu.dma_semaphore, #tpu.memory_space<semaphore_mem>>, %arg16: memref<!tpu.dma_semaphore, #tpu.memory_space<semaphore_mem>>, %arg17: memref<!tpu.dma_semaphore, #tpu.memory_space<semaphore_mem>>, %arg18: memref<!tpu.dma_semaphore, #tpu.memory_space<semaphore_mem>>, %arg19: memref<!tpu.dma_semaphore, #tpu.memory_space<semaphore_mem>>, %arg20: memref<!tpu.dma_semaphore, #tpu.memory_space<semaphore_mem>>, %arg21: memref<!tpu.dma_semaphore, #tpu.memory_space<semaphore_mem>>, %arg22: memref<!tpu.dma_semaphore, #tpu.memory_space<semaphore_mem>>) attributes {dimension_semantics = [#tpu.dimension_semantics<core_parallel>, #tpu.dimension_semantics<subcore_parallel>], iteration_bounds = array<i64: 2, 16>, scalar_prefetch = 0 : i64, scratch_operands = 18 : i64, tpu.core_type = #tpu.core_type<sc_vector_subcore>, window_params = [{transform_indices = #map}, {transform_indices = #map1}, {transform_indices = #map}]} {
    %mul3A = arith.constant 2 : i32
    %mul3A_0 = arith.muli %arg1, %mul3A : i32
    %add3A = arith.addi %mul3A_0, %arg0 : i32
    %mul3A_1 = arith.constant 3072 : i32
    %mul3A_2 = arith.muli %add3A, %mul3A_1 : i32
    "tpu.region"() ({
      %run_scoped3A = tpu.sem_alloc : memref<!tpu.dma_semaphore, #tpu.memory_space<semaphore_mem>>
      %dma_start3A_1159 = tpu.memref_slice %arg3[%mul3A_2] : memref<100000xi32, #tpu.memory_space<hbm>> -> memref<3072xi32, #tpu.memory_space<hbm>>
      %dma_start3A_1160 = tpu.memref_slice %arg3[%mul3A_2] : memref<100000xi32, #tpu.memory_space<hbm>> -> memref<3072xi32, #tpu.memory_space<hbm>>
      tpu.enqueue_dma source(%dma_start3A_1160 : memref<3072xi32, #tpu.memory_space<hbm>>) target(%arg5 : memref<3072xi32, #tpu.memory_space<vmem>>) target_semaphore(%run_scoped3A : memref<!tpu.dma_semaphore, #tpu.memory_space<semaphore_mem>>)
      %dma_wait3A_1161 = tpu.memref_slice %arg3[%mul3A_2] : memref<100000xi32, #tpu.memory_space<hbm>> -> memref<3072xi32, #tpu.memory_space<hbm>>
      %dma_wait3A_1162 = tpu.memref_slice %arg3[%mul3A_2] : memref<100000xi32, #tpu.memory_space<hbm>> -> memref<3072xi32, #tpu.memory_space<hbm>>
      tpu.wait_dma2 semaphore(%run_scoped3A : memref<!tpu.dma_semaphore, #tpu.memory_space<semaphore_mem>>) src(%dma_wait3A_1162 : memref<3072xi32, #tpu.memory_space<hbm>>) dst(%arg5 : memref<3072xi32, #tpu.memory_space<vmem>>)
      tpu.yield
    }) : () -> ()
    %dma_start3A = arith.constant 0 : i32
    %dma_start3A_3 = arith.constant 0 : i32
    %dma_start3A_4 = arith.constant 0 : i32
    %dma_start3A_5 = tpu.memref_slice %arg6[%dma_start3A, %dma_start3A_3, %dma_start3A_4] : memref<6x128x128xf32, #tpu.memory_space<vmem>> -> memref<1x128x128xf32, #tpu.memory_space<vmem>>
    %dma_start3A_6 = tpu.memref_squeeze %dma_start3A_5 : memref<1x128x128xf32, #tpu.memory_space<vmem>> -> memref<128x128xf32, #tpu.memory_space<vmem>>
    %dma_start3A_7 = arith.constant 0 : i32
    %dma_start3A_8 = tpu.memref_slice %arg5[%dma_start3A_7] : memref<3072xi32, #tpu.memory_space<vmem>> -> memref<128xi32, #tpu.memory_space<vmem>>
    %dma_start3A_9 = arith.constant 0 : i32
    %dma_start3A_10 = arith.constant 0 : i32
    %dma_start3A_11 = tpu.memref_slice %arg2[%dma_start3A_9, %dma_start3A_10] : memref<1000000x128xf32, #tpu.memory_space<hbm>> -> memref<1000000x128xf32, #tpu.memory_space<hbm>>
    tpu.enqueue_indirect_dma source(%dma_start3A_11 : memref<1000000x128xf32, #tpu.memory_space<hbm>>) target(%dma_start3A_6 : memref<128x128xf32, #tpu.memory_space<vmem>>) offsets(%dma_start3A_8 : memref<128xi32, #tpu.memory_space<vmem>>) semaphore(%arg10 : memref<!tpu.dma_semaphore, #tpu.memory_space<semaphore_mem>>)
    %dma_start3A_12 = arith.constant 1 : i32
    %dma_start3A_13 = arith.constant 0 : i32
    %dma_start3A_14 = arith.constant 0 : i32
    %dma_start3A_15 = tpu.memref_slice %arg6[%dma_start3A_12, %dma_start3A_13, %dma_start3A_14] : memref<6x128x128xf32, #tpu.memory_space<vmem>> -> memref<1x128x128xf32, #tpu.memory_space<vmem>>
    %dma_start3A_16 = tpu.memref_squeeze %dma_start3A_15 : memref<1x128x128xf32, #tpu.memory_space<vmem>> -> memref<128x128xf32, #tpu.memory_space<vmem>>
    %dma_start3A_17 = arith.constant 128 : i32
    %dma_start3A_18 = tpu.memref_slice %arg5[%dma_start3A_17] : memref<3072xi32, #tpu.memory_space<vmem>> -> memref<128xi32, #tpu.memory_space<vmem>>
    %dma_start3A_19 = arith.constant 0 : i32
    %dma_start3A_20 = arith.constant 0 : i32
    %dma_start3A_21 = tpu.memref_slice %arg2[%dma_start3A_19, %dma_start3A_20] : memref<1000000x128xf32, #tpu.memory_space<hbm>> -> memref<1000000x128xf32, #tpu.memory_space<hbm>>
    tpu.enqueue_indirect_dma source(%dma_start3A_21 : memref<1000000x128xf32, #tpu.memory_space<hbm>>) target(%dma_start3A_16 : memref<128x128xf32, #tpu.memory_space<vmem>>) offsets(%dma_start3A_18 : memref<128xi32, #tpu.memory_space<vmem>>) semaphore(%arg11 : memref<!tpu.dma_semaphore, #tpu.memory_space<semaphore_mem>>)
    %dma_start3A_22 = arith.constant 2 : i32
    %dma_start3A_23 = arith.constant 0 : i32
    %dma_start3A_24 = arith.constant 0 : i32
    %dma_start3A_25 = tpu.memref_slice %arg6[%dma_start3A_22, %dma_start3A_23, %dma_start3A_24] : memref<6x128x128xf32, #tpu.memory_space<vmem>> -> memref<1x128x128xf32, #tpu.memory_space<vmem>>
    %dma_start3A_26 = tpu.memref_squeeze %dma_start3A_25 : memref<1x128x128xf32, #tpu.memory_space<vmem>> -> memref<128x128xf32, #tpu.memory_space<vmem>>
    %dma_start3A_27 = arith.constant 256 : i32
    %dma_start3A_28 = tpu.memref_slice %arg5[%dma_start3A_27] : memref<3072xi32, #tpu.memory_space<vmem>> -> memref<128xi32, #tpu.memory_space<vmem>>
    %dma_start3A_29 = arith.constant 0 : i32
    %dma_start3A_30 = arith.constant 0 : i32
    %dma_start3A_31 = tpu.memref_slice %arg2[%dma_start3A_29, %dma_start3A_30] : memref<1000000x128xf32, #tpu.memory_space<hbm>> -> memref<1000000x128xf32, #tpu.memory_space<hbm>>
    tpu.enqueue_indirect_dma source(%dma_start3A_31 : memref<1000000x128xf32, #tpu.memory_space<hbm>>) target(%dma_start3A_26 : memref<128x128xf32, #tpu.memory_space<vmem>>) offsets(%dma_start3A_28 : memref<128xi32, #tpu.memory_space<vmem>>) semaphore(%arg12 : memref<!tpu.dma_semaphore, #tpu.memory_space<semaphore_mem>>)
    %dma_start3A_32 = arith.constant 3 : i32
    %dma_start3A_33 = arith.constant 0 : i32
    %dma_start3A_34 = arith.constant 0 : i32
    %dma_start3A_35 = tpu.memref_slice %arg6[%dma_start3A_32, %dma_start3A_33, %dma_start3A_34] : memref<6x128x128xf32, #tpu.memory_space<vmem>> -> memref<1x128x128xf32, #tpu.memory_space<vmem>>
    %dma_start3A_36 = tpu.memref_squeeze %dma_start3A_35 : memref<1x128x128xf32, #tpu.memory_space<vmem>> -> memref<128x128xf32, #tpu.memory_space<vmem>>
    %dma_start3A_37 = arith.constant 384 : i32
    %dma_start3A_38 = tpu.memref_slice %arg5[%dma_start3A_37] : memref<3072xi32, #tpu.memory_space<vmem>> -> memref<128xi32, #tpu.memory_space<vmem>>
    %dma_start3A_39 = arith.constant 0 : i32
    %dma_start3A_40 = arith.constant 0 : i32
    %dma_start3A_41 = tpu.memref_slice %arg2[%dma_start3A_39, %dma_start3A_40] : memref<1000000x128xf32, #tpu.memory_space<hbm>> -> memref<1000000x128xf32, #tpu.memory_space<hbm>>
    tpu.enqueue_indirect_dma source(%dma_start3A_41 : memref<1000000x128xf32, #tpu.memory_space<hbm>>) target(%dma_start3A_36 : memref<128x128xf32, #tpu.memory_space<vmem>>) offsets(%dma_start3A_38 : memref<128xi32, #tpu.memory_space<vmem>>) semaphore(%arg13 : memref<!tpu.dma_semaphore, #tpu.memory_space<semaphore_mem>>)
    %dma_start3A_42 = arith.constant 4 : i32
    %dma_start3A_43 = arith.constant 0 : i32
    %dma_start3A_44 = arith.constant 0 : i32
    %dma_start3A_45 = tpu.memref_slice %arg6[%dma_start3A_42, %dma_start3A_43, %dma_start3A_44] : memref<6x128x128xf32, #tpu.memory_space<vmem>> -> memref<1x128x128xf32, #tpu.memory_space<vmem>>
    %dma_start3A_46 = tpu.memref_squeeze %dma_start3A_45 : memref<1x128x128xf32, #tpu.memory_space<vmem>> -> memref<128x128xf32, #tpu.memory_space<vmem>>
    %dma_start3A_47 = arith.constant 512 : i32
    %dma_start3A_48 = tpu.memref_slice %arg5[%dma_start3A_47] : memref<3072xi32, #tpu.memory_space<vmem>> -> memref<128xi32, #tpu.memory_space<vmem>>
    %dma_start3A_49 = arith.constant 0 : i32
    %dma_start3A_50 = arith.constant 0 : i32
    %dma_start3A_51 = tpu.memref_slice %arg2[%dma_start3A_49, %dma_start3A_50] : memref<1000000x128xf32, #tpu.memory_space<hbm>> -> memref<1000000x128xf32, #tpu.memory_space<hbm>>
    tpu.enqueue_indirect_dma source(%dma_start3A_51 : memref<1000000x128xf32, #tpu.memory_space<hbm>>) target(%dma_start3A_46 : memref<128x128xf32, #tpu.memory_space<vmem>>) offsets(%dma_start3A_48 : memref<128xi32, #tpu.memory_space<vmem>>) semaphore(%arg14 : memref<!tpu.dma_semaphore, #tpu.memory_space<semaphore_mem>>)
    %dma_start3A_52 = arith.constant 5 : i32
    %dma_start3A_53 = arith.constant 0 : i32
    %dma_start3A_54 = arith.constant 0 : i32
    %dma_start3A_55 = tpu.memref_slice %arg6[%dma_start3A_52, %dma_start3A_53, %dma_start3A_54] : memref<6x128x128xf32, #tpu.memory_space<vmem>> -> memref<1x128x128xf32, #tpu.memory_space<vmem>>
    %dma_start3A_56 = tpu.memref_squeeze %dma_start3A_55 : memref<1x128x128xf32, #tpu.memory_space<vmem>> -> memref<128x128xf32, #tpu.memory_space<vmem>>
    %dma_start3A_57 = arith.constant 640 : i32
    %dma_start3A_58 = tpu.memref_slice %arg5[%dma_start3A_57] : memref<3072xi32, #tpu.memory_space<vmem>> -> memref<128xi32, #tpu.memory_space<vmem>>
    %dma_start3A_59 = arith.constant 0 : i32
    %dma_start3A_60 = arith.constant 0 : i32
    %dma_start3A_61 = tpu.memref_slice %arg2[%dma_start3A_59, %dma_start3A_60] : memref<1000000x128xf32, #tpu.memory_space<hbm>> -> memref<1000000x128xf32, #tpu.memory_space<hbm>>
    tpu.enqueue_indirect_dma source(%dma_start3A_61 : memref<1000000x128xf32, #tpu.memory_space<hbm>>) target(%dma_start3A_56 : memref<128x128xf32, #tpu.memory_space<vmem>>) offsets(%dma_start3A_58 : memref<128xi32, #tpu.memory_space<vmem>>) semaphore(%arg15 : memref<!tpu.dma_semaphore, #tpu.memory_space<semaphore_mem>>)
    %dma_wait3A = arith.constant 0 : i32
    %dma_wait3A_62 = arith.constant 0 : i32
    %dma_wait3A_63 = arith.constant 0 : i32
    %dma_wait3A_64 = tpu.memref_slice %arg6[%dma_wait3A, %dma_wait3A_62, %dma_wait3A_63] : memref<6x128x128xf32, #tpu.memory_space<vmem>> -> memref<1x128x128xf32, #tpu.memory_space<vmem>>
    %dma_wait3A_65 = tpu.memref_squeeze %dma_wait3A_64 : memref<1x128x128xf32, #tpu.memory_space<vmem>> -> memref<128x128xf32, #tpu.memory_space<vmem>>
    %dma_wait3A_66 = arith.constant 0 : i32
    %dma_wait3A_67 = tpu.memref_slice %arg5[%dma_wait3A_66] : memref<3072xi32, #tpu.memory_space<vmem>> -> memref<128xi32, #tpu.memory_space<vmem>>
    %dma_wait3A_68 = arith.constant 0 : i32
    %dma_wait3A_69 = arith.constant 0 : i32
    %dma_wait3A_70 = tpu.memref_slice %arg2[%dma_wait3A_68, %dma_wait3A_69] : memref<1000000x128xf32, #tpu.memory_space<hbm>> -> memref<1000000x128xf32, #tpu.memory_space<hbm>>
    tpu.wait_indirect_dma semaphore(%arg10 : memref<!tpu.dma_semaphore, #tpu.memory_space<semaphore_mem>>) src(%dma_wait3A_70 : memref<1000000x128xf32, #tpu.memory_space<hbm>>) dst(%dma_wait3A_65 : memref<128x128xf32, #tpu.memory_space<vmem>>)
    %add3A_71 = arith.constant 0 : i32
    %add3A_72 = arith.addi %mul3A_2, %add3A_71 : i32
    %dma_start3A_73 = arith.constant 0 : i32
    %dma_start3A_74 = arith.constant 0 : i32
    %dma_start3A_75 = arith.constant 0 : i32
    %dma_start3A_76 = tpu.memref_slice %arg6[%dma_start3A_73, %dma_start3A_74, %dma_start3A_75] : memref<6x128x128xf32, #tpu.memory_space<vmem>> -> memref<1x128x64xf32, #tpu.memory_space<vmem>>
    %dma_start3A_77 = tpu.memref_squeeze %dma_start3A_76 : memref<1x128x64xf32, #tpu.memory_space<vmem>> -> memref<128x64xf32, #tpu.memory_space<vmem>>
    %dma_start3A_78 = arith.constant 0 : i32
    %dma_start3A_79 = tpu.memref_slice %arg4[%add3A_72, %dma_start3A_78] : memref<100000x64xf32, #tpu.memory_space<hbm>> -> memref<128x64xf32, #tpu.memory_space<hbm>>
    %dma_start3A_80 = arith.constant 0 : i32
    %dma_start3A_81 = tpu.memref_slice %arg4[%add3A_72, %dma_start3A_80] : memref<100000x64xf32, #tpu.memory_space<hbm>> -> memref<128x64xf32, #tpu.memory_space<hbm>>
    %dma_start3A_82 = arith.constant 0 : i32
    %dma_start3A_83 = arith.constant 0 : i32
    %dma_start3A_84 = tpu.memref_slice %arg6[%dma_start3A_73, %dma_start3A_82, %dma_start3A_83] : memref<6x128x128xf32, #tpu.memory_space<vmem>> -> memref<1x128x64xf32, #tpu.memory_space<vmem>>
    %dma_start3A_85 = tpu.memref_squeeze %dma_start3A_84 : memref<1x128x64xf32, #tpu.memory_space<vmem>> -> memref<128x64xf32, #tpu.memory_space<vmem>>
    tpu.enqueue_dma source(%dma_start3A_85 : memref<128x64xf32, #tpu.memory_space<vmem>>) target(%dma_start3A_81 : memref<128x64xf32, #tpu.memory_space<hbm>>) target_semaphore(%arg16 : memref<!tpu.dma_semaphore, #tpu.memory_space<semaphore_mem>>)
    %dma_wait3A_86 = arith.constant 0 : i32
    %dma_wait3A_87 = arith.constant 0 : i32
    %dma_wait3A_88 = arith.constant 0 : i32
    %dma_wait3A_89 = tpu.memref_slice %arg6[%dma_wait3A_86, %dma_wait3A_87, %dma_wait3A_88] : memref<6x128x128xf32, #tpu.memory_space<vmem>> -> memref<1x128x64xf32, #tpu.memory_space<vmem>>
    %dma_wait3A_90 = tpu.memref_squeeze %dma_wait3A_89 : memref<1x128x64xf32, #tpu.memory_space<vmem>> -> memref<128x64xf32, #tpu.memory_space<vmem>>
    %dma_wait3A_91 = arith.constant 0 : i32
    %dma_wait3A_92 = tpu.memref_slice %arg4[%add3A_72, %dma_wait3A_91] : memref<100000x64xf32, #tpu.memory_space<hbm>> -> memref<128x64xf32, #tpu.memory_space<hbm>>
    %dma_wait3A_93 = arith.constant 0 : i32
    %dma_wait3A_94 = tpu.memref_slice %arg4[%add3A_72, %dma_wait3A_93] : memref<100000x64xf32, #tpu.memory_space<hbm>> -> memref<128x64xf32, #tpu.memory_space<hbm>>
    %dma_wait3A_95 = arith.constant 0 : i32
    %dma_wait3A_96 = arith.constant 0 : i32
    %dma_wait3A_97 = tpu.memref_slice %arg6[%dma_wait3A_86, %dma_wait3A_95, %dma_wait3A_96] : memref<6x128x128xf32, #tpu.memory_space<vmem>> -> memref<1x128x64xf32, #tpu.memory_space<vmem>>
    %dma_wait3A_98 = tpu.memref_squeeze %dma_wait3A_97 : memref<1x128x64xf32, #tpu.memory_space<vmem>> -> memref<128x64xf32, #tpu.memory_space<vmem>>
    tpu.wait_dma2 semaphore(%arg16 : memref<!tpu.dma_semaphore, #tpu.memory_space<semaphore_mem>>) src(%dma_wait3A_98 : memref<128x64xf32, #tpu.memory_space<vmem>>) dst(%dma_wait3A_94 : memref<128x64xf32, #tpu.memory_space<hbm>>)
    %dma_start3A_99 = arith.constant 0 : i32
    %dma_start3A_100 = arith.constant 0 : i32
    %dma_start3A_101 = arith.constant 0 : i32
    %dma_start3A_102 = tpu.memref_slice %arg6[%dma_start3A_99, %dma_start3A_100, %dma_start3A_101] : memref<6x128x128xf32, #tpu.memory_space<vmem>> -> memref<1x128x128xf32, #tpu.memory_space<vmem>>
    %dma_start3A_103 = tpu.memref_squeeze %dma_start3A_102 : memref<1x128x128xf32, #tpu.memory_space<vmem>> -> memref<128x128xf32, #tpu.memory_space<vmem>>
    %dma_start3A_104 = arith.constant 768 : i32
    %dma_start3A_105 = tpu.memref_slice %arg5[%dma_start3A_104] : memref<3072xi32, #tpu.memory_space<vmem>> -> memref<128xi32, #tpu.memory_space<vmem>>
    %dma_start3A_106 = arith.constant 0 : i32
    %dma_start3A_107 = arith.constant 0 : i32
    %dma_start3A_108 = tpu.memref_slice %arg2[%dma_start3A_106, %dma_start3A_107] : memref<1000000x128xf32, #tpu.memory_space<hbm>> -> memref<1000000x128xf32, #tpu.memory_space<hbm>>
    tpu.enqueue_indirect_dma source(%dma_start3A_108 : memref<1000000x128xf32, #tpu.memory_space<hbm>>) target(%dma_start3A_103 : memref<128x128xf32, #tpu.memory_space<vmem>>) offsets(%dma_start3A_105 : memref<128xi32, #tpu.memory_space<vmem>>) semaphore(%arg10 : memref<!tpu.dma_semaphore, #tpu.memory_space<semaphore_mem>>)
    %dma_wait3A_109 = arith.constant 1 : i32
    %dma_wait3A_110 = arith.constant 0 : i32
    %dma_wait3A_111 = arith.constant 0 : i32
    %dma_wait3A_112 = tpu.memref_slice %arg6[%dma_wait3A_109, %dma_wait3A_110, %dma_wait3A_111] : memref<6x128x128xf32, #tpu.memory_space<vmem>> -> memref<1x128x128xf32, #tpu.memory_space<vmem>>
    %dma_wait3A_113 = tpu.memref_squeeze %dma_wait3A_112 : memref<1x128x128xf32, #tpu.memory_space<vmem>> -> memref<128x128xf32, #tpu.memory_space<vmem>>
    %dma_wait3A_114 = arith.constant 128 : i32
    %dma_wait3A_115 = tpu.memref_slice %arg5[%dma_wait3A_114] : memref<3072xi32, #tpu.memory_space<vmem>> -> memref<128xi32, #tpu.memory_space<vmem>>
    %dma_wait3A_116 = arith.constant 0 : i32
    %dma_wait3A_117 = arith.constant 0 : i32
    %dma_wait3A_118 = tpu.memref_slice %arg2[%dma_wait3A_116, %dma_wait3A_117] : memref<1000000x128xf32, #tpu.memory_space<hbm>> -> memref<1000000x128xf32, #tpu.memory_space<hbm>>
    tpu.wait_indirect_dma semaphore(%arg11 : memref<!tpu.dma_semaphore, #tpu.memory_space<semaphore_mem>>) src(%dma_wait3A_118 : memref<1000000x128xf32, #tpu.memory_space<hbm>>) dst(%dma_wait3A_113 : memref<128x128xf32, #tpu.memory_space<vmem>>)
    %add3A_119 = arith.constant 128 : i32
    %add3A_120 = arith.addi %mul3A_2, %add3A_119 : i32
    %dma_start3A_121 = arith.constant 1 : i32
    %dma_start3A_122 = arith.constant 0 : i32
    %dma_start3A_123 = arith.constant 0 : i32
    %dma_start3A_124 = tpu.memref_slice %arg6[%dma_start3A_121, %dma_start3A_122, %dma_start3A_123] : memref<6x128x128xf32, #tpu.memory_space<vmem>> -> memref<1x128x64xf32, #tpu.memory_space<vmem>>
    %dma_start3A_125 = tpu.memref_squeeze %dma_start3A_124 : memref<1x128x64xf32, #tpu.memory_space<vmem>> -> memref<128x64xf32, #tpu.memory_space<vmem>>
    %dma_start3A_126 = arith.constant 0 : i32
    %dma_start3A_127 = tpu.memref_slice %arg4[%add3A_120, %dma_start3A_126] : memref<100000x64xf32, #tpu.memory_space<hbm>> -> memref<128x64xf32, #tpu.memory_space<hbm>>
    %dma_start3A_128 = arith.constant 0 : i32
    %dma_start3A_129 = tpu.memref_slice %arg4[%add3A_120, %dma_start3A_128] : memref<100000x64xf32, #tpu.memory_space<hbm>> -> memref<128x64xf32, #tpu.memory_space<hbm>>
    %dma_start3A_130 = arith.constant 0 : i32
    %dma_start3A_131 = arith.constant 0 : i32
    %dma_start3A_132 = tpu.memref_slice %arg6[%dma_start3A_121, %dma_start3A_130, %dma_start3A_131] : memref<6x128x128xf32, #tpu.memory_space<vmem>> -> memref<1x128x64xf32, #tpu.memory_space<vmem>>
    %dma_start3A_133 = tpu.memref_squeeze %dma_start3A_132 : memref<1x128x64xf32, #tpu.memory_space<vmem>> -> memref<128x64xf32, #tpu.memory_space<vmem>>
    tpu.enqueue_dma source(%dma_start3A_133 : memref<128x64xf32, #tpu.memory_space<vmem>>) target(%dma_start3A_129 : memref<128x64xf32, #tpu.memory_space<hbm>>) target_semaphore(%arg17 : memref<!tpu.dma_semaphore, #tpu.memory_space<semaphore_mem>>)
    %dma_wait3A_134 = arith.constant 1 : i32
    %dma_wait3A_135 = arith.constant 0 : i32
    %dma_wait3A_136 = arith.constant 0 : i32
    %dma_wait3A_137 = tpu.memref_slice %arg6[%dma_wait3A_134, %dma_wait3A_135, %dma_wait3A_136] : memref<6x128x128xf32, #tpu.memory_space<vmem>> -> memref<1x128x64xf32, #tpu.memory_space<vmem>>
    %dma_wait3A_138 = tpu.memref_squeeze %dma_wait3A_137 : memref<1x128x64xf32, #tpu.memory_space<vmem>> -> memref<128x64xf32, #tpu.memory_space<vmem>>
    %dma_wait3A_139 = arith.constant 0 : i32
    %dma_wait3A_140 = tpu.memref_slice %arg4[%add3A_120, %dma_wait3A_139] : memref<100000x64xf32, #tpu.memory_space<hbm>> -> memref<128x64xf32, #tpu.memory_space<hbm>>
    %dma_wait3A_141 = arith.constant 0 : i32
    %dma_wait3A_142 = tpu.memref_slice %arg4[%add3A_120, %dma_wait3A_141] : memref<100000x64xf32, #tpu.memory_space<hbm>> -> memref<128x64xf32, #tpu.memory_space<hbm>>
    %dma_wait3A_143 = arith.constant 0 : i32
    %dma_wait3A_144 = arith.constant 0 : i32
    %dma_wait3A_145 = tpu.memref_slice %arg6[%dma_wait3A_134, %dma_wait3A_143, %dma_wait3A_144] : memref<6x128x128xf32, #tpu.memory_space<vmem>> -> memref<1x128x64xf32, #tpu.memory_space<vmem>>
    %dma_wait3A_146 = tpu.memref_squeeze %dma_wait3A_145 : memref<1x128x64xf32, #tpu.memory_space<vmem>> -> memref<128x64xf32, #tpu.memory_space<vmem>>
    tpu.wait_dma2 semaphore(%arg17 : memref<!tpu.dma_semaphore, #tpu.memory_space<semaphore_mem>>) src(%dma_wait3A_146 : memref<128x64xf32, #tpu.memory_space<vmem>>) dst(%dma_wait3A_142 : memref<128x64xf32, #tpu.memory_space<hbm>>)
    %dma_start3A_147 = arith.constant 1 : i32
    %dma_start3A_148 = arith.constant 0 : i32
    %dma_start3A_149 = arith.constant 0 : i32
    %dma_start3A_150 = tpu.memref_slice %arg6[%dma_start3A_147, %dma_start3A_148, %dma_start3A_149] : memref<6x128x128xf32, #tpu.memory_space<vmem>> -> memref<1x128x128xf32, #tpu.memory_space<vmem>>
    %dma_start3A_151 = tpu.memref_squeeze %dma_start3A_150 : memref<1x128x128xf32, #tpu.memory_space<vmem>> -> memref<128x128xf32, #tpu.memory_space<vmem>>
    %dma_start3A_152 = arith.constant 896 : i32
    %dma_start3A_153 = tpu.memref_slice %arg5[%dma_start3A_152] : memref<3072xi32, #tpu.memory_space<vmem>> -> memref<128xi32, #tpu.memory_space<vmem>>
    %dma_start3A_154 = arith.constant 0 : i32
    %dma_start3A_155 = arith.constant 0 : i32
    %dma_start3A_156 = tpu.memref_slice %arg2[%dma_start3A_154, %dma_start3A_155] : memref<1000000x128xf32, #tpu.memory_space<hbm>> -> memref<1000000x128xf32, #tpu.memory_space<hbm>>
    tpu.enqueue_indirect_dma source(%dma_start3A_156 : memref<1000000x128xf32, #tpu.memory_space<hbm>>) target(%dma_start3A_151 : memref<128x128xf32, #tpu.memory_space<vmem>>) offsets(%dma_start3A_153 : memref<128xi32, #tpu.memory_space<vmem>>) semaphore(%arg11 : memref<!tpu.dma_semaphore, #tpu.memory_space<semaphore_mem>>)
    %dma_wait3A_157 = arith.constant 2 : i32
    %dma_wait3A_158 = arith.constant 0 : i32
    %dma_wait3A_159 = arith.constant 0 : i32
    %dma_wait3A_160 = tpu.memref_slice %arg6[%dma_wait3A_157, %dma_wait3A_158, %dma_wait3A_159] : memref<6x128x128xf32, #tpu.memory_space<vmem>> -> memref<1x128x128xf32, #tpu.memory_space<vmem>>
    %dma_wait3A_161 = tpu.memref_squeeze %dma_wait3A_160 : memref<1x128x128xf32, #tpu.memory_space<vmem>> -> memref<128x128xf32, #tpu.memory_space<vmem>>
    %dma_wait3A_162 = arith.constant 256 : i32
    %dma_wait3A_163 = tpu.memref_slice %arg5[%dma_wait3A_162] : memref<3072xi32, #tpu.memory_space<vmem>> -> memref<128xi32, #tpu.memory_space<vmem>>
    %dma_wait3A_164 = arith.constant 0 : i32
    %dma_wait3A_165 = arith.constant 0 : i32
    %dma_wait3A_166 = tpu.memref_slice %arg2[%dma_wait3A_164, %dma_wait3A_165] : memref<1000000x128xf32, #tpu.memory_space<hbm>> -> memref<1000000x128xf32, #tpu.memory_space<hbm>>
    tpu.wait_indirect_dma semaphore(%arg12 : memref<!tpu.dma_semaphore, #tpu.memory_space<semaphore_mem>>) src(%dma_wait3A_166 : memref<1000000x128xf32, #tpu.memory_space<hbm>>) dst(%dma_wait3A_161 : memref<128x128xf32, #tpu.memory_space<vmem>>)
    %add3A_167 = arith.constant 256 : i32
    %add3A_168 = arith.addi %mul3A_2, %add3A_167 : i32
    %dma_start3A_169 = arith.constant 2 : i32
    %dma_start3A_170 = arith.constant 0 : i32
    %dma_start3A_171 = arith.constant 0 : i32
    %dma_start3A_172 = tpu.memref_slice %arg6[%dma_start3A_169, %dma_start3A_170, %dma_start3A_171] : memref<6x128x128xf32, #tpu.memory_space<vmem>> -> memref<1x128x64xf32, #tpu.memory_space<vmem>>
    %dma_start3A_173 = tpu.memref_squeeze %dma_start3A_172 : memref<1x128x64xf32, #tpu.memory_space<vmem>> -> memref<128x64xf32, #tpu.memory_space<vmem>>
    %dma_start3A_174 = arith.constant 0 : i32
    %dma_start3A_175 = tpu.memref_slice %arg4[%add3A_168, %dma_start3A_174] : memref<100000x64xf32, #tpu.memory_space<hbm>> -> memref<128x64xf32, #tpu.memory_space<hbm>>
    %dma_start3A_176 = arith.constant 0 : i32
    %dma_start3A_177 = tpu.memref_slice %arg4[%add3A_168, %dma_start3A_176] : memref<100000x64xf32, #tpu.memory_space<hbm>> -> memref<128x64xf32, #tpu.memory_space<hbm>>
    %dma_start3A_178 = arith.constant 0 : i32
    %dma_start3A_179 = arith.constant 0 : i32
    %dma_start3A_180 = tpu.memref_slice %arg6[%dma_start3A_169, %dma_start3A_178, %dma_start3A_179] : memref<6x128x128xf32, #tpu.memory_space<vmem>> -> memref<1x128x64xf32, #tpu.memory_space<vmem>>
    %dma_start3A_181 = tpu.memref_squeeze %dma_start3A_180 : memref<1x128x64xf32, #tpu.memory_space<vmem>> -> memref<128x64xf32, #tpu.memory_space<vmem>>
    tpu.enqueue_dma source(%dma_start3A_181 : memref<128x64xf32, #tpu.memory_space<vmem>>) target(%dma_start3A_177 : memref<128x64xf32, #tpu.memory_space<hbm>>) target_semaphore(%arg18 : memref<!tpu.dma_semaphore, #tpu.memory_space<semaphore_mem>>)
    %dma_wait3A_182 = arith.constant 2 : i32
    %dma_wait3A_183 = arith.constant 0 : i32
    %dma_wait3A_184 = arith.constant 0 : i32
    %dma_wait3A_185 = tpu.memref_slice %arg6[%dma_wait3A_182, %dma_wait3A_183, %dma_wait3A_184] : memref<6x128x128xf32, #tpu.memory_space<vmem>> -> memref<1x128x64xf32, #tpu.memory_space<vmem>>
    %dma_wait3A_186 = tpu.memref_squeeze %dma_wait3A_185 : memref<1x128x64xf32, #tpu.memory_space<vmem>> -> memref<128x64xf32, #tpu.memory_space<vmem>>
    %dma_wait3A_187 = arith.constant 0 : i32
    %dma_wait3A_188 = tpu.memref_slice %arg4[%add3A_168, %dma_wait3A_187] : memref<100000x64xf32, #tpu.memory_space<hbm>> -> memref<128x64xf32, #tpu.memory_space<hbm>>
    %dma_wait3A_189 = arith.constant 0 : i32
    %dma_wait3A_190 = tpu.memref_slice %arg4[%add3A_168, %dma_wait3A_189] : memref<100000x64xf32, #tpu.memory_space<hbm>> -> memref<128x64xf32, #tpu.memory_space<hbm>>
    %dma_wait3A_191 = arith.constant 0 : i32
    %dma_wait3A_192 = arith.constant 0 : i32
    %dma_wait3A_193 = tpu.memref_slice %arg6[%dma_wait3A_182, %dma_wait3A_191, %dma_wait3A_192] : memref<6x128x128xf32, #tpu.memory_space<vmem>> -> memref<1x128x64xf32, #tpu.memory_space<vmem>>
    %dma_wait3A_194 = tpu.memref_squeeze %dma_wait3A_193 : memref<1x128x64xf32, #tpu.memory_space<vmem>> -> memref<128x64xf32, #tpu.memory_space<vmem>>
    tpu.wait_dma2 semaphore(%arg18 : memref<!tpu.dma_semaphore, #tpu.memory_space<semaphore_mem>>) src(%dma_wait3A_194 : memref<128x64xf32, #tpu.memory_space<vmem>>) dst(%dma_wait3A_190 : memref<128x64xf32, #tpu.memory_space<hbm>>)
    %dma_start3A_195 = arith.constant 2 : i32
    %dma_start3A_196 = arith.constant 0 : i32
    %dma_start3A_197 = arith.constant 0 : i32
    %dma_start3A_198 = tpu.memref_slice %arg6[%dma_start3A_195, %dma_start3A_196, %dma_start3A_197] : memref<6x128x128xf32, #tpu.memory_space<vmem>> -> memref<1x128x128xf32, #tpu.memory_space<vmem>>
    %dma_start3A_199 = tpu.memref_squeeze %dma_start3A_198 : memref<1x128x128xf32, #tpu.memory_space<vmem>> -> memref<128x128xf32, #tpu.memory_space<vmem>>
    %dma_start3A_200 = arith.constant 1024 : i32
    %dma_start3A_201 = tpu.memref_slice %arg5[%dma_start3A_200] : memref<3072xi32, #tpu.memory_space<vmem>> -> memref<128xi32, #tpu.memory_space<vmem>>
    %dma_start3A_202 = arith.constant 0 : i32
    %dma_start3A_203 = arith.constant 0 : i32
    %dma_start3A_204 = tpu.memref_slice %arg2[%dma_start3A_202, %dma_start3A_203] : memref<1000000x128xf32, #tpu.memory_space<hbm>> -> memref<1000000x128xf32, #tpu.memory_space<hbm>>
    tpu.enqueue_indirect_dma source(%dma_start3A_204 : memref<1000000x128xf32, #tpu.memory_space<hbm>>) target(%dma_start3A_199 : memref<128x128xf32, #tpu.memory_space<vmem>>) offsets(%dma_start3A_201 : memref<128xi32, #tpu.memory_space<vmem>>) semaphore(%arg12 : memref<!tpu.dma_semaphore, #tpu.memory_space<semaphore_mem>>)
    %dma_wait3A_205 = arith.constant 3 : i32
    %dma_wait3A_206 = arith.constant 0 : i32
    %dma_wait3A_207 = arith.constant 0 : i32
    %dma_wait3A_208 = tpu.memref_slice %arg6[%dma_wait3A_205, %dma_wait3A_206, %dma_wait3A_207] : memref<6x128x128xf32, #tpu.memory_space<vmem>> -> memref<1x128x128xf32, #tpu.memory_space<vmem>>
    %dma_wait3A_209 = tpu.memref_squeeze %dma_wait3A_208 : memref<1x128x128xf32, #tpu.memory_space<vmem>> -> memref<128x128xf32, #tpu.memory_space<vmem>>
    %dma_wait3A_210 = arith.constant 384 : i32
    %dma_wait3A_211 = tpu.memref_slice %arg5[%dma_wait3A_210] : memref<3072xi32, #tpu.memory_space<vmem>> -> memref<128xi32, #tpu.memory_space<vmem>>
    %dma_wait3A_212 = arith.constant 0 : i32
    %dma_wait3A_213 = arith.constant 0 : i32
    %dma_wait3A_214 = tpu.memref_slice %arg2[%dma_wait3A_212, %dma_wait3A_213] : memref<1000000x128xf32, #tpu.memory_space<hbm>> -> memref<1000000x128xf32, #tpu.memory_space<hbm>>
    tpu.wait_indirect_dma semaphore(%arg13 : memref<!tpu.dma_semaphore, #tpu.memory_space<semaphore_mem>>) src(%dma_wait3A_214 : memref<1000000x128xf32, #tpu.memory_space<hbm>>) dst(%dma_wait3A_209 : memref<128x128xf32, #tpu.memory_space<vmem>>)
    %add3A_215 = arith.constant 384 : i32
    %add3A_216 = arith.addi %mul3A_2, %add3A_215 : i32
    %dma_start3A_217 = arith.constant 3 : i32
    %dma_start3A_218 = arith.constant 0 : i32
    %dma_start3A_219 = arith.constant 0 : i32
    %dma_start3A_220 = tpu.memref_slice %arg6[%dma_start3A_217, %dma_start3A_218, %dma_start3A_219] : memref<6x128x128xf32, #tpu.memory_space<vmem>> -> memref<1x128x64xf32, #tpu.memory_space<vmem>>
    %dma_start3A_221 = tpu.memref_squeeze %dma_start3A_220 : memref<1x128x64xf32, #tpu.memory_space<vmem>> -> memref<128x64xf32, #tpu.memory_space<vmem>>
    %dma_start3A_222 = arith.constant 0 : i32
    %dma_start3A_223 = tpu.memref_slice %arg4[%add3A_216, %dma_start3A_222] : memref<100000x64xf32, #tpu.memory_space<hbm>> -> memref<128x64xf32, #tpu.memory_space<hbm>>
    %dma_start3A_224 = arith.constant 0 : i32
    %dma_start3A_225 = tpu.memref_slice %arg4[%add3A_216, %dma_start3A_224] : memref<100000x64xf32, #tpu.memory_space<hbm>> -> memref<128x64xf32, #tpu.memory_space<hbm>>
    %dma_start3A_226 = arith.constant 0 : i32
    %dma_start3A_227 = arith.constant 0 : i32
    %dma_start3A_228 = tpu.memref_slice %arg6[%dma_start3A_217, %dma_start3A_226, %dma_start3A_227] : memref<6x128x128xf32, #tpu.memory_space<vmem>> -> memref<1x128x64xf32, #tpu.memory_space<vmem>>
    %dma_start3A_229 = tpu.memref_squeeze %dma_start3A_228 : memref<1x128x64xf32, #tpu.memory_space<vmem>> -> memref<128x64xf32, #tpu.memory_space<vmem>>
    tpu.enqueue_dma source(%dma_start3A_229 : memref<128x64xf32, #tpu.memory_space<vmem>>) target(%dma_start3A_225 : memref<128x64xf32, #tpu.memory_space<hbm>>) target_semaphore(%arg19 : memref<!tpu.dma_semaphore, #tpu.memory_space<semaphore_mem>>)
    %dma_wait3A_230 = arith.constant 3 : i32
    %dma_wait3A_231 = arith.constant 0 : i32
    %dma_wait3A_232 = arith.constant 0 : i32
    %dma_wait3A_233 = tpu.memref_slice %arg6[%dma_wait3A_230, %dma_wait3A_231, %dma_wait3A_232] : memref<6x128x128xf32, #tpu.memory_space<vmem>> -> memref<1x128x64xf32, #tpu.memory_space<vmem>>
    %dma_wait3A_234 = tpu.memref_squeeze %dma_wait3A_233 : memref<1x128x64xf32, #tpu.memory_space<vmem>> -> memref<128x64xf32, #tpu.memory_space<vmem>>
    %dma_wait3A_235 = arith.constant 0 : i32
    %dma_wait3A_236 = tpu.memref_slice %arg4[%add3A_216, %dma_wait3A_235] : memref<100000x64xf32, #tpu.memory_space<hbm>> -> memref<128x64xf32, #tpu.memory_space<hbm>>
    %dma_wait3A_237 = arith.constant 0 : i32
    %dma_wait3A_238 = tpu.memref_slice %arg4[%add3A_216, %dma_wait3A_237] : memref<100000x64xf32, #tpu.memory_space<hbm>> -> memref<128x64xf32, #tpu.memory_space<hbm>>
    %dma_wait3A_239 = arith.constant 0 : i32
    %dma_wait3A_240 = arith.constant 0 : i32
    %dma_wait3A_241 = tpu.memref_slice %arg6[%dma_wait3A_230, %dma_wait3A_239, %dma_wait3A_240] : memref<6x128x128xf32, #tpu.memory_space<vmem>> -> memref<1x128x64xf32, #tpu.memory_space<vmem>>
    %dma_wait3A_242 = tpu.memref_squeeze %dma_wait3A_241 : memref<1x128x64xf32, #tpu.memory_space<vmem>> -> memref<128x64xf32, #tpu.memory_space<vmem>>
    tpu.wait_dma2 semaphore(%arg19 : memref<!tpu.dma_semaphore, #tpu.memory_space<semaphore_mem>>) src(%dma_wait3A_242 : memref<128x64xf32, #tpu.memory_space<vmem>>) dst(%dma_wait3A_238 : memref<128x64xf32, #tpu.memory_space<hbm>>)
    %dma_start3A_243 = arith.constant 3 : i32
    %dma_start3A_244 = arith.constant 0 : i32
    %dma_start3A_245 = arith.constant 0 : i32
    %dma_start3A_246 = tpu.memref_slice %arg6[%dma_start3A_243, %dma_start3A_244, %dma_start3A_245] : memref<6x128x128xf32, #tpu.memory_space<vmem>> -> memref<1x128x128xf32, #tpu.memory_space<vmem>>
    %dma_start3A_247 = tpu.memref_squeeze %dma_start3A_246 : memref<1x128x128xf32, #tpu.memory_space<vmem>> -> memref<128x128xf32, #tpu.memory_space<vmem>>
    %dma_start3A_248 = arith.constant 1152 : i32
    %dma_start3A_249 = tpu.memref_slice %arg5[%dma_start3A_248] : memref<3072xi32, #tpu.memory_space<vmem>> -> memref<128xi32, #tpu.memory_space<vmem>>
    %dma_start3A_250 = arith.constant 0 : i32
    %dma_start3A_251 = arith.constant 0 : i32
    %dma_start3A_252 = tpu.memref_slice %arg2[%dma_start3A_250, %dma_start3A_251] : memref<1000000x128xf32, #tpu.memory_space<hbm>> -> memref<1000000x128xf32, #tpu.memory_space<hbm>>
    tpu.enqueue_indirect_dma source(%dma_start3A_252 : memref<1000000x128xf32, #tpu.memory_space<hbm>>) target(%dma_start3A_247 : memref<128x128xf32, #tpu.memory_space<vmem>>) offsets(%dma_start3A_249 : memref<128xi32, #tpu.memory_space<vmem>>) semaphore(%arg13 : memref<!tpu.dma_semaphore, #tpu.memory_space<semaphore_mem>>)
    %dma_wait3A_253 = arith.constant 4 : i32
    %dma_wait3A_254 = arith.constant 0 : i32
    %dma_wait3A_255 = arith.constant 0 : i32
    %dma_wait3A_256 = tpu.memref_slice %arg6[%dma_wait3A_253, %dma_wait3A_254, %dma_wait3A_255] : memref<6x128x128xf32, #tpu.memory_space<vmem>> -> memref<1x128x128xf32, #tpu.memory_space<vmem>>
    %dma_wait3A_257 = tpu.memref_squeeze %dma_wait3A_256 : memref<1x128x128xf32, #tpu.memory_space<vmem>> -> memref<128x128xf32, #tpu.memory_space<vmem>>
    %dma_wait3A_258 = arith.constant 512 : i32
    %dma_wait3A_259 = tpu.memref_slice %arg5[%dma_wait3A_258] : memref<3072xi32, #tpu.memory_space<vmem>> -> memref<128xi32, #tpu.memory_space<vmem>>
    %dma_wait3A_260 = arith.constant 0 : i32
    %dma_wait3A_261 = arith.constant 0 : i32
    %dma_wait3A_262 = tpu.memref_slice %arg2[%dma_wait3A_260, %dma_wait3A_261] : memref<1000000x128xf32, #tpu.memory_space<hbm>> -> memref<1000000x128xf32, #tpu.memory_space<hbm>>
    tpu.wait_indirect_dma semaphore(%arg14 : memref<!tpu.dma_semaphore, #tpu.memory_space<semaphore_mem>>) src(%dma_wait3A_262 : memref<1000000x128xf32, #tpu.memory_space<hbm>>) dst(%dma_wait3A_257 : memref<128x128xf32, #tpu.memory_space<vmem>>)
    %add3A_263 = arith.constant 512 : i32
    %add3A_264 = arith.addi %mul3A_2, %add3A_263 : i32
    %dma_start3A_265 = arith.constant 4 : i32
    %dma_start3A_266 = arith.constant 0 : i32
    %dma_start3A_267 = arith.constant 0 : i32
    %dma_start3A_268 = tpu.memref_slice %arg6[%dma_start3A_265, %dma_start3A_266, %dma_start3A_267] : memref<6x128x128xf32, #tpu.memory_space<vmem>> -> memref<1x128x64xf32, #tpu.memory_space<vmem>>
    %dma_start3A_269 = tpu.memref_squeeze %dma_start3A_268 : memref<1x128x64xf32, #tpu.memory_space<vmem>> -> memref<128x64xf32, #tpu.memory_space<vmem>>
    %dma_start3A_270 = arith.constant 0 : i32
    %dma_start3A_271 = tpu.memref_slice %arg4[%add3A_264, %dma_start3A_270] : memref<100000x64xf32, #tpu.memory_space<hbm>> -> memref<128x64xf32, #tpu.memory_space<hbm>>
    %dma_start3A_272 = arith.constant 0 : i32
    %dma_start3A_273 = tpu.memref_slice %arg4[%add3A_264, %dma_start3A_272] : memref<100000x64xf32, #tpu.memory_space<hbm>> -> memref<128x64xf32, #tpu.memory_space<hbm>>
    %dma_start3A_274 = arith.constant 0 : i32
    %dma_start3A_275 = arith.constant 0 : i32
    %dma_start3A_276 = tpu.memref_slice %arg6[%dma_start3A_265, %dma_start3A_274, %dma_start3A_275] : memref<6x128x128xf32, #tpu.memory_space<vmem>> -> memref<1x128x64xf32, #tpu.memory_space<vmem>>
    %dma_start3A_277 = tpu.memref_squeeze %dma_start3A_276 : memref<1x128x64xf32, #tpu.memory_space<vmem>> -> memref<128x64xf32, #tpu.memory_space<vmem>>
    tpu.enqueue_dma source(%dma_start3A_277 : memref<128x64xf32, #tpu.memory_space<vmem>>) target(%dma_start3A_273 : memref<128x64xf32, #tpu.memory_space<hbm>>) target_semaphore(%arg20 : memref<!tpu.dma_semaphore, #tpu.memory_space<semaphore_mem>>)
    %dma_wait3A_278 = arith.constant 4 : i32
    %dma_wait3A_279 = arith.constant 0 : i32
    %dma_wait3A_280 = arith.constant 0 : i32
    %dma_wait3A_281 = tpu.memref_slice %arg6[%dma_wait3A_278, %dma_wait3A_279, %dma_wait3A_280] : memref<6x128x128xf32, #tpu.memory_space<vmem>> -> memref<1x128x64xf32, #tpu.memory_space<vmem>>
    %dma_wait3A_282 = tpu.memref_squeeze %dma_wait3A_281 : memref<1x128x64xf32, #tpu.memory_space<vmem>> -> memref<128x64xf32, #tpu.memory_space<vmem>>
    %dma_wait3A_283 = arith.constant 0 : i32
    %dma_wait3A_284 = tpu.memref_slice %arg4[%add3A_264, %dma_wait3A_283] : memref<100000x64xf32, #tpu.memory_space<hbm>> -> memref<128x64xf32, #tpu.memory_space<hbm>>
    %dma_wait3A_285 = arith.constant 0 : i32
    %dma_wait3A_286 = tpu.memref_slice %arg4[%add3A_264, %dma_wait3A_285] : memref<100000x64xf32, #tpu.memory_space<hbm>> -> memref<128x64xf32, #tpu.memory_space<hbm>>
    %dma_wait3A_287 = arith.constant 0 : i32
    %dma_wait3A_288 = arith.constant 0 : i32
    %dma_wait3A_289 = tpu.memref_slice %arg6[%dma_wait3A_278, %dma_wait3A_287, %dma_wait3A_288] : memref<6x128x128xf32, #tpu.memory_space<vmem>> -> memref<1x128x64xf32, #tpu.memory_space<vmem>>
    %dma_wait3A_290 = tpu.memref_squeeze %dma_wait3A_289 : memref<1x128x64xf32, #tpu.memory_space<vmem>> -> memref<128x64xf32, #tpu.memory_space<vmem>>
    tpu.wait_dma2 semaphore(%arg20 : memref<!tpu.dma_semaphore, #tpu.memory_space<semaphore_mem>>) src(%dma_wait3A_290 : memref<128x64xf32, #tpu.memory_space<vmem>>) dst(%dma_wait3A_286 : memref<128x64xf32, #tpu.memory_space<hbm>>)
    %dma_start3A_291 = arith.constant 4 : i32
    %dma_start3A_292 = arith.constant 0 : i32
    %dma_start3A_293 = arith.constant 0 : i32
    %dma_start3A_294 = tpu.memref_slice %arg6[%dma_start3A_291, %dma_start3A_292, %dma_start3A_293] : memref<6x128x128xf32, #tpu.memory_space<vmem>> -> memref<1x128x128xf32, #tpu.memory_space<vmem>>
    %dma_start3A_295 = tpu.memref_squeeze %dma_start3A_294 : memref<1x128x128xf32, #tpu.memory_space<vmem>> -> memref<128x128xf32, #tpu.memory_space<vmem>>
    %dma_start3A_296 = arith.constant 1280 : i32
    %dma_start3A_297 = tpu.memref_slice %arg5[%dma_start3A_296] : memref<3072xi32, #tpu.memory_space<vmem>> -> memref<128xi32, #tpu.memory_space<vmem>>
    %dma_start3A_298 = arith.constant 0 : i32
    %dma_start3A_299 = arith.constant 0 : i32
    %dma_start3A_300 = tpu.memref_slice %arg2[%dma_start3A_298, %dma_start3A_299] : memref<1000000x128xf32, #tpu.memory_space<hbm>> -> memref<1000000x128xf32, #tpu.memory_space<hbm>>
    tpu.enqueue_indirect_dma source(%dma_start3A_300 : memref<1000000x128xf32, #tpu.memory_space<hbm>>) target(%dma_start3A_295 : memref<128x128xf32, #tpu.memory_space<vmem>>) offsets(%dma_start3A_297 : memref<128xi32, #tpu.memory_space<vmem>>) semaphore(%arg14 : memref<!tpu.dma_semaphore, #tpu.memory_space<semaphore_mem>>)
    %dma_wait3A_301 = arith.constant 5 : i32
    %dma_wait3A_302 = arith.constant 0 : i32
    %dma_wait3A_303 = arith.constant 0 : i32
    %dma_wait3A_304 = tpu.memref_slice %arg6[%dma_wait3A_301, %dma_wait3A_302, %dma_wait3A_303] : memref<6x128x128xf32, #tpu.memory_space<vmem>> -> memref<1x128x128xf32, #tpu.memory_space<vmem>>
    %dma_wait3A_305 = tpu.memref_squeeze %dma_wait3A_304 : memref<1x128x128xf32, #tpu.memory_space<vmem>> -> memref<128x128xf32, #tpu.memory_space<vmem>>
    %dma_wait3A_306 = arith.constant 640 : i32
    %dma_wait3A_307 = tpu.memref_slice %arg5[%dma_wait3A_306] : memref<3072xi32, #tpu.memory_space<vmem>> -> memref<128xi32, #tpu.memory_space<vmem>>
    %dma_wait3A_308 = arith.constant 0 : i32
    %dma_wait3A_309 = arith.constant 0 : i32
    %dma_wait3A_310 = tpu.memref_slice %arg2[%dma_wait3A_308, %dma_wait3A_309] : memref<1000000x128xf32, #tpu.memory_space<hbm>> -> memref<1000000x128xf32, #tpu.memory_space<hbm>>
    tpu.wait_indirect_dma semaphore(%arg15 : memref<!tpu.dma_semaphore, #tpu.memory_space<semaphore_mem>>) src(%dma_wait3A_310 : memref<1000000x128xf32, #tpu.memory_space<hbm>>) dst(%dma_wait3A_305 : memref<128x128xf32, #tpu.memory_space<vmem>>)
    %add3A_311 = arith.constant 640 : i32
    %add3A_312 = arith.addi %mul3A_2, %add3A_311 : i32
    %dma_start3A_313 = arith.constant 5 : i32
    %dma_start3A_314 = arith.constant 0 : i32
    %dma_start3A_315 = arith.constant 0 : i32
    %dma_start3A_316 = tpu.memref_slice %arg6[%dma_start3A_313, %dma_start3A_314, %dma_start3A_315] : memref<6x128x128xf32, #tpu.memory_space<vmem>> -> memref<1x128x64xf32, #tpu.memory_space<vmem>>
    %dma_start3A_317 = tpu.memref_squeeze %dma_start3A_316 : memref<1x128x64xf32, #tpu.memory_space<vmem>> -> memref<128x64xf32, #tpu.memory_space<vmem>>
    %dma_start3A_318 = arith.constant 0 : i32
    %dma_start3A_319 = tpu.memref_slice %arg4[%add3A_312, %dma_start3A_318] : memref<100000x64xf32, #tpu.memory_space<hbm>> -> memref<128x64xf32, #tpu.memory_space<hbm>>
    %dma_start3A_320 = arith.constant 0 : i32
    %dma_start3A_321 = tpu.memref_slice %arg4[%add3A_312, %dma_start3A_320] : memref<100000x64xf32, #tpu.memory_space<hbm>> -> memref<128x64xf32, #tpu.memory_space<hbm>>
    %dma_start3A_322 = arith.constant 0 : i32
    %dma_start3A_323 = arith.constant 0 : i32
    %dma_start3A_324 = tpu.memref_slice %arg6[%dma_start3A_313, %dma_start3A_322, %dma_start3A_323] : memref<6x128x128xf32, #tpu.memory_space<vmem>> -> memref<1x128x64xf32, #tpu.memory_space<vmem>>
    %dma_start3A_325 = tpu.memref_squeeze %dma_start3A_324 : memref<1x128x64xf32, #tpu.memory_space<vmem>> -> memref<128x64xf32, #tpu.memory_space<vmem>>
    tpu.enqueue_dma source(%dma_start3A_325 : memref<128x64xf32, #tpu.memory_space<vmem>>) target(%dma_start3A_321 : memref<128x64xf32, #tpu.memory_space<hbm>>) target_semaphore(%arg21 : memref<!tpu.dma_semaphore, #tpu.memory_space<semaphore_mem>>)
    %dma_wait3A_326 = arith.constant 5 : i32
    %dma_wait3A_327 = arith.constant 0 : i32
    %dma_wait3A_328 = arith.constant 0 : i32
    %dma_wait3A_329 = tpu.memref_slice %arg6[%dma_wait3A_326, %dma_wait3A_327, %dma_wait3A_328] : memref<6x128x128xf32, #tpu.memory_space<vmem>> -> memref<1x128x64xf32, #tpu.memory_space<vmem>>
    %dma_wait3A_330 = tpu.memref_squeeze %dma_wait3A_329 : memref<1x128x64xf32, #tpu.memory_space<vmem>> -> memref<128x64xf32, #tpu.memory_space<vmem>>
    %dma_wait3A_331 = arith.constant 0 : i32
    %dma_wait3A_332 = tpu.memref_slice %arg4[%add3A_312, %dma_wait3A_331] : memref<100000x64xf32, #tpu.memory_space<hbm>> -> memref<128x64xf32, #tpu.memory_space<hbm>>
    %dma_wait3A_333 = arith.constant 0 : i32
    %dma_wait3A_334 = tpu.memref_slice %arg4[%add3A_312, %dma_wait3A_333] : memref<100000x64xf32, #tpu.memory_space<hbm>> -> memref<128x64xf32, #tpu.memory_space<hbm>>
    %dma_wait3A_335 = arith.constant 0 : i32
    %dma_wait3A_336 = arith.constant 0 : i32
    %dma_wait3A_337 = tpu.memref_slice %arg6[%dma_wait3A_326, %dma_wait3A_335, %dma_wait3A_336] : memref<6x128x128xf32, #tpu.memory_space<vmem>> -> memref<1x128x64xf32, #tpu.memory_space<vmem>>
    %dma_wait3A_338 = tpu.memref_squeeze %dma_wait3A_337 : memref<1x128x64xf32, #tpu.memory_space<vmem>> -> memref<128x64xf32, #tpu.memory_space<vmem>>
    tpu.wait_dma2 semaphore(%arg21 : memref<!tpu.dma_semaphore, #tpu.memory_space<semaphore_mem>>) src(%dma_wait3A_338 : memref<128x64xf32, #tpu.memory_space<vmem>>) dst(%dma_wait3A_334 : memref<128x64xf32, #tpu.memory_space<hbm>>)
    %dma_start3A_339 = arith.constant 5 : i32
    %dma_start3A_340 = arith.constant 0 : i32
    %dma_start3A_341 = arith.constant 0 : i32
    %dma_start3A_342 = tpu.memref_slice %arg6[%dma_start3A_339, %dma_start3A_340, %dma_start3A_341] : memref<6x128x128xf32, #tpu.memory_space<vmem>> -> memref<1x128x128xf32, #tpu.memory_space<vmem>>
    %dma_start3A_343 = tpu.memref_squeeze %dma_start3A_342 : memref<1x128x128xf32, #tpu.memory_space<vmem>> -> memref<128x128xf32, #tpu.memory_space<vmem>>
    %dma_start3A_344 = arith.constant 1408 : i32
    %dma_start3A_345 = tpu.memref_slice %arg5[%dma_start3A_344] : memref<3072xi32, #tpu.memory_space<vmem>> -> memref<128xi32, #tpu.memory_space<vmem>>
    %dma_start3A_346 = arith.constant 0 : i32
    %dma_start3A_347 = arith.constant 0 : i32
    %dma_start3A_348 = tpu.memref_slice %arg2[%dma_start3A_346, %dma_start3A_347] : memref<1000000x128xf32, #tpu.memory_space<hbm>> -> memref<1000000x128xf32, #tpu.memory_space<hbm>>
    tpu.enqueue_indirect_dma source(%dma_start3A_348 : memref<1000000x128xf32, #tpu.memory_space<hbm>>) target(%dma_start3A_343 : memref<128x128xf32, #tpu.memory_space<vmem>>) offsets(%dma_start3A_345 : memref<128xi32, #tpu.memory_space<vmem>>) semaphore(%arg15 : memref<!tpu.dma_semaphore, #tpu.memory_space<semaphore_mem>>)
    %dma_wait3A_349 = arith.constant 0 : i32
    %dma_wait3A_350 = arith.constant 0 : i32
    %dma_wait3A_351 = arith.constant 0 : i32
    %dma_wait3A_352 = tpu.memref_slice %arg6[%dma_wait3A_349, %dma_wait3A_350, %dma_wait3A_351] : memref<6x128x128xf32, #tpu.memory_space<vmem>> -> memref<1x128x128xf32, #tpu.memory_space<vmem>>
    %dma_wait3A_353 = tpu.memref_squeeze %dma_wait3A_352 : memref<1x128x128xf32, #tpu.memory_space<vmem>> -> memref<128x128xf32, #tpu.memory_space<vmem>>
    %dma_wait3A_354 = arith.constant 768 : i32
    %dma_wait3A_355 = tpu.memref_slice %arg5[%dma_wait3A_354] : memref<3072xi32, #tpu.memory_space<vmem>> -> memref<128xi32, #tpu.memory_space<vmem>>
    %dma_wait3A_356 = arith.constant 0 : i32
    %dma_wait3A_357 = arith.constant 0 : i32
    %dma_wait3A_358 = tpu.memref_slice %arg2[%dma_wait3A_356, %dma_wait3A_357] : memref<1000000x128xf32, #tpu.memory_space<hbm>> -> memref<1000000x128xf32, #tpu.memory_space<hbm>>
    tpu.wait_indirect_dma semaphore(%arg10 : memref<!tpu.dma_semaphore, #tpu.memory_space<semaphore_mem>>) src(%dma_wait3A_358 : memref<1000000x128xf32, #tpu.memory_space<hbm>>) dst(%dma_wait3A_353 : memref<128x128xf32, #tpu.memory_space<vmem>>)
    %add3A_359 = arith.constant 768 : i32
    %add3A_360 = arith.addi %mul3A_2, %add3A_359 : i32
    %dma_start3A_361 = arith.constant 0 : i32
    %dma_start3A_362 = arith.constant 0 : i32
    %dma_start3A_363 = arith.constant 0 : i32
    %dma_start3A_364 = tpu.memref_slice %arg6[%dma_start3A_361, %dma_start3A_362, %dma_start3A_363] : memref<6x128x128xf32, #tpu.memory_space<vmem>> -> memref<1x128x64xf32, #tpu.memory_space<vmem>>
    %dma_start3A_365 = tpu.memref_squeeze %dma_start3A_364 : memref<1x128x64xf32, #tpu.memory_space<vmem>> -> memref<128x64xf32, #tpu.memory_space<vmem>>
    %dma_start3A_366 = arith.constant 0 : i32
    %dma_start3A_367 = tpu.memref_slice %arg4[%add3A_360, %dma_start3A_366] : memref<100000x64xf32, #tpu.memory_space<hbm>> -> memref<128x64xf32, #tpu.memory_space<hbm>>
    %dma_start3A_368 = arith.constant 0 : i32
    %dma_start3A_369 = tpu.memref_slice %arg4[%add3A_360, %dma_start3A_368] : memref<100000x64xf32, #tpu.memory_space<hbm>> -> memref<128x64xf32, #tpu.memory_space<hbm>>
    %dma_start3A_370 = arith.constant 0 : i32
    %dma_start3A_371 = arith.constant 0 : i32
    %dma_start3A_372 = tpu.memref_slice %arg6[%dma_start3A_361, %dma_start3A_370, %dma_start3A_371] : memref<6x128x128xf32, #tpu.memory_space<vmem>> -> memref<1x128x64xf32, #tpu.memory_space<vmem>>
    %dma_start3A_373 = tpu.memref_squeeze %dma_start3A_372 : memref<1x128x64xf32, #tpu.memory_space<vmem>> -> memref<128x64xf32, #tpu.memory_space<vmem>>
    tpu.enqueue_dma source(%dma_start3A_373 : memref<128x64xf32, #tpu.memory_space<vmem>>) target(%dma_start3A_369 : memref<128x64xf32, #tpu.memory_space<hbm>>) target_semaphore(%arg16 : memref<!tpu.dma_semaphore, #tpu.memory_space<semaphore_mem>>)
    %dma_wait3A_374 = arith.constant 0 : i32
    %dma_wait3A_375 = arith.constant 0 : i32
    %dma_wait3A_376 = arith.constant 0 : i32
    %dma_wait3A_377 = tpu.memref_slice %arg6[%dma_wait3A_374, %dma_wait3A_375, %dma_wait3A_376] : memref<6x128x128xf32, #tpu.memory_space<vmem>> -> memref<1x128x64xf32, #tpu.memory_space<vmem>>
    %dma_wait3A_378 = tpu.memref_squeeze %dma_wait3A_377 : memref<1x128x64xf32, #tpu.memory_space<vmem>> -> memref<128x64xf32, #tpu.memory_space<vmem>>
    %dma_wait3A_379 = arith.constant 0 : i32
    %dma_wait3A_380 = tpu.memref_slice %arg4[%add3A_360, %dma_wait3A_379] : memref<100000x64xf32, #tpu.memory_space<hbm>> -> memref<128x64xf32, #tpu.memory_space<hbm>>
    %dma_wait3A_381 = arith.constant 0 : i32
    %dma_wait3A_382 = tpu.memref_slice %arg4[%add3A_360, %dma_wait3A_381] : memref<100000x64xf32, #tpu.memory_space<hbm>> -> memref<128x64xf32, #tpu.memory_space<hbm>>
    %dma_wait3A_383 = arith.constant 0 : i32
    %dma_wait3A_384 = arith.constant 0 : i32
    %dma_wait3A_385 = tpu.memref_slice %arg6[%dma_wait3A_374, %dma_wait3A_383, %dma_wait3A_384] : memref<6x128x128xf32, #tpu.memory_space<vmem>> -> memref<1x128x64xf32, #tpu.memory_space<vmem>>
    %dma_wait3A_386 = tpu.memref_squeeze %dma_wait3A_385 : memref<1x128x64xf32, #tpu.memory_space<vmem>> -> memref<128x64xf32, #tpu.memory_space<vmem>>
    tpu.wait_dma2 semaphore(%arg16 : memref<!tpu.dma_semaphore, #tpu.memory_space<semaphore_mem>>) src(%dma_wait3A_386 : memref<128x64xf32, #tpu.memory_space<vmem>>) dst(%dma_wait3A_382 : memref<128x64xf32, #tpu.memory_space<hbm>>)
    %dma_start3A_387 = arith.constant 0 : i32
    %dma_start3A_388 = arith.constant 0 : i32
    %dma_start3A_389 = arith.constant 0 : i32
    %dma_start3A_390 = tpu.memref_slice %arg6[%dma_start3A_387, %dma_start3A_388, %dma_start3A_389] : memref<6x128x128xf32, #tpu.memory_space<vmem>> -> memref<1x128x128xf32, #tpu.memory_space<vmem>>
    %dma_start3A_391 = tpu.memref_squeeze %dma_start3A_390 : memref<1x128x128xf32, #tpu.memory_space<vmem>> -> memref<128x128xf32, #tpu.memory_space<vmem>>
    %dma_start3A_392 = arith.constant 1536 : i32
    %dma_start3A_393 = tpu.memref_slice %arg5[%dma_start3A_392] : memref<3072xi32, #tpu.memory_space<vmem>> -> memref<128xi32, #tpu.memory_space<vmem>>
    %dma_start3A_394 = arith.constant 0 : i32
    %dma_start3A_395 = arith.constant 0 : i32
    %dma_start3A_396 = tpu.memref_slice %arg2[%dma_start3A_394, %dma_start3A_395] : memref<1000000x128xf32, #tpu.memory_space<hbm>> -> memref<1000000x128xf32, #tpu.memory_space<hbm>>
    tpu.enqueue_indirect_dma source(%dma_start3A_396 : memref<1000000x128xf32, #tpu.memory_space<hbm>>) target(%dma_start3A_391 : memref<128x128xf32, #tpu.memory_space<vmem>>) offsets(%dma_start3A_393 : memref<128xi32, #tpu.memory_space<vmem>>) semaphore(%arg10 : memref<!tpu.dma_semaphore, #tpu.memory_space<semaphore_mem>>)
    %dma_wait3A_397 = arith.constant 1 : i32
    %dma_wait3A_398 = arith.constant 0 : i32
    %dma_wait3A_399 = arith.constant 0 : i32
    %dma_wait3A_400 = tpu.memref_slice %arg6[%dma_wait3A_397, %dma_wait3A_398, %dma_wait3A_399] : memref<6x128x128xf32, #tpu.memory_space<vmem>> -> memref<1x128x128xf32, #tpu.memory_space<vmem>>
    %dma_wait3A_401 = tpu.memref_squeeze %dma_wait3A_400 : memref<1x128x128xf32, #tpu.memory_space<vmem>> -> memref<128x128xf32, #tpu.memory_space<vmem>>
    %dma_wait3A_402 = arith.constant 896 : i32
    %dma_wait3A_403 = tpu.memref_slice %arg5[%dma_wait3A_402] : memref<3072xi32, #tpu.memory_space<vmem>> -> memref<128xi32, #tpu.memory_space<vmem>>
    %dma_wait3A_404 = arith.constant 0 : i32
    %dma_wait3A_405 = arith.constant 0 : i32
    %dma_wait3A_406 = tpu.memref_slice %arg2[%dma_wait3A_404, %dma_wait3A_405] : memref<1000000x128xf32, #tpu.memory_space<hbm>> -> memref<1000000x128xf32, #tpu.memory_space<hbm>>
    tpu.wait_indirect_dma semaphore(%arg11 : memref<!tpu.dma_semaphore, #tpu.memory_space<semaphore_mem>>) src(%dma_wait3A_406 : memref<1000000x128xf32, #tpu.memory_space<hbm>>) dst(%dma_wait3A_401 : memref<128x128xf32, #tpu.memory_space<vmem>>)
    %add3A_407 = arith.constant 896 : i32
    %add3A_408 = arith.addi %mul3A_2, %add3A_407 : i32
    %dma_start3A_409 = arith.constant 1 : i32
    %dma_start3A_410 = arith.constant 0 : i32
    %dma_start3A_411 = arith.constant 0 : i32
    %dma_start3A_412 = tpu.memref_slice %arg6[%dma_start3A_409, %dma_start3A_410, %dma_start3A_411] : memref<6x128x128xf32, #tpu.memory_space<vmem>> -> memref<1x128x64xf32, #tpu.memory_space<vmem>>
    %dma_start3A_413 = tpu.memref_squeeze %dma_start3A_412 : memref<1x128x64xf32, #tpu.memory_space<vmem>> -> memref<128x64xf32, #tpu.memory_space<vmem>>
    %dma_start3A_414 = arith.constant 0 : i32
    %dma_start3A_415 = tpu.memref_slice %arg4[%add3A_408, %dma_start3A_414] : memref<100000x64xf32, #tpu.memory_space<hbm>> -> memref<128x64xf32, #tpu.memory_space<hbm>>
    %dma_start3A_416 = arith.constant 0 : i32
    %dma_start3A_417 = tpu.memref_slice %arg4[%add3A_408, %dma_start3A_416] : memref<100000x64xf32, #tpu.memory_space<hbm>> -> memref<128x64xf32, #tpu.memory_space<hbm>>
    %dma_start3A_418 = arith.constant 0 : i32
    %dma_start3A_419 = arith.constant 0 : i32
    %dma_start3A_420 = tpu.memref_slice %arg6[%dma_start3A_409, %dma_start3A_418, %dma_start3A_419] : memref<6x128x128xf32, #tpu.memory_space<vmem>> -> memref<1x128x64xf32, #tpu.memory_space<vmem>>
    %dma_start3A_421 = tpu.memref_squeeze %dma_start3A_420 : memref<1x128x64xf32, #tpu.memory_space<vmem>> -> memref<128x64xf32, #tpu.memory_space<vmem>>
    tpu.enqueue_dma source(%dma_start3A_421 : memref<128x64xf32, #tpu.memory_space<vmem>>) target(%dma_start3A_417 : memref<128x64xf32, #tpu.memory_space<hbm>>) target_semaphore(%arg17 : memref<!tpu.dma_semaphore, #tpu.memory_space<semaphore_mem>>)
    %dma_wait3A_422 = arith.constant 1 : i32
    %dma_wait3A_423 = arith.constant 0 : i32
    %dma_wait3A_424 = arith.constant 0 : i32
    %dma_wait3A_425 = tpu.memref_slice %arg6[%dma_wait3A_422, %dma_wait3A_423, %dma_wait3A_424] : memref<6x128x128xf32, #tpu.memory_space<vmem>> -> memref<1x128x64xf32, #tpu.memory_space<vmem>>
    %dma_wait3A_426 = tpu.memref_squeeze %dma_wait3A_425 : memref<1x128x64xf32, #tpu.memory_space<vmem>> -> memref<128x64xf32, #tpu.memory_space<vmem>>
    %dma_wait3A_427 = arith.constant 0 : i32
    %dma_wait3A_428 = tpu.memref_slice %arg4[%add3A_408, %dma_wait3A_427] : memref<100000x64xf32, #tpu.memory_space<hbm>> -> memref<128x64xf32, #tpu.memory_space<hbm>>
    %dma_wait3A_429 = arith.constant 0 : i32
    %dma_wait3A_430 = tpu.memref_slice %arg4[%add3A_408, %dma_wait3A_429] : memref<100000x64xf32, #tpu.memory_space<hbm>> -> memref<128x64xf32, #tpu.memory_space<hbm>>
    %dma_wait3A_431 = arith.constant 0 : i32
    %dma_wait3A_432 = arith.constant 0 : i32
    %dma_wait3A_433 = tpu.memref_slice %arg6[%dma_wait3A_422, %dma_wait3A_431, %dma_wait3A_432] : memref<6x128x128xf32, #tpu.memory_space<vmem>> -> memref<1x128x64xf32, #tpu.memory_space<vmem>>
    %dma_wait3A_434 = tpu.memref_squeeze %dma_wait3A_433 : memref<1x128x64xf32, #tpu.memory_space<vmem>> -> memref<128x64xf32, #tpu.memory_space<vmem>>
    tpu.wait_dma2 semaphore(%arg17 : memref<!tpu.dma_semaphore, #tpu.memory_space<semaphore_mem>>) src(%dma_wait3A_434 : memref<128x64xf32, #tpu.memory_space<vmem>>) dst(%dma_wait3A_430 : memref<128x64xf32, #tpu.memory_space<hbm>>)
    %dma_start3A_435 = arith.constant 1 : i32
    %dma_start3A_436 = arith.constant 0 : i32
    %dma_start3A_437 = arith.constant 0 : i32
    %dma_start3A_438 = tpu.memref_slice %arg6[%dma_start3A_435, %dma_start3A_436, %dma_start3A_437] : memref<6x128x128xf32, #tpu.memory_space<vmem>> -> memref<1x128x128xf32, #tpu.memory_space<vmem>>
    %dma_start3A_439 = tpu.memref_squeeze %dma_start3A_438 : memref<1x128x128xf32, #tpu.memory_space<vmem>> -> memref<128x128xf32, #tpu.memory_space<vmem>>
    %dma_start3A_440 = arith.constant 1664 : i32
    %dma_start3A_441 = tpu.memref_slice %arg5[%dma_start3A_440] : memref<3072xi32, #tpu.memory_space<vmem>> -> memref<128xi32, #tpu.memory_space<vmem>>
    %dma_start3A_442 = arith.constant 0 : i32
    %dma_start3A_443 = arith.constant 0 : i32
    %dma_start3A_444 = tpu.memref_slice %arg2[%dma_start3A_442, %dma_start3A_443] : memref<1000000x128xf32, #tpu.memory_space<hbm>> -> memref<1000000x128xf32, #tpu.memory_space<hbm>>
    tpu.enqueue_indirect_dma source(%dma_start3A_444 : memref<1000000x128xf32, #tpu.memory_space<hbm>>) target(%dma_start3A_439 : memref<128x128xf32, #tpu.memory_space<vmem>>) offsets(%dma_start3A_441 : memref<128xi32, #tpu.memory_space<vmem>>) semaphore(%arg11 : memref<!tpu.dma_semaphore, #tpu.memory_space<semaphore_mem>>)
    %dma_wait3A_445 = arith.constant 2 : i32
    %dma_wait3A_446 = arith.constant 0 : i32
    %dma_wait3A_447 = arith.constant 0 : i32
    %dma_wait3A_448 = tpu.memref_slice %arg6[%dma_wait3A_445, %dma_wait3A_446, %dma_wait3A_447] : memref<6x128x128xf32, #tpu.memory_space<vmem>> -> memref<1x128x128xf32, #tpu.memory_space<vmem>>
    %dma_wait3A_449 = tpu.memref_squeeze %dma_wait3A_448 : memref<1x128x128xf32, #tpu.memory_space<vmem>> -> memref<128x128xf32, #tpu.memory_space<vmem>>
    %dma_wait3A_450 = arith.constant 1024 : i32
    %dma_wait3A_451 = tpu.memref_slice %arg5[%dma_wait3A_450] : memref<3072xi32, #tpu.memory_space<vmem>> -> memref<128xi32, #tpu.memory_space<vmem>>
    %dma_wait3A_452 = arith.constant 0 : i32
    %dma_wait3A_453 = arith.constant 0 : i32
    %dma_wait3A_454 = tpu.memref_slice %arg2[%dma_wait3A_452, %dma_wait3A_453] : memref<1000000x128xf32, #tpu.memory_space<hbm>> -> memref<1000000x128xf32, #tpu.memory_space<hbm>>
    tpu.wait_indirect_dma semaphore(%arg12 : memref<!tpu.dma_semaphore, #tpu.memory_space<semaphore_mem>>) src(%dma_wait3A_454 : memref<1000000x128xf32, #tpu.memory_space<hbm>>) dst(%dma_wait3A_449 : memref<128x128xf32, #tpu.memory_space<vmem>>)
    %add3A_455 = arith.constant 1024 : i32
    %add3A_456 = arith.addi %mul3A_2, %add3A_455 : i32
    %dma_start3A_457 = arith.constant 2 : i32
    %dma_start3A_458 = arith.constant 0 : i32
    %dma_start3A_459 = arith.constant 0 : i32
    %dma_start3A_460 = tpu.memref_slice %arg6[%dma_start3A_457, %dma_start3A_458, %dma_start3A_459] : memref<6x128x128xf32, #tpu.memory_space<vmem>> -> memref<1x128x64xf32, #tpu.memory_space<vmem>>
    %dma_start3A_461 = tpu.memref_squeeze %dma_start3A_460 : memref<1x128x64xf32, #tpu.memory_space<vmem>> -> memref<128x64xf32, #tpu.memory_space<vmem>>
    %dma_start3A_462 = arith.constant 0 : i32
    %dma_start3A_463 = tpu.memref_slice %arg4[%add3A_456, %dma_start3A_462] : memref<100000x64xf32, #tpu.memory_space<hbm>> -> memref<128x64xf32, #tpu.memory_space<hbm>>
    %dma_start3A_464 = arith.constant 0 : i32
    %dma_start3A_465 = tpu.memref_slice %arg4[%add3A_456, %dma_start3A_464] : memref<100000x64xf32, #tpu.memory_space<hbm>> -> memref<128x64xf32, #tpu.memory_space<hbm>>
    %dma_start3A_466 = arith.constant 0 : i32
    %dma_start3A_467 = arith.constant 0 : i32
    %dma_start3A_468 = tpu.memref_slice %arg6[%dma_start3A_457, %dma_start3A_466, %dma_start3A_467] : memref<6x128x128xf32, #tpu.memory_space<vmem>> -> memref<1x128x64xf32, #tpu.memory_space<vmem>>
    %dma_start3A_469 = tpu.memref_squeeze %dma_start3A_468 : memref<1x128x64xf32, #tpu.memory_space<vmem>> -> memref<128x64xf32, #tpu.memory_space<vmem>>
    tpu.enqueue_dma source(%dma_start3A_469 : memref<128x64xf32, #tpu.memory_space<vmem>>) target(%dma_start3A_465 : memref<128x64xf32, #tpu.memory_space<hbm>>) target_semaphore(%arg18 : memref<!tpu.dma_semaphore, #tpu.memory_space<semaphore_mem>>)
    %dma_wait3A_470 = arith.constant 2 : i32
    %dma_wait3A_471 = arith.constant 0 : i32
    %dma_wait3A_472 = arith.constant 0 : i32
    %dma_wait3A_473 = tpu.memref_slice %arg6[%dma_wait3A_470, %dma_wait3A_471, %dma_wait3A_472] : memref<6x128x128xf32, #tpu.memory_space<vmem>> -> memref<1x128x64xf32, #tpu.memory_space<vmem>>
    %dma_wait3A_474 = tpu.memref_squeeze %dma_wait3A_473 : memref<1x128x64xf32, #tpu.memory_space<vmem>> -> memref<128x64xf32, #tpu.memory_space<vmem>>
    %dma_wait3A_475 = arith.constant 0 : i32
    %dma_wait3A_476 = tpu.memref_slice %arg4[%add3A_456, %dma_wait3A_475] : memref<100000x64xf32, #tpu.memory_space<hbm>> -> memref<128x64xf32, #tpu.memory_space<hbm>>
    %dma_wait3A_477 = arith.constant 0 : i32
    %dma_wait3A_478 = tpu.memref_slice %arg4[%add3A_456, %dma_wait3A_477] : memref<100000x64xf32, #tpu.memory_space<hbm>> -> memref<128x64xf32, #tpu.memory_space<hbm>>
    %dma_wait3A_479 = arith.constant 0 : i32
    %dma_wait3A_480 = arith.constant 0 : i32
    %dma_wait3A_481 = tpu.memref_slice %arg6[%dma_wait3A_470, %dma_wait3A_479, %dma_wait3A_480] : memref<6x128x128xf32, #tpu.memory_space<vmem>> -> memref<1x128x64xf32, #tpu.memory_space<vmem>>
    %dma_wait3A_482 = tpu.memref_squeeze %dma_wait3A_481 : memref<1x128x64xf32, #tpu.memory_space<vmem>> -> memref<128x64xf32, #tpu.memory_space<vmem>>
    tpu.wait_dma2 semaphore(%arg18 : memref<!tpu.dma_semaphore, #tpu.memory_space<semaphore_mem>>) src(%dma_wait3A_482 : memref<128x64xf32, #tpu.memory_space<vmem>>) dst(%dma_wait3A_478 : memref<128x64xf32, #tpu.memory_space<hbm>>)
    %dma_start3A_483 = arith.constant 2 : i32
    %dma_start3A_484 = arith.constant 0 : i32
    %dma_start3A_485 = arith.constant 0 : i32
    %dma_start3A_486 = tpu.memref_slice %arg6[%dma_start3A_483, %dma_start3A_484, %dma_start3A_485] : memref<6x128x128xf32, #tpu.memory_space<vmem>> -> memref<1x128x128xf32, #tpu.memory_space<vmem>>
    %dma_start3A_487 = tpu.memref_squeeze %dma_start3A_486 : memref<1x128x128xf32, #tpu.memory_space<vmem>> -> memref<128x128xf32, #tpu.memory_space<vmem>>
    %dma_start3A_488 = arith.constant 1792 : i32
    %dma_start3A_489 = tpu.memref_slice %arg5[%dma_start3A_488] : memref<3072xi32, #tpu.memory_space<vmem>> -> memref<128xi32, #tpu.memory_space<vmem>>
    %dma_start3A_490 = arith.constant 0 : i32
    %dma_start3A_491 = arith.constant 0 : i32
    %dma_start3A_492 = tpu.memref_slice %arg2[%dma_start3A_490, %dma_start3A_491] : memref<1000000x128xf32, #tpu.memory_space<hbm>> -> memref<1000000x128xf32, #tpu.memory_space<hbm>>
    tpu.enqueue_indirect_dma source(%dma_start3A_492 : memref<1000000x128xf32, #tpu.memory_space<hbm>>) target(%dma_start3A_487 : memref<128x128xf32, #tpu.memory_space<vmem>>) offsets(%dma_start3A_489 : memref<128xi32, #tpu.memory_space<vmem>>) semaphore(%arg12 : memref<!tpu.dma_semaphore, #tpu.memory_space<semaphore_mem>>)
    %dma_wait3A_493 = arith.constant 3 : i32
    %dma_wait3A_494 = arith.constant 0 : i32
    %dma_wait3A_495 = arith.constant 0 : i32
    %dma_wait3A_496 = tpu.memref_slice %arg6[%dma_wait3A_493, %dma_wait3A_494, %dma_wait3A_495] : memref<6x128x128xf32, #tpu.memory_space<vmem>> -> memref<1x128x128xf32, #tpu.memory_space<vmem>>
    %dma_wait3A_497 = tpu.memref_squeeze %dma_wait3A_496 : memref<1x128x128xf32, #tpu.memory_space<vmem>> -> memref<128x128xf32, #tpu.memory_space<vmem>>
    %dma_wait3A_498 = arith.constant 1152 : i32
    %dma_wait3A_499 = tpu.memref_slice %arg5[%dma_wait3A_498] : memref<3072xi32, #tpu.memory_space<vmem>> -> memref<128xi32, #tpu.memory_space<vmem>>
    %dma_wait3A_500 = arith.constant 0 : i32
    %dma_wait3A_501 = arith.constant 0 : i32
    %dma_wait3A_502 = tpu.memref_slice %arg2[%dma_wait3A_500, %dma_wait3A_501] : memref<1000000x128xf32, #tpu.memory_space<hbm>> -> memref<1000000x128xf32, #tpu.memory_space<hbm>>
    tpu.wait_indirect_dma semaphore(%arg13 : memref<!tpu.dma_semaphore, #tpu.memory_space<semaphore_mem>>) src(%dma_wait3A_502 : memref<1000000x128xf32, #tpu.memory_space<hbm>>) dst(%dma_wait3A_497 : memref<128x128xf32, #tpu.memory_space<vmem>>)
    %add3A_503 = arith.constant 1152 : i32
    %add3A_504 = arith.addi %mul3A_2, %add3A_503 : i32
    %dma_start3A_505 = arith.constant 3 : i32
    %dma_start3A_506 = arith.constant 0 : i32
    %dma_start3A_507 = arith.constant 0 : i32
    %dma_start3A_508 = tpu.memref_slice %arg6[%dma_start3A_505, %dma_start3A_506, %dma_start3A_507] : memref<6x128x128xf32, #tpu.memory_space<vmem>> -> memref<1x128x64xf32, #tpu.memory_space<vmem>>
    %dma_start3A_509 = tpu.memref_squeeze %dma_start3A_508 : memref<1x128x64xf32, #tpu.memory_space<vmem>> -> memref<128x64xf32, #tpu.memory_space<vmem>>
    %dma_start3A_510 = arith.constant 0 : i32
    %dma_start3A_511 = tpu.memref_slice %arg4[%add3A_504, %dma_start3A_510] : memref<100000x64xf32, #tpu.memory_space<hbm>> -> memref<128x64xf32, #tpu.memory_space<hbm>>
    %dma_start3A_512 = arith.constant 0 : i32
    %dma_start3A_513 = tpu.memref_slice %arg4[%add3A_504, %dma_start3A_512] : memref<100000x64xf32, #tpu.memory_space<hbm>> -> memref<128x64xf32, #tpu.memory_space<hbm>>
    %dma_start3A_514 = arith.constant 0 : i32
    %dma_start3A_515 = arith.constant 0 : i32
    %dma_start3A_516 = tpu.memref_slice %arg6[%dma_start3A_505, %dma_start3A_514, %dma_start3A_515] : memref<6x128x128xf32, #tpu.memory_space<vmem>> -> memref<1x128x64xf32, #tpu.memory_space<vmem>>
    %dma_start3A_517 = tpu.memref_squeeze %dma_start3A_516 : memref<1x128x64xf32, #tpu.memory_space<vmem>> -> memref<128x64xf32, #tpu.memory_space<vmem>>
    tpu.enqueue_dma source(%dma_start3A_517 : memref<128x64xf32, #tpu.memory_space<vmem>>) target(%dma_start3A_513 : memref<128x64xf32, #tpu.memory_space<hbm>>) target_semaphore(%arg19 : memref<!tpu.dma_semaphore, #tpu.memory_space<semaphore_mem>>)
    %dma_wait3A_518 = arith.constant 3 : i32
    %dma_wait3A_519 = arith.constant 0 : i32
    %dma_wait3A_520 = arith.constant 0 : i32
    %dma_wait3A_521 = tpu.memref_slice %arg6[%dma_wait3A_518, %dma_wait3A_519, %dma_wait3A_520] : memref<6x128x128xf32, #tpu.memory_space<vmem>> -> memref<1x128x64xf32, #tpu.memory_space<vmem>>
    %dma_wait3A_522 = tpu.memref_squeeze %dma_wait3A_521 : memref<1x128x64xf32, #tpu.memory_space<vmem>> -> memref<128x64xf32, #tpu.memory_space<vmem>>
    %dma_wait3A_523 = arith.constant 0 : i32
    %dma_wait3A_524 = tpu.memref_slice %arg4[%add3A_504, %dma_wait3A_523] : memref<100000x64xf32, #tpu.memory_space<hbm>> -> memref<128x64xf32, #tpu.memory_space<hbm>>
    %dma_wait3A_525 = arith.constant 0 : i32
    %dma_wait3A_526 = tpu.memref_slice %arg4[%add3A_504, %dma_wait3A_525] : memref<100000x64xf32, #tpu.memory_space<hbm>> -> memref<128x64xf32, #tpu.memory_space<hbm>>
    %dma_wait3A_527 = arith.constant 0 : i32
    %dma_wait3A_528 = arith.constant 0 : i32
    %dma_wait3A_529 = tpu.memref_slice %arg6[%dma_wait3A_518, %dma_wait3A_527, %dma_wait3A_528] : memref<6x128x128xf32, #tpu.memory_space<vmem>> -> memref<1x128x64xf32, #tpu.memory_space<vmem>>
    %dma_wait3A_530 = tpu.memref_squeeze %dma_wait3A_529 : memref<1x128x64xf32, #tpu.memory_space<vmem>> -> memref<128x64xf32, #tpu.memory_space<vmem>>
    tpu.wait_dma2 semaphore(%arg19 : memref<!tpu.dma_semaphore, #tpu.memory_space<semaphore_mem>>) src(%dma_wait3A_530 : memref<128x64xf32, #tpu.memory_space<vmem>>) dst(%dma_wait3A_526 : memref<128x64xf32, #tpu.memory_space<hbm>>)
    %dma_start3A_531 = arith.constant 3 : i32
    %dma_start3A_532 = arith.constant 0 : i32
    %dma_start3A_533 = arith.constant 0 : i32
    %dma_start3A_534 = tpu.memref_slice %arg6[%dma_start3A_531, %dma_start3A_532, %dma_start3A_533] : memref<6x128x128xf32, #tpu.memory_space<vmem>> -> memref<1x128x128xf32, #tpu.memory_space<vmem>>
    %dma_start3A_535 = tpu.memref_squeeze %dma_start3A_534 : memref<1x128x128xf32, #tpu.memory_space<vmem>> -> memref<128x128xf32, #tpu.memory_space<vmem>>
    %dma_start3A_536 = arith.constant 1920 : i32
    %dma_start3A_537 = tpu.memref_slice %arg5[%dma_start3A_536] : memref<3072xi32, #tpu.memory_space<vmem>> -> memref<128xi32, #tpu.memory_space<vmem>>
    %dma_start3A_538 = arith.constant 0 : i32
    %dma_start3A_539 = arith.constant 0 : i32
    %dma_start3A_540 = tpu.memref_slice %arg2[%dma_start3A_538, %dma_start3A_539] : memref<1000000x128xf32, #tpu.memory_space<hbm>> -> memref<1000000x128xf32, #tpu.memory_space<hbm>>
    tpu.enqueue_indirect_dma source(%dma_start3A_540 : memref<1000000x128xf32, #tpu.memory_space<hbm>>) target(%dma_start3A_535 : memref<128x128xf32, #tpu.memory_space<vmem>>) offsets(%dma_start3A_537 : memref<128xi32, #tpu.memory_space<vmem>>) semaphore(%arg13 : memref<!tpu.dma_semaphore, #tpu.memory_space<semaphore_mem>>)
    %dma_wait3A_541 = arith.constant 4 : i32
    %dma_wait3A_542 = arith.constant 0 : i32
    %dma_wait3A_543 = arith.constant 0 : i32
    %dma_wait3A_544 = tpu.memref_slice %arg6[%dma_wait3A_541, %dma_wait3A_542, %dma_wait3A_543] : memref<6x128x128xf32, #tpu.memory_space<vmem>> -> memref<1x128x128xf32, #tpu.memory_space<vmem>>
    %dma_wait3A_545 = tpu.memref_squeeze %dma_wait3A_544 : memref<1x128x128xf32, #tpu.memory_space<vmem>> -> memref<128x128xf32, #tpu.memory_space<vmem>>
    %dma_wait3A_546 = arith.constant 1280 : i32
    %dma_wait3A_547 = tpu.memref_slice %arg5[%dma_wait3A_546] : memref<3072xi32, #tpu.memory_space<vmem>> -> memref<128xi32, #tpu.memory_space<vmem>>
    %dma_wait3A_548 = arith.constant 0 : i32
    %dma_wait3A_549 = arith.constant 0 : i32
    %dma_wait3A_550 = tpu.memref_slice %arg2[%dma_wait3A_548, %dma_wait3A_549] : memref<1000000x128xf32, #tpu.memory_space<hbm>> -> memref<1000000x128xf32, #tpu.memory_space<hbm>>
    tpu.wait_indirect_dma semaphore(%arg14 : memref<!tpu.dma_semaphore, #tpu.memory_space<semaphore_mem>>) src(%dma_wait3A_550 : memref<1000000x128xf32, #tpu.memory_space<hbm>>) dst(%dma_wait3A_545 : memref<128x128xf32, #tpu.memory_space<vmem>>)
    %add3A_551 = arith.constant 1280 : i32
    %add3A_552 = arith.addi %mul3A_2, %add3A_551 : i32
    %dma_start3A_553 = arith.constant 4 : i32
    %dma_start3A_554 = arith.constant 0 : i32
    %dma_start3A_555 = arith.constant 0 : i32
    %dma_start3A_556 = tpu.memref_slice %arg6[%dma_start3A_553, %dma_start3A_554, %dma_start3A_555] : memref<6x128x128xf32, #tpu.memory_space<vmem>> -> memref<1x128x64xf32, #tpu.memory_space<vmem>>
    %dma_start3A_557 = tpu.memref_squeeze %dma_start3A_556 : memref<1x128x64xf32, #tpu.memory_space<vmem>> -> memref<128x64xf32, #tpu.memory_space<vmem>>
    %dma_start3A_558 = arith.constant 0 : i32
    %dma_start3A_559 = tpu.memref_slice %arg4[%add3A_552, %dma_start3A_558] : memref<100000x64xf32, #tpu.memory_space<hbm>> -> memref<128x64xf32, #tpu.memory_space<hbm>>
    %dma_start3A_560 = arith.constant 0 : i32
    %dma_start3A_561 = tpu.memref_slice %arg4[%add3A_552, %dma_start3A_560] : memref<100000x64xf32, #tpu.memory_space<hbm>> -> memref<128x64xf32, #tpu.memory_space<hbm>>
    %dma_start3A_562 = arith.constant 0 : i32
    %dma_start3A_563 = arith.constant 0 : i32
    %dma_start3A_564 = tpu.memref_slice %arg6[%dma_start3A_553, %dma_start3A_562, %dma_start3A_563] : memref<6x128x128xf32, #tpu.memory_space<vmem>> -> memref<1x128x64xf32, #tpu.memory_space<vmem>>
    %dma_start3A_565 = tpu.memref_squeeze %dma_start3A_564 : memref<1x128x64xf32, #tpu.memory_space<vmem>> -> memref<128x64xf32, #tpu.memory_space<vmem>>
    tpu.enqueue_dma source(%dma_start3A_565 : memref<128x64xf32, #tpu.memory_space<vmem>>) target(%dma_start3A_561 : memref<128x64xf32, #tpu.memory_space<hbm>>) target_semaphore(%arg20 : memref<!tpu.dma_semaphore, #tpu.memory_space<semaphore_mem>>)
    %dma_wait3A_566 = arith.constant 4 : i32
    %dma_wait3A_567 = arith.constant 0 : i32
    %dma_wait3A_568 = arith.constant 0 : i32
    %dma_wait3A_569 = tpu.memref_slice %arg6[%dma_wait3A_566, %dma_wait3A_567, %dma_wait3A_568] : memref<6x128x128xf32, #tpu.memory_space<vmem>> -> memref<1x128x64xf32, #tpu.memory_space<vmem>>
    %dma_wait3A_570 = tpu.memref_squeeze %dma_wait3A_569 : memref<1x128x64xf32, #tpu.memory_space<vmem>> -> memref<128x64xf32, #tpu.memory_space<vmem>>
    %dma_wait3A_571 = arith.constant 0 : i32
    %dma_wait3A_572 = tpu.memref_slice %arg4[%add3A_552, %dma_wait3A_571] : memref<100000x64xf32, #tpu.memory_space<hbm>> -> memref<128x64xf32, #tpu.memory_space<hbm>>
    %dma_wait3A_573 = arith.constant 0 : i32
    %dma_wait3A_574 = tpu.memref_slice %arg4[%add3A_552, %dma_wait3A_573] : memref<100000x64xf32, #tpu.memory_space<hbm>> -> memref<128x64xf32, #tpu.memory_space<hbm>>
    %dma_wait3A_575 = arith.constant 0 : i32
    %dma_wait3A_576 = arith.constant 0 : i32
    %dma_wait3A_577 = tpu.memref_slice %arg6[%dma_wait3A_566, %dma_wait3A_575, %dma_wait3A_576] : memref<6x128x128xf32, #tpu.memory_space<vmem>> -> memref<1x128x64xf32, #tpu.memory_space<vmem>>
    %dma_wait3A_578 = tpu.memref_squeeze %dma_wait3A_577 : memref<1x128x64xf32, #tpu.memory_space<vmem>> -> memref<128x64xf32, #tpu.memory_space<vmem>>
    tpu.wait_dma2 semaphore(%arg20 : memref<!tpu.dma_semaphore, #tpu.memory_space<semaphore_mem>>) src(%dma_wait3A_578 : memref<128x64xf32, #tpu.memory_space<vmem>>) dst(%dma_wait3A_574 : memref<128x64xf32, #tpu.memory_space<hbm>>)
    %dma_start3A_579 = arith.constant 4 : i32
    %dma_start3A_580 = arith.constant 0 : i32
    %dma_start3A_581 = arith.constant 0 : i32
    %dma_start3A_582 = tpu.memref_slice %arg6[%dma_start3A_579, %dma_start3A_580, %dma_start3A_581] : memref<6x128x128xf32, #tpu.memory_space<vmem>> -> memref<1x128x128xf32, #tpu.memory_space<vmem>>
    %dma_start3A_583 = tpu.memref_squeeze %dma_start3A_582 : memref<1x128x128xf32, #tpu.memory_space<vmem>> -> memref<128x128xf32, #tpu.memory_space<vmem>>
    %dma_start3A_584 = arith.constant 2048 : i32
    %dma_start3A_585 = tpu.memref_slice %arg5[%dma_start3A_584] : memref<3072xi32, #tpu.memory_space<vmem>> -> memref<128xi32, #tpu.memory_space<vmem>>
    %dma_start3A_586 = arith.constant 0 : i32
    %dma_start3A_587 = arith.constant 0 : i32
    %dma_start3A_588 = tpu.memref_slice %arg2[%dma_start3A_586, %dma_start3A_587] : memref<1000000x128xf32, #tpu.memory_space<hbm>> -> memref<1000000x128xf32, #tpu.memory_space<hbm>>
    tpu.enqueue_indirect_dma source(%dma_start3A_588 : memref<1000000x128xf32, #tpu.memory_space<hbm>>) target(%dma_start3A_583 : memref<128x128xf32, #tpu.memory_space<vmem>>) offsets(%dma_start3A_585 : memref<128xi32, #tpu.memory_space<vmem>>) semaphore(%arg14 : memref<!tpu.dma_semaphore, #tpu.memory_space<semaphore_mem>>)
    %dma_wait3A_589 = arith.constant 5 : i32
    %dma_wait3A_590 = arith.constant 0 : i32
    %dma_wait3A_591 = arith.constant 0 : i32
    %dma_wait3A_592 = tpu.memref_slice %arg6[%dma_wait3A_589, %dma_wait3A_590, %dma_wait3A_591] : memref<6x128x128xf32, #tpu.memory_space<vmem>> -> memref<1x128x128xf32, #tpu.memory_space<vmem>>
    %dma_wait3A_593 = tpu.memref_squeeze %dma_wait3A_592 : memref<1x128x128xf32, #tpu.memory_space<vmem>> -> memref<128x128xf32, #tpu.memory_space<vmem>>
    %dma_wait3A_594 = arith.constant 1408 : i32
    %dma_wait3A_595 = tpu.memref_slice %arg5[%dma_wait3A_594] : memref<3072xi32, #tpu.memory_space<vmem>> -> memref<128xi32, #tpu.memory_space<vmem>>
    %dma_wait3A_596 = arith.constant 0 : i32
    %dma_wait3A_597 = arith.constant 0 : i32
    %dma_wait3A_598 = tpu.memref_slice %arg2[%dma_wait3A_596, %dma_wait3A_597] : memref<1000000x128xf32, #tpu.memory_space<hbm>> -> memref<1000000x128xf32, #tpu.memory_space<hbm>>
    tpu.wait_indirect_dma semaphore(%arg15 : memref<!tpu.dma_semaphore, #tpu.memory_space<semaphore_mem>>) src(%dma_wait3A_598 : memref<1000000x128xf32, #tpu.memory_space<hbm>>) dst(%dma_wait3A_593 : memref<128x128xf32, #tpu.memory_space<vmem>>)
    %add3A_599 = arith.constant 1408 : i32
    %add3A_600 = arith.addi %mul3A_2, %add3A_599 : i32
    %dma_start3A_601 = arith.constant 5 : i32
    %dma_start3A_602 = arith.constant 0 : i32
    %dma_start3A_603 = arith.constant 0 : i32
    %dma_start3A_604 = tpu.memref_slice %arg6[%dma_start3A_601, %dma_start3A_602, %dma_start3A_603] : memref<6x128x128xf32, #tpu.memory_space<vmem>> -> memref<1x128x64xf32, #tpu.memory_space<vmem>>
    %dma_start3A_605 = tpu.memref_squeeze %dma_start3A_604 : memref<1x128x64xf32, #tpu.memory_space<vmem>> -> memref<128x64xf32, #tpu.memory_space<vmem>>
    %dma_start3A_606 = arith.constant 0 : i32
    %dma_start3A_607 = tpu.memref_slice %arg4[%add3A_600, %dma_start3A_606] : memref<100000x64xf32, #tpu.memory_space<hbm>> -> memref<128x64xf32, #tpu.memory_space<hbm>>
    %dma_start3A_608 = arith.constant 0 : i32
    %dma_start3A_609 = tpu.memref_slice %arg4[%add3A_600, %dma_start3A_608] : memref<100000x64xf32, #tpu.memory_space<hbm>> -> memref<128x64xf32, #tpu.memory_space<hbm>>
    %dma_start3A_610 = arith.constant 0 : i32
    %dma_start3A_611 = arith.constant 0 : i32
    %dma_start3A_612 = tpu.memref_slice %arg6[%dma_start3A_601, %dma_start3A_610, %dma_start3A_611] : memref<6x128x128xf32, #tpu.memory_space<vmem>> -> memref<1x128x64xf32, #tpu.memory_space<vmem>>
    %dma_start3A_613 = tpu.memref_squeeze %dma_start3A_612 : memref<1x128x64xf32, #tpu.memory_space<vmem>> -> memref<128x64xf32, #tpu.memory_space<vmem>>
    tpu.enqueue_dma source(%dma_start3A_613 : memref<128x64xf32, #tpu.memory_space<vmem>>) target(%dma_start3A_609 : memref<128x64xf32, #tpu.memory_space<hbm>>) target_semaphore(%arg21 : memref<!tpu.dma_semaphore, #tpu.memory_space<semaphore_mem>>)
    %dma_wait3A_614 = arith.constant 5 : i32
    %dma_wait3A_615 = arith.constant 0 : i32
    %dma_wait3A_616 = arith.constant 0 : i32
    %dma_wait3A_617 = tpu.memref_slice %arg6[%dma_wait3A_614, %dma_wait3A_615, %dma_wait3A_616] : memref<6x128x128xf32, #tpu.memory_space<vmem>> -> memref<1x128x64xf32, #tpu.memory_space<vmem>>
    %dma_wait3A_618 = tpu.memref_squeeze %dma_wait3A_617 : memref<1x128x64xf32, #tpu.memory_space<vmem>> -> memref<128x64xf32, #tpu.memory_space<vmem>>
    %dma_wait3A_619 = arith.constant 0 : i32
    %dma_wait3A_620 = tpu.memref_slice %arg4[%add3A_600, %dma_wait3A_619] : memref<100000x64xf32, #tpu.memory_space<hbm>> -> memref<128x64xf32, #tpu.memory_space<hbm>>
    %dma_wait3A_621 = arith.constant 0 : i32
    %dma_wait3A_622 = tpu.memref_slice %arg4[%add3A_600, %dma_wait3A_621] : memref<100000x64xf32, #tpu.memory_space<hbm>> -> memref<128x64xf32, #tpu.memory_space<hbm>>
    %dma_wait3A_623 = arith.constant 0 : i32
    %dma_wait3A_624 = arith.constant 0 : i32
    %dma_wait3A_625 = tpu.memref_slice %arg6[%dma_wait3A_614, %dma_wait3A_623, %dma_wait3A_624] : memref<6x128x128xf32, #tpu.memory_space<vmem>> -> memref<1x128x64xf32, #tpu.memory_space<vmem>>
    %dma_wait3A_626 = tpu.memref_squeeze %dma_wait3A_625 : memref<1x128x64xf32, #tpu.memory_space<vmem>> -> memref<128x64xf32, #tpu.memory_space<vmem>>
    tpu.wait_dma2 semaphore(%arg21 : memref<!tpu.dma_semaphore, #tpu.memory_space<semaphore_mem>>) src(%dma_wait3A_626 : memref<128x64xf32, #tpu.memory_space<vmem>>) dst(%dma_wait3A_622 : memref<128x64xf32, #tpu.memory_space<hbm>>)
    %dma_start3A_627 = arith.constant 5 : i32
    %dma_start3A_628 = arith.constant 0 : i32
    %dma_start3A_629 = arith.constant 0 : i32
    %dma_start3A_630 = tpu.memref_slice %arg6[%dma_start3A_627, %dma_start3A_628, %dma_start3A_629] : memref<6x128x128xf32, #tpu.memory_space<vmem>> -> memref<1x128x128xf32, #tpu.memory_space<vmem>>
    %dma_start3A_631 = tpu.memref_squeeze %dma_start3A_630 : memref<1x128x128xf32, #tpu.memory_space<vmem>> -> memref<128x128xf32, #tpu.memory_space<vmem>>
    %dma_start3A_632 = arith.constant 2176 : i32
    %dma_start3A_633 = tpu.memref_slice %arg5[%dma_start3A_632] : memref<3072xi32, #tpu.memory_space<vmem>> -> memref<128xi32, #tpu.memory_space<vmem>>
    %dma_start3A_634 = arith.constant 0 : i32
    %dma_start3A_635 = arith.constant 0 : i32
    %dma_start3A_636 = tpu.memref_slice %arg2[%dma_start3A_634, %dma_start3A_635] : memref<1000000x128xf32, #tpu.memory_space<hbm>> -> memref<1000000x128xf32, #tpu.memory_space<hbm>>
    tpu.enqueue_indirect_dma source(%dma_start3A_636 : memref<1000000x128xf32, #tpu.memory_space<hbm>>) target(%dma_start3A_631 : memref<128x128xf32, #tpu.memory_space<vmem>>) offsets(%dma_start3A_633 : memref<128xi32, #tpu.memory_space<vmem>>) semaphore(%arg15 : memref<!tpu.dma_semaphore, #tpu.memory_space<semaphore_mem>>)
    %dma_wait3A_637 = arith.constant 0 : i32
    %dma_wait3A_638 = arith.constant 0 : i32
    %dma_wait3A_639 = arith.constant 0 : i32
    %dma_wait3A_640 = tpu.memref_slice %arg6[%dma_wait3A_637, %dma_wait3A_638, %dma_wait3A_639] : memref<6x128x128xf32, #tpu.memory_space<vmem>> -> memref<1x128x128xf32, #tpu.memory_space<vmem>>
    %dma_wait3A_641 = tpu.memref_squeeze %dma_wait3A_640 : memref<1x128x128xf32, #tpu.memory_space<vmem>> -> memref<128x128xf32, #tpu.memory_space<vmem>>
    %dma_wait3A_642 = arith.constant 1536 : i32
    %dma_wait3A_643 = tpu.memref_slice %arg5[%dma_wait3A_642] : memref<3072xi32, #tpu.memory_space<vmem>> -> memref<128xi32, #tpu.memory_space<vmem>>
    %dma_wait3A_644 = arith.constant 0 : i32
    %dma_wait3A_645 = arith.constant 0 : i32
    %dma_wait3A_646 = tpu.memref_slice %arg2[%dma_wait3A_644, %dma_wait3A_645] : memref<1000000x128xf32, #tpu.memory_space<hbm>> -> memref<1000000x128xf32, #tpu.memory_space<hbm>>
    tpu.wait_indirect_dma semaphore(%arg10 : memref<!tpu.dma_semaphore, #tpu.memory_space<semaphore_mem>>) src(%dma_wait3A_646 : memref<1000000x128xf32, #tpu.memory_space<hbm>>) dst(%dma_wait3A_641 : memref<128x128xf32, #tpu.memory_space<vmem>>)
    %add3A_647 = arith.constant 1536 : i32
    %add3A_648 = arith.addi %mul3A_2, %add3A_647 : i32
    %dma_start3A_649 = arith.constant 0 : i32
    %dma_start3A_650 = arith.constant 0 : i32
    %dma_start3A_651 = arith.constant 0 : i32
    %dma_start3A_652 = tpu.memref_slice %arg6[%dma_start3A_649, %dma_start3A_650, %dma_start3A_651] : memref<6x128x128xf32, #tpu.memory_space<vmem>> -> memref<1x128x64xf32, #tpu.memory_space<vmem>>
    %dma_start3A_653 = tpu.memref_squeeze %dma_start3A_652 : memref<1x128x64xf32, #tpu.memory_space<vmem>> -> memref<128x64xf32, #tpu.memory_space<vmem>>
    %dma_start3A_654 = arith.constant 0 : i32
    %dma_start3A_655 = tpu.memref_slice %arg4[%add3A_648, %dma_start3A_654] : memref<100000x64xf32, #tpu.memory_space<hbm>> -> memref<128x64xf32, #tpu.memory_space<hbm>>
    %dma_start3A_656 = arith.constant 0 : i32
    %dma_start3A_657 = tpu.memref_slice %arg4[%add3A_648, %dma_start3A_656] : memref<100000x64xf32, #tpu.memory_space<hbm>> -> memref<128x64xf32, #tpu.memory_space<hbm>>
    %dma_start3A_658 = arith.constant 0 : i32
    %dma_start3A_659 = arith.constant 0 : i32
    %dma_start3A_660 = tpu.memref_slice %arg6[%dma_start3A_649, %dma_start3A_658, %dma_start3A_659] : memref<6x128x128xf32, #tpu.memory_space<vmem>> -> memref<1x128x64xf32, #tpu.memory_space<vmem>>
    %dma_start3A_661 = tpu.memref_squeeze %dma_start3A_660 : memref<1x128x64xf32, #tpu.memory_space<vmem>> -> memref<128x64xf32, #tpu.memory_space<vmem>>
    tpu.enqueue_dma source(%dma_start3A_661 : memref<128x64xf32, #tpu.memory_space<vmem>>) target(%dma_start3A_657 : memref<128x64xf32, #tpu.memory_space<hbm>>) target_semaphore(%arg16 : memref<!tpu.dma_semaphore, #tpu.memory_space<semaphore_mem>>)
    %dma_wait3A_662 = arith.constant 0 : i32
    %dma_wait3A_663 = arith.constant 0 : i32
    %dma_wait3A_664 = arith.constant 0 : i32
    %dma_wait3A_665 = tpu.memref_slice %arg6[%dma_wait3A_662, %dma_wait3A_663, %dma_wait3A_664] : memref<6x128x128xf32, #tpu.memory_space<vmem>> -> memref<1x128x64xf32, #tpu.memory_space<vmem>>
    %dma_wait3A_666 = tpu.memref_squeeze %dma_wait3A_665 : memref<1x128x64xf32, #tpu.memory_space<vmem>> -> memref<128x64xf32, #tpu.memory_space<vmem>>
    %dma_wait3A_667 = arith.constant 0 : i32
    %dma_wait3A_668 = tpu.memref_slice %arg4[%add3A_648, %dma_wait3A_667] : memref<100000x64xf32, #tpu.memory_space<hbm>> -> memref<128x64xf32, #tpu.memory_space<hbm>>
    %dma_wait3A_669 = arith.constant 0 : i32
    %dma_wait3A_670 = tpu.memref_slice %arg4[%add3A_648, %dma_wait3A_669] : memref<100000x64xf32, #tpu.memory_space<hbm>> -> memref<128x64xf32, #tpu.memory_space<hbm>>
    %dma_wait3A_671 = arith.constant 0 : i32
    %dma_wait3A_672 = arith.constant 0 : i32
    %dma_wait3A_673 = tpu.memref_slice %arg6[%dma_wait3A_662, %dma_wait3A_671, %dma_wait3A_672] : memref<6x128x128xf32, #tpu.memory_space<vmem>> -> memref<1x128x64xf32, #tpu.memory_space<vmem>>
    %dma_wait3A_674 = tpu.memref_squeeze %dma_wait3A_673 : memref<1x128x64xf32, #tpu.memory_space<vmem>> -> memref<128x64xf32, #tpu.memory_space<vmem>>
    tpu.wait_dma2 semaphore(%arg16 : memref<!tpu.dma_semaphore, #tpu.memory_space<semaphore_mem>>) src(%dma_wait3A_674 : memref<128x64xf32, #tpu.memory_space<vmem>>) dst(%dma_wait3A_670 : memref<128x64xf32, #tpu.memory_space<hbm>>)
    %dma_start3A_675 = arith.constant 0 : i32
    %dma_start3A_676 = arith.constant 0 : i32
    %dma_start3A_677 = arith.constant 0 : i32
    %dma_start3A_678 = tpu.memref_slice %arg6[%dma_start3A_675, %dma_start3A_676, %dma_start3A_677] : memref<6x128x128xf32, #tpu.memory_space<vmem>> -> memref<1x128x128xf32, #tpu.memory_space<vmem>>
    %dma_start3A_679 = tpu.memref_squeeze %dma_start3A_678 : memref<1x128x128xf32, #tpu.memory_space<vmem>> -> memref<128x128xf32, #tpu.memory_space<vmem>>
    %dma_start3A_680 = arith.constant 2304 : i32
    %dma_start3A_681 = tpu.memref_slice %arg5[%dma_start3A_680] : memref<3072xi32, #tpu.memory_space<vmem>> -> memref<128xi32, #tpu.memory_space<vmem>>
    %dma_start3A_682 = arith.constant 0 : i32
    %dma_start3A_683 = arith.constant 0 : i32
    %dma_start3A_684 = tpu.memref_slice %arg2[%dma_start3A_682, %dma_start3A_683] : memref<1000000x128xf32, #tpu.memory_space<hbm>> -> memref<1000000x128xf32, #tpu.memory_space<hbm>>
    tpu.enqueue_indirect_dma source(%dma_start3A_684 : memref<1000000x128xf32, #tpu.memory_space<hbm>>) target(%dma_start3A_679 : memref<128x128xf32, #tpu.memory_space<vmem>>) offsets(%dma_start3A_681 : memref<128xi32, #tpu.memory_space<vmem>>) semaphore(%arg10 : memref<!tpu.dma_semaphore, #tpu.memory_space<semaphore_mem>>)
    %dma_wait3A_685 = arith.constant 1 : i32
    %dma_wait3A_686 = arith.constant 0 : i32
    %dma_wait3A_687 = arith.constant 0 : i32
    %dma_wait3A_688 = tpu.memref_slice %arg6[%dma_wait3A_685, %dma_wait3A_686, %dma_wait3A_687] : memref<6x128x128xf32, #tpu.memory_space<vmem>> -> memref<1x128x128xf32, #tpu.memory_space<vmem>>
    %dma_wait3A_689 = tpu.memref_squeeze %dma_wait3A_688 : memref<1x128x128xf32, #tpu.memory_space<vmem>> -> memref<128x128xf32, #tpu.memory_space<vmem>>
    %dma_wait3A_690 = arith.constant 1664 : i32
    %dma_wait3A_691 = tpu.memref_slice %arg5[%dma_wait3A_690] : memref<3072xi32, #tpu.memory_space<vmem>> -> memref<128xi32, #tpu.memory_space<vmem>>
    %dma_wait3A_692 = arith.constant 0 : i32
    %dma_wait3A_693 = arith.constant 0 : i32
    %dma_wait3A_694 = tpu.memref_slice %arg2[%dma_wait3A_692, %dma_wait3A_693] : memref<1000000x128xf32, #tpu.memory_space<hbm>> -> memref<1000000x128xf32, #tpu.memory_space<hbm>>
    tpu.wait_indirect_dma semaphore(%arg11 : memref<!tpu.dma_semaphore, #tpu.memory_space<semaphore_mem>>) src(%dma_wait3A_694 : memref<1000000x128xf32, #tpu.memory_space<hbm>>) dst(%dma_wait3A_689 : memref<128x128xf32, #tpu.memory_space<vmem>>)
    %add3A_695 = arith.constant 1664 : i32
    %add3A_696 = arith.addi %mul3A_2, %add3A_695 : i32
    %dma_start3A_697 = arith.constant 1 : i32
    %dma_start3A_698 = arith.constant 0 : i32
    %dma_start3A_699 = arith.constant 0 : i32
    %dma_start3A_700 = tpu.memref_slice %arg6[%dma_start3A_697, %dma_start3A_698, %dma_start3A_699] : memref<6x128x128xf32, #tpu.memory_space<vmem>> -> memref<1x128x64xf32, #tpu.memory_space<vmem>>
    %dma_start3A_701 = tpu.memref_squeeze %dma_start3A_700 : memref<1x128x64xf32, #tpu.memory_space<vmem>> -> memref<128x64xf32, #tpu.memory_space<vmem>>
    %dma_start3A_702 = arith.constant 0 : i32
    %dma_start3A_703 = tpu.memref_slice %arg4[%add3A_696, %dma_start3A_702] : memref<100000x64xf32, #tpu.memory_space<hbm>> -> memref<128x64xf32, #tpu.memory_space<hbm>>
    %dma_start3A_704 = arith.constant 0 : i32
    %dma_start3A_705 = tpu.memref_slice %arg4[%add3A_696, %dma_start3A_704] : memref<100000x64xf32, #tpu.memory_space<hbm>> -> memref<128x64xf32, #tpu.memory_space<hbm>>
    %dma_start3A_706 = arith.constant 0 : i32
    %dma_start3A_707 = arith.constant 0 : i32
    %dma_start3A_708 = tpu.memref_slice %arg6[%dma_start3A_697, %dma_start3A_706, %dma_start3A_707] : memref<6x128x128xf32, #tpu.memory_space<vmem>> -> memref<1x128x64xf32, #tpu.memory_space<vmem>>
    %dma_start3A_709 = tpu.memref_squeeze %dma_start3A_708 : memref<1x128x64xf32, #tpu.memory_space<vmem>> -> memref<128x64xf32, #tpu.memory_space<vmem>>
    tpu.enqueue_dma source(%dma_start3A_709 : memref<128x64xf32, #tpu.memory_space<vmem>>) target(%dma_start3A_705 : memref<128x64xf32, #tpu.memory_space<hbm>>) target_semaphore(%arg17 : memref<!tpu.dma_semaphore, #tpu.memory_space<semaphore_mem>>)
    %dma_wait3A_710 = arith.constant 1 : i32
    %dma_wait3A_711 = arith.constant 0 : i32
    %dma_wait3A_712 = arith.constant 0 : i32
    %dma_wait3A_713 = tpu.memref_slice %arg6[%dma_wait3A_710, %dma_wait3A_711, %dma_wait3A_712] : memref<6x128x128xf32, #tpu.memory_space<vmem>> -> memref<1x128x64xf32, #tpu.memory_space<vmem>>
    %dma_wait3A_714 = tpu.memref_squeeze %dma_wait3A_713 : memref<1x128x64xf32, #tpu.memory_space<vmem>> -> memref<128x64xf32, #tpu.memory_space<vmem>>
    %dma_wait3A_715 = arith.constant 0 : i32
    %dma_wait3A_716 = tpu.memref_slice %arg4[%add3A_696, %dma_wait3A_715] : memref<100000x64xf32, #tpu.memory_space<hbm>> -> memref<128x64xf32, #tpu.memory_space<hbm>>
    %dma_wait3A_717 = arith.constant 0 : i32
    %dma_wait3A_718 = tpu.memref_slice %arg4[%add3A_696, %dma_wait3A_717] : memref<100000x64xf32, #tpu.memory_space<hbm>> -> memref<128x64xf32, #tpu.memory_space<hbm>>
    %dma_wait3A_719 = arith.constant 0 : i32
    %dma_wait3A_720 = arith.constant 0 : i32
    %dma_wait3A_721 = tpu.memref_slice %arg6[%dma_wait3A_710, %dma_wait3A_719, %dma_wait3A_720] : memref<6x128x128xf32, #tpu.memory_space<vmem>> -> memref<1x128x64xf32, #tpu.memory_space<vmem>>
    %dma_wait3A_722 = tpu.memref_squeeze %dma_wait3A_721 : memref<1x128x64xf32, #tpu.memory_space<vmem>> -> memref<128x64xf32, #tpu.memory_space<vmem>>
    tpu.wait_dma2 semaphore(%arg17 : memref<!tpu.dma_semaphore, #tpu.memory_space<semaphore_mem>>) src(%dma_wait3A_722 : memref<128x64xf32, #tpu.memory_space<vmem>>) dst(%dma_wait3A_718 : memref<128x64xf32, #tpu.memory_space<hbm>>)
    %dma_start3A_723 = arith.constant 1 : i32
    %dma_start3A_724 = arith.constant 0 : i32
    %dma_start3A_725 = arith.constant 0 : i32
    %dma_start3A_726 = tpu.memref_slice %arg6[%dma_start3A_723, %dma_start3A_724, %dma_start3A_725] : memref<6x128x128xf32, #tpu.memory_space<vmem>> -> memref<1x128x128xf32, #tpu.memory_space<vmem>>
    %dma_start3A_727 = tpu.memref_squeeze %dma_start3A_726 : memref<1x128x128xf32, #tpu.memory_space<vmem>> -> memref<128x128xf32, #tpu.memory_space<vmem>>
    %dma_start3A_728 = arith.constant 2432 : i32
    %dma_start3A_729 = tpu.memref_slice %arg5[%dma_start3A_728] : memref<3072xi32, #tpu.memory_space<vmem>> -> memref<128xi32, #tpu.memory_space<vmem>>
    %dma_start3A_730 = arith.constant 0 : i32
    %dma_start3A_731 = arith.constant 0 : i32
    %dma_start3A_732 = tpu.memref_slice %arg2[%dma_start3A_730, %dma_start3A_731] : memref<1000000x128xf32, #tpu.memory_space<hbm>> -> memref<1000000x128xf32, #tpu.memory_space<hbm>>
    tpu.enqueue_indirect_dma source(%dma_start3A_732 : memref<1000000x128xf32, #tpu.memory_space<hbm>>) target(%dma_start3A_727 : memref<128x128xf32, #tpu.memory_space<vmem>>) offsets(%dma_start3A_729 : memref<128xi32, #tpu.memory_space<vmem>>) semaphore(%arg11 : memref<!tpu.dma_semaphore, #tpu.memory_space<semaphore_mem>>)
    %dma_wait3A_733 = arith.constant 2 : i32
    %dma_wait3A_734 = arith.constant 0 : i32
    %dma_wait3A_735 = arith.constant 0 : i32
    %dma_wait3A_736 = tpu.memref_slice %arg6[%dma_wait3A_733, %dma_wait3A_734, %dma_wait3A_735] : memref<6x128x128xf32, #tpu.memory_space<vmem>> -> memref<1x128x128xf32, #tpu.memory_space<vmem>>
    %dma_wait3A_737 = tpu.memref_squeeze %dma_wait3A_736 : memref<1x128x128xf32, #tpu.memory_space<vmem>> -> memref<128x128xf32, #tpu.memory_space<vmem>>
    %dma_wait3A_738 = arith.constant 1792 : i32
    %dma_wait3A_739 = tpu.memref_slice %arg5[%dma_wait3A_738] : memref<3072xi32, #tpu.memory_space<vmem>> -> memref<128xi32, #tpu.memory_space<vmem>>
    %dma_wait3A_740 = arith.constant 0 : i32
    %dma_wait3A_741 = arith.constant 0 : i32
    %dma_wait3A_742 = tpu.memref_slice %arg2[%dma_wait3A_740, %dma_wait3A_741] : memref<1000000x128xf32, #tpu.memory_space<hbm>> -> memref<1000000x128xf32, #tpu.memory_space<hbm>>
    tpu.wait_indirect_dma semaphore(%arg12 : memref<!tpu.dma_semaphore, #tpu.memory_space<semaphore_mem>>) src(%dma_wait3A_742 : memref<1000000x128xf32, #tpu.memory_space<hbm>>) dst(%dma_wait3A_737 : memref<128x128xf32, #tpu.memory_space<vmem>>)
    %add3A_743 = arith.constant 1792 : i32
    %add3A_744 = arith.addi %mul3A_2, %add3A_743 : i32
    %dma_start3A_745 = arith.constant 2 : i32
    %dma_start3A_746 = arith.constant 0 : i32
    %dma_start3A_747 = arith.constant 0 : i32
    %dma_start3A_748 = tpu.memref_slice %arg6[%dma_start3A_745, %dma_start3A_746, %dma_start3A_747] : memref<6x128x128xf32, #tpu.memory_space<vmem>> -> memref<1x128x64xf32, #tpu.memory_space<vmem>>
    %dma_start3A_749 = tpu.memref_squeeze %dma_start3A_748 : memref<1x128x64xf32, #tpu.memory_space<vmem>> -> memref<128x64xf32, #tpu.memory_space<vmem>>
    %dma_start3A_750 = arith.constant 0 : i32
    %dma_start3A_751 = tpu.memref_slice %arg4[%add3A_744, %dma_start3A_750] : memref<100000x64xf32, #tpu.memory_space<hbm>> -> memref<128x64xf32, #tpu.memory_space<hbm>>
    %dma_start3A_752 = arith.constant 0 : i32
    %dma_start3A_753 = tpu.memref_slice %arg4[%add3A_744, %dma_start3A_752] : memref<100000x64xf32, #tpu.memory_space<hbm>> -> memref<128x64xf32, #tpu.memory_space<hbm>>
    %dma_start3A_754 = arith.constant 0 : i32
    %dma_start3A_755 = arith.constant 0 : i32
    %dma_start3A_756 = tpu.memref_slice %arg6[%dma_start3A_745, %dma_start3A_754, %dma_start3A_755] : memref<6x128x128xf32, #tpu.memory_space<vmem>> -> memref<1x128x64xf32, #tpu.memory_space<vmem>>
    %dma_start3A_757 = tpu.memref_squeeze %dma_start3A_756 : memref<1x128x64xf32, #tpu.memory_space<vmem>> -> memref<128x64xf32, #tpu.memory_space<vmem>>
    tpu.enqueue_dma source(%dma_start3A_757 : memref<128x64xf32, #tpu.memory_space<vmem>>) target(%dma_start3A_753 : memref<128x64xf32, #tpu.memory_space<hbm>>) target_semaphore(%arg18 : memref<!tpu.dma_semaphore, #tpu.memory_space<semaphore_mem>>)
    %dma_wait3A_758 = arith.constant 2 : i32
    %dma_wait3A_759 = arith.constant 0 : i32
    %dma_wait3A_760 = arith.constant 0 : i32
    %dma_wait3A_761 = tpu.memref_slice %arg6[%dma_wait3A_758, %dma_wait3A_759, %dma_wait3A_760] : memref<6x128x128xf32, #tpu.memory_space<vmem>> -> memref<1x128x64xf32, #tpu.memory_space<vmem>>
    %dma_wait3A_762 = tpu.memref_squeeze %dma_wait3A_761 : memref<1x128x64xf32, #tpu.memory_space<vmem>> -> memref<128x64xf32, #tpu.memory_space<vmem>>
    %dma_wait3A_763 = arith.constant 0 : i32
    %dma_wait3A_764 = tpu.memref_slice %arg4[%add3A_744, %dma_wait3A_763] : memref<100000x64xf32, #tpu.memory_space<hbm>> -> memref<128x64xf32, #tpu.memory_space<hbm>>
    %dma_wait3A_765 = arith.constant 0 : i32
    %dma_wait3A_766 = tpu.memref_slice %arg4[%add3A_744, %dma_wait3A_765] : memref<100000x64xf32, #tpu.memory_space<hbm>> -> memref<128x64xf32, #tpu.memory_space<hbm>>
    %dma_wait3A_767 = arith.constant 0 : i32
    %dma_wait3A_768 = arith.constant 0 : i32
    %dma_wait3A_769 = tpu.memref_slice %arg6[%dma_wait3A_758, %dma_wait3A_767, %dma_wait3A_768] : memref<6x128x128xf32, #tpu.memory_space<vmem>> -> memref<1x128x64xf32, #tpu.memory_space<vmem>>
    %dma_wait3A_770 = tpu.memref_squeeze %dma_wait3A_769 : memref<1x128x64xf32, #tpu.memory_space<vmem>> -> memref<128x64xf32, #tpu.memory_space<vmem>>
    tpu.wait_dma2 semaphore(%arg18 : memref<!tpu.dma_semaphore, #tpu.memory_space<semaphore_mem>>) src(%dma_wait3A_770 : memref<128x64xf32, #tpu.memory_space<vmem>>) dst(%dma_wait3A_766 : memref<128x64xf32, #tpu.memory_space<hbm>>)
    %dma_start3A_771 = arith.constant 2 : i32
    %dma_start3A_772 = arith.constant 0 : i32
    %dma_start3A_773 = arith.constant 0 : i32
    %dma_start3A_774 = tpu.memref_slice %arg6[%dma_start3A_771, %dma_start3A_772, %dma_start3A_773] : memref<6x128x128xf32, #tpu.memory_space<vmem>> -> memref<1x128x128xf32, #tpu.memory_space<vmem>>
    %dma_start3A_775 = tpu.memref_squeeze %dma_start3A_774 : memref<1x128x128xf32, #tpu.memory_space<vmem>> -> memref<128x128xf32, #tpu.memory_space<vmem>>
    %dma_start3A_776 = arith.constant 2560 : i32
    %dma_start3A_777 = tpu.memref_slice %arg5[%dma_start3A_776] : memref<3072xi32, #tpu.memory_space<vmem>> -> memref<128xi32, #tpu.memory_space<vmem>>
    %dma_start3A_778 = arith.constant 0 : i32
    %dma_start3A_779 = arith.constant 0 : i32
    %dma_start3A_780 = tpu.memref_slice %arg2[%dma_start3A_778, %dma_start3A_779] : memref<1000000x128xf32, #tpu.memory_space<hbm>> -> memref<1000000x128xf32, #tpu.memory_space<hbm>>
    tpu.enqueue_indirect_dma source(%dma_start3A_780 : memref<1000000x128xf32, #tpu.memory_space<hbm>>) target(%dma_start3A_775 : memref<128x128xf32, #tpu.memory_space<vmem>>) offsets(%dma_start3A_777 : memref<128xi32, #tpu.memory_space<vmem>>) semaphore(%arg12 : memref<!tpu.dma_semaphore, #tpu.memory_space<semaphore_mem>>)
    %dma_wait3A_781 = arith.constant 3 : i32
    %dma_wait3A_782 = arith.constant 0 : i32
    %dma_wait3A_783 = arith.constant 0 : i32
    %dma_wait3A_784 = tpu.memref_slice %arg6[%dma_wait3A_781, %dma_wait3A_782, %dma_wait3A_783] : memref<6x128x128xf32, #tpu.memory_space<vmem>> -> memref<1x128x128xf32, #tpu.memory_space<vmem>>
    %dma_wait3A_785 = tpu.memref_squeeze %dma_wait3A_784 : memref<1x128x128xf32, #tpu.memory_space<vmem>> -> memref<128x128xf32, #tpu.memory_space<vmem>>
    %dma_wait3A_786 = arith.constant 1920 : i32
    %dma_wait3A_787 = tpu.memref_slice %arg5[%dma_wait3A_786] : memref<3072xi32, #tpu.memory_space<vmem>> -> memref<128xi32, #tpu.memory_space<vmem>>
    %dma_wait3A_788 = arith.constant 0 : i32
    %dma_wait3A_789 = arith.constant 0 : i32
    %dma_wait3A_790 = tpu.memref_slice %arg2[%dma_wait3A_788, %dma_wait3A_789] : memref<1000000x128xf32, #tpu.memory_space<hbm>> -> memref<1000000x128xf32, #tpu.memory_space<hbm>>
    tpu.wait_indirect_dma semaphore(%arg13 : memref<!tpu.dma_semaphore, #tpu.memory_space<semaphore_mem>>) src(%dma_wait3A_790 : memref<1000000x128xf32, #tpu.memory_space<hbm>>) dst(%dma_wait3A_785 : memref<128x128xf32, #tpu.memory_space<vmem>>)
    %add3A_791 = arith.constant 1920 : i32
    %add3A_792 = arith.addi %mul3A_2, %add3A_791 : i32
    %dma_start3A_793 = arith.constant 3 : i32
    %dma_start3A_794 = arith.constant 0 : i32
    %dma_start3A_795 = arith.constant 0 : i32
    %dma_start3A_796 = tpu.memref_slice %arg6[%dma_start3A_793, %dma_start3A_794, %dma_start3A_795] : memref<6x128x128xf32, #tpu.memory_space<vmem>> -> memref<1x128x64xf32, #tpu.memory_space<vmem>>
    %dma_start3A_797 = tpu.memref_squeeze %dma_start3A_796 : memref<1x128x64xf32, #tpu.memory_space<vmem>> -> memref<128x64xf32, #tpu.memory_space<vmem>>
    %dma_start3A_798 = arith.constant 0 : i32
    %dma_start3A_799 = tpu.memref_slice %arg4[%add3A_792, %dma_start3A_798] : memref<100000x64xf32, #tpu.memory_space<hbm>> -> memref<128x64xf32, #tpu.memory_space<hbm>>
    %dma_start3A_800 = arith.constant 0 : i32
    %dma_start3A_801 = tpu.memref_slice %arg4[%add3A_792, %dma_start3A_800] : memref<100000x64xf32, #tpu.memory_space<hbm>> -> memref<128x64xf32, #tpu.memory_space<hbm>>
    %dma_start3A_802 = arith.constant 0 : i32
    %dma_start3A_803 = arith.constant 0 : i32
    %dma_start3A_804 = tpu.memref_slice %arg6[%dma_start3A_793, %dma_start3A_802, %dma_start3A_803] : memref<6x128x128xf32, #tpu.memory_space<vmem>> -> memref<1x128x64xf32, #tpu.memory_space<vmem>>
    %dma_start3A_805 = tpu.memref_squeeze %dma_start3A_804 : memref<1x128x64xf32, #tpu.memory_space<vmem>> -> memref<128x64xf32, #tpu.memory_space<vmem>>
    tpu.enqueue_dma source(%dma_start3A_805 : memref<128x64xf32, #tpu.memory_space<vmem>>) target(%dma_start3A_801 : memref<128x64xf32, #tpu.memory_space<hbm>>) target_semaphore(%arg19 : memref<!tpu.dma_semaphore, #tpu.memory_space<semaphore_mem>>)
    %dma_wait3A_806 = arith.constant 3 : i32
    %dma_wait3A_807 = arith.constant 0 : i32
    %dma_wait3A_808 = arith.constant 0 : i32
    %dma_wait3A_809 = tpu.memref_slice %arg6[%dma_wait3A_806, %dma_wait3A_807, %dma_wait3A_808] : memref<6x128x128xf32, #tpu.memory_space<vmem>> -> memref<1x128x64xf32, #tpu.memory_space<vmem>>
    %dma_wait3A_810 = tpu.memref_squeeze %dma_wait3A_809 : memref<1x128x64xf32, #tpu.memory_space<vmem>> -> memref<128x64xf32, #tpu.memory_space<vmem>>
    %dma_wait3A_811 = arith.constant 0 : i32
    %dma_wait3A_812 = tpu.memref_slice %arg4[%add3A_792, %dma_wait3A_811] : memref<100000x64xf32, #tpu.memory_space<hbm>> -> memref<128x64xf32, #tpu.memory_space<hbm>>
    %dma_wait3A_813 = arith.constant 0 : i32
    %dma_wait3A_814 = tpu.memref_slice %arg4[%add3A_792, %dma_wait3A_813] : memref<100000x64xf32, #tpu.memory_space<hbm>> -> memref<128x64xf32, #tpu.memory_space<hbm>>
    %dma_wait3A_815 = arith.constant 0 : i32
    %dma_wait3A_816 = arith.constant 0 : i32
    %dma_wait3A_817 = tpu.memref_slice %arg6[%dma_wait3A_806, %dma_wait3A_815, %dma_wait3A_816] : memref<6x128x128xf32, #tpu.memory_space<vmem>> -> memref<1x128x64xf32, #tpu.memory_space<vmem>>
    %dma_wait3A_818 = tpu.memref_squeeze %dma_wait3A_817 : memref<1x128x64xf32, #tpu.memory_space<vmem>> -> memref<128x64xf32, #tpu.memory_space<vmem>>
    tpu.wait_dma2 semaphore(%arg19 : memref<!tpu.dma_semaphore, #tpu.memory_space<semaphore_mem>>) src(%dma_wait3A_818 : memref<128x64xf32, #tpu.memory_space<vmem>>) dst(%dma_wait3A_814 : memref<128x64xf32, #tpu.memory_space<hbm>>)
    %dma_start3A_819 = arith.constant 3 : i32
    %dma_start3A_820 = arith.constant 0 : i32
    %dma_start3A_821 = arith.constant 0 : i32
    %dma_start3A_822 = tpu.memref_slice %arg6[%dma_start3A_819, %dma_start3A_820, %dma_start3A_821] : memref<6x128x128xf32, #tpu.memory_space<vmem>> -> memref<1x128x128xf32, #tpu.memory_space<vmem>>
    %dma_start3A_823 = tpu.memref_squeeze %dma_start3A_822 : memref<1x128x128xf32, #tpu.memory_space<vmem>> -> memref<128x128xf32, #tpu.memory_space<vmem>>
    %dma_start3A_824 = arith.constant 2688 : i32
    %dma_start3A_825 = tpu.memref_slice %arg5[%dma_start3A_824] : memref<3072xi32, #tpu.memory_space<vmem>> -> memref<128xi32, #tpu.memory_space<vmem>>
    %dma_start3A_826 = arith.constant 0 : i32
    %dma_start3A_827 = arith.constant 0 : i32
    %dma_start3A_828 = tpu.memref_slice %arg2[%dma_start3A_826, %dma_start3A_827] : memref<1000000x128xf32, #tpu.memory_space<hbm>> -> memref<1000000x128xf32, #tpu.memory_space<hbm>>
    tpu.enqueue_indirect_dma source(%dma_start3A_828 : memref<1000000x128xf32, #tpu.memory_space<hbm>>) target(%dma_start3A_823 : memref<128x128xf32, #tpu.memory_space<vmem>>) offsets(%dma_start3A_825 : memref<128xi32, #tpu.memory_space<vmem>>) semaphore(%arg13 : memref<!tpu.dma_semaphore, #tpu.memory_space<semaphore_mem>>)
    %dma_wait3A_829 = arith.constant 4 : i32
    %dma_wait3A_830 = arith.constant 0 : i32
    %dma_wait3A_831 = arith.constant 0 : i32
    %dma_wait3A_832 = tpu.memref_slice %arg6[%dma_wait3A_829, %dma_wait3A_830, %dma_wait3A_831] : memref<6x128x128xf32, #tpu.memory_space<vmem>> -> memref<1x128x128xf32, #tpu.memory_space<vmem>>
    %dma_wait3A_833 = tpu.memref_squeeze %dma_wait3A_832 : memref<1x128x128xf32, #tpu.memory_space<vmem>> -> memref<128x128xf32, #tpu.memory_space<vmem>>
    %dma_wait3A_834 = arith.constant 2048 : i32
    %dma_wait3A_835 = tpu.memref_slice %arg5[%dma_wait3A_834] : memref<3072xi32, #tpu.memory_space<vmem>> -> memref<128xi32, #tpu.memory_space<vmem>>
    %dma_wait3A_836 = arith.constant 0 : i32
    %dma_wait3A_837 = arith.constant 0 : i32
    %dma_wait3A_838 = tpu.memref_slice %arg2[%dma_wait3A_836, %dma_wait3A_837] : memref<1000000x128xf32, #tpu.memory_space<hbm>> -> memref<1000000x128xf32, #tpu.memory_space<hbm>>
    tpu.wait_indirect_dma semaphore(%arg14 : memref<!tpu.dma_semaphore, #tpu.memory_space<semaphore_mem>>) src(%dma_wait3A_838 : memref<1000000x128xf32, #tpu.memory_space<hbm>>) dst(%dma_wait3A_833 : memref<128x128xf32, #tpu.memory_space<vmem>>)
    %add3A_839 = arith.constant 2048 : i32
    %add3A_840 = arith.addi %mul3A_2, %add3A_839 : i32
    %dma_start3A_841 = arith.constant 4 : i32
    %dma_start3A_842 = arith.constant 0 : i32
    %dma_start3A_843 = arith.constant 0 : i32
    %dma_start3A_844 = tpu.memref_slice %arg6[%dma_start3A_841, %dma_start3A_842, %dma_start3A_843] : memref<6x128x128xf32, #tpu.memory_space<vmem>> -> memref<1x128x64xf32, #tpu.memory_space<vmem>>
    %dma_start3A_845 = tpu.memref_squeeze %dma_start3A_844 : memref<1x128x64xf32, #tpu.memory_space<vmem>> -> memref<128x64xf32, #tpu.memory_space<vmem>>
    %dma_start3A_846 = arith.constant 0 : i32
    %dma_start3A_847 = tpu.memref_slice %arg4[%add3A_840, %dma_start3A_846] : memref<100000x64xf32, #tpu.memory_space<hbm>> -> memref<128x64xf32, #tpu.memory_space<hbm>>
    %dma_start3A_848 = arith.constant 0 : i32
    %dma_start3A_849 = tpu.memref_slice %arg4[%add3A_840, %dma_start3A_848] : memref<100000x64xf32, #tpu.memory_space<hbm>> -> memref<128x64xf32, #tpu.memory_space<hbm>>
    %dma_start3A_850 = arith.constant 0 : i32
    %dma_start3A_851 = arith.constant 0 : i32
    %dma_start3A_852 = tpu.memref_slice %arg6[%dma_start3A_841, %dma_start3A_850, %dma_start3A_851] : memref<6x128x128xf32, #tpu.memory_space<vmem>> -> memref<1x128x64xf32, #tpu.memory_space<vmem>>
    %dma_start3A_853 = tpu.memref_squeeze %dma_start3A_852 : memref<1x128x64xf32, #tpu.memory_space<vmem>> -> memref<128x64xf32, #tpu.memory_space<vmem>>
    tpu.enqueue_dma source(%dma_start3A_853 : memref<128x64xf32, #tpu.memory_space<vmem>>) target(%dma_start3A_849 : memref<128x64xf32, #tpu.memory_space<hbm>>) target_semaphore(%arg20 : memref<!tpu.dma_semaphore, #tpu.memory_space<semaphore_mem>>)
    %dma_wait3A_854 = arith.constant 4 : i32
    %dma_wait3A_855 = arith.constant 0 : i32
    %dma_wait3A_856 = arith.constant 0 : i32
    %dma_wait3A_857 = tpu.memref_slice %arg6[%dma_wait3A_854, %dma_wait3A_855, %dma_wait3A_856] : memref<6x128x128xf32, #tpu.memory_space<vmem>> -> memref<1x128x64xf32, #tpu.memory_space<vmem>>
    %dma_wait3A_858 = tpu.memref_squeeze %dma_wait3A_857 : memref<1x128x64xf32, #tpu.memory_space<vmem>> -> memref<128x64xf32, #tpu.memory_space<vmem>>
    %dma_wait3A_859 = arith.constant 0 : i32
    %dma_wait3A_860 = tpu.memref_slice %arg4[%add3A_840, %dma_wait3A_859] : memref<100000x64xf32, #tpu.memory_space<hbm>> -> memref<128x64xf32, #tpu.memory_space<hbm>>
    %dma_wait3A_861 = arith.constant 0 : i32
    %dma_wait3A_862 = tpu.memref_slice %arg4[%add3A_840, %dma_wait3A_861] : memref<100000x64xf32, #tpu.memory_space<hbm>> -> memref<128x64xf32, #tpu.memory_space<hbm>>
    %dma_wait3A_863 = arith.constant 0 : i32
    %dma_wait3A_864 = arith.constant 0 : i32
    %dma_wait3A_865 = tpu.memref_slice %arg6[%dma_wait3A_854, %dma_wait3A_863, %dma_wait3A_864] : memref<6x128x128xf32, #tpu.memory_space<vmem>> -> memref<1x128x64xf32, #tpu.memory_space<vmem>>
    %dma_wait3A_866 = tpu.memref_squeeze %dma_wait3A_865 : memref<1x128x64xf32, #tpu.memory_space<vmem>> -> memref<128x64xf32, #tpu.memory_space<vmem>>
    tpu.wait_dma2 semaphore(%arg20 : memref<!tpu.dma_semaphore, #tpu.memory_space<semaphore_mem>>) src(%dma_wait3A_866 : memref<128x64xf32, #tpu.memory_space<vmem>>) dst(%dma_wait3A_862 : memref<128x64xf32, #tpu.memory_space<hbm>>)
    %dma_start3A_867 = arith.constant 4 : i32
    %dma_start3A_868 = arith.constant 0 : i32
    %dma_start3A_869 = arith.constant 0 : i32
    %dma_start3A_870 = tpu.memref_slice %arg6[%dma_start3A_867, %dma_start3A_868, %dma_start3A_869] : memref<6x128x128xf32, #tpu.memory_space<vmem>> -> memref<1x128x128xf32, #tpu.memory_space<vmem>>
    %dma_start3A_871 = tpu.memref_squeeze %dma_start3A_870 : memref<1x128x128xf32, #tpu.memory_space<vmem>> -> memref<128x128xf32, #tpu.memory_space<vmem>>
    %dma_start3A_872 = arith.constant 2816 : i32
    %dma_start3A_873 = tpu.memref_slice %arg5[%dma_start3A_872] : memref<3072xi32, #tpu.memory_space<vmem>> -> memref<128xi32, #tpu.memory_space<vmem>>
    %dma_start3A_874 = arith.constant 0 : i32
    %dma_start3A_875 = arith.constant 0 : i32
    %dma_start3A_876 = tpu.memref_slice %arg2[%dma_start3A_874, %dma_start3A_875] : memref<1000000x128xf32, #tpu.memory_space<hbm>> -> memref<1000000x128xf32, #tpu.memory_space<hbm>>
    tpu.enqueue_indirect_dma source(%dma_start3A_876 : memref<1000000x128xf32, #tpu.memory_space<hbm>>) target(%dma_start3A_871 : memref<128x128xf32, #tpu.memory_space<vmem>>) offsets(%dma_start3A_873 : memref<128xi32, #tpu.memory_space<vmem>>) semaphore(%arg14 : memref<!tpu.dma_semaphore, #tpu.memory_space<semaphore_mem>>)
    %dma_wait3A_877 = arith.constant 5 : i32
    %dma_wait3A_878 = arith.constant 0 : i32
    %dma_wait3A_879 = arith.constant 0 : i32
    %dma_wait3A_880 = tpu.memref_slice %arg6[%dma_wait3A_877, %dma_wait3A_878, %dma_wait3A_879] : memref<6x128x128xf32, #tpu.memory_space<vmem>> -> memref<1x128x128xf32, #tpu.memory_space<vmem>>
    %dma_wait3A_881 = tpu.memref_squeeze %dma_wait3A_880 : memref<1x128x128xf32, #tpu.memory_space<vmem>> -> memref<128x128xf32, #tpu.memory_space<vmem>>
    %dma_wait3A_882 = arith.constant 2176 : i32
    %dma_wait3A_883 = tpu.memref_slice %arg5[%dma_wait3A_882] : memref<3072xi32, #tpu.memory_space<vmem>> -> memref<128xi32, #tpu.memory_space<vmem>>
    %dma_wait3A_884 = arith.constant 0 : i32
    %dma_wait3A_885 = arith.constant 0 : i32
    %dma_wait3A_886 = tpu.memref_slice %arg2[%dma_wait3A_884, %dma_wait3A_885] : memref<1000000x128xf32, #tpu.memory_space<hbm>> -> memref<1000000x128xf32, #tpu.memory_space<hbm>>
    tpu.wait_indirect_dma semaphore(%arg15 : memref<!tpu.dma_semaphore, #tpu.memory_space<semaphore_mem>>) src(%dma_wait3A_886 : memref<1000000x128xf32, #tpu.memory_space<hbm>>) dst(%dma_wait3A_881 : memref<128x128xf32, #tpu.memory_space<vmem>>)
    %add3A_887 = arith.constant 2176 : i32
    %add3A_888 = arith.addi %mul3A_2, %add3A_887 : i32
    %dma_start3A_889 = arith.constant 5 : i32
    %dma_start3A_890 = arith.constant 0 : i32
    %dma_start3A_891 = arith.constant 0 : i32
    %dma_start3A_892 = tpu.memref_slice %arg6[%dma_start3A_889, %dma_start3A_890, %dma_start3A_891] : memref<6x128x128xf32, #tpu.memory_space<vmem>> -> memref<1x128x64xf32, #tpu.memory_space<vmem>>
    %dma_start3A_893 = tpu.memref_squeeze %dma_start3A_892 : memref<1x128x64xf32, #tpu.memory_space<vmem>> -> memref<128x64xf32, #tpu.memory_space<vmem>>
    %dma_start3A_894 = arith.constant 0 : i32
    %dma_start3A_895 = tpu.memref_slice %arg4[%add3A_888, %dma_start3A_894] : memref<100000x64xf32, #tpu.memory_space<hbm>> -> memref<128x64xf32, #tpu.memory_space<hbm>>
    %dma_start3A_896 = arith.constant 0 : i32
    %dma_start3A_897 = tpu.memref_slice %arg4[%add3A_888, %dma_start3A_896] : memref<100000x64xf32, #tpu.memory_space<hbm>> -> memref<128x64xf32, #tpu.memory_space<hbm>>
    %dma_start3A_898 = arith.constant 0 : i32
    %dma_start3A_899 = arith.constant 0 : i32
    %dma_start3A_900 = tpu.memref_slice %arg6[%dma_start3A_889, %dma_start3A_898, %dma_start3A_899] : memref<6x128x128xf32, #tpu.memory_space<vmem>> -> memref<1x128x64xf32, #tpu.memory_space<vmem>>
    %dma_start3A_901 = tpu.memref_squeeze %dma_start3A_900 : memref<1x128x64xf32, #tpu.memory_space<vmem>> -> memref<128x64xf32, #tpu.memory_space<vmem>>
    tpu.enqueue_dma source(%dma_start3A_901 : memref<128x64xf32, #tpu.memory_space<vmem>>) target(%dma_start3A_897 : memref<128x64xf32, #tpu.memory_space<hbm>>) target_semaphore(%arg21 : memref<!tpu.dma_semaphore, #tpu.memory_space<semaphore_mem>>)
    %dma_wait3A_902 = arith.constant 5 : i32
    %dma_wait3A_903 = arith.constant 0 : i32
    %dma_wait3A_904 = arith.constant 0 : i32
    %dma_wait3A_905 = tpu.memref_slice %arg6[%dma_wait3A_902, %dma_wait3A_903, %dma_wait3A_904] : memref<6x128x128xf32, #tpu.memory_space<vmem>> -> memref<1x128x64xf32, #tpu.memory_space<vmem>>
    %dma_wait3A_906 = tpu.memref_squeeze %dma_wait3A_905 : memref<1x128x64xf32, #tpu.memory_space<vmem>> -> memref<128x64xf32, #tpu.memory_space<vmem>>
    %dma_wait3A_907 = arith.constant 0 : i32
    %dma_wait3A_908 = tpu.memref_slice %arg4[%add3A_888, %dma_wait3A_907] : memref<100000x64xf32, #tpu.memory_space<hbm>> -> memref<128x64xf32, #tpu.memory_space<hbm>>
    %dma_wait3A_909 = arith.constant 0 : i32
    %dma_wait3A_910 = tpu.memref_slice %arg4[%add3A_888, %dma_wait3A_909] : memref<100000x64xf32, #tpu.memory_space<hbm>> -> memref<128x64xf32, #tpu.memory_space<hbm>>
    %dma_wait3A_911 = arith.constant 0 : i32
    %dma_wait3A_912 = arith.constant 0 : i32
    %dma_wait3A_913 = tpu.memref_slice %arg6[%dma_wait3A_902, %dma_wait3A_911, %dma_wait3A_912] : memref<6x128x128xf32, #tpu.memory_space<vmem>> -> memref<1x128x64xf32, #tpu.memory_space<vmem>>
    %dma_wait3A_914 = tpu.memref_squeeze %dma_wait3A_913 : memref<1x128x64xf32, #tpu.memory_space<vmem>> -> memref<128x64xf32, #tpu.memory_space<vmem>>
    tpu.wait_dma2 semaphore(%arg21 : memref<!tpu.dma_semaphore, #tpu.memory_space<semaphore_mem>>) src(%dma_wait3A_914 : memref<128x64xf32, #tpu.memory_space<vmem>>) dst(%dma_wait3A_910 : memref<128x64xf32, #tpu.memory_space<hbm>>)
    %dma_start3A_915 = arith.constant 5 : i32
    %dma_start3A_916 = arith.constant 0 : i32
    %dma_start3A_917 = arith.constant 0 : i32
    %dma_start3A_918 = tpu.memref_slice %arg6[%dma_start3A_915, %dma_start3A_916, %dma_start3A_917] : memref<6x128x128xf32, #tpu.memory_space<vmem>> -> memref<1x128x128xf32, #tpu.memory_space<vmem>>
    %dma_start3A_919 = tpu.memref_squeeze %dma_start3A_918 : memref<1x128x128xf32, #tpu.memory_space<vmem>> -> memref<128x128xf32, #tpu.memory_space<vmem>>
    %dma_start3A_920 = arith.constant 2944 : i32
    %dma_start3A_921 = tpu.memref_slice %arg5[%dma_start3A_920] : memref<3072xi32, #tpu.memory_space<vmem>> -> memref<128xi32, #tpu.memory_space<vmem>>
    %dma_start3A_922 = arith.constant 0 : i32
    %dma_start3A_923 = arith.constant 0 : i32
    %dma_start3A_924 = tpu.memref_slice %arg2[%dma_start3A_922, %dma_start3A_923] : memref<1000000x128xf32, #tpu.memory_space<hbm>> -> memref<1000000x128xf32, #tpu.memory_space<hbm>>
    tpu.enqueue_indirect_dma source(%dma_start3A_924 : memref<1000000x128xf32, #tpu.memory_space<hbm>>) target(%dma_start3A_919 : memref<128x128xf32, #tpu.memory_space<vmem>>) offsets(%dma_start3A_921 : memref<128xi32, #tpu.memory_space<vmem>>) semaphore(%arg15 : memref<!tpu.dma_semaphore, #tpu.memory_space<semaphore_mem>>)
    %dma_wait3A_925 = arith.constant 0 : i32
    %dma_wait3A_926 = arith.constant 0 : i32
    %dma_wait3A_927 = arith.constant 0 : i32
    %dma_wait3A_928 = tpu.memref_slice %arg6[%dma_wait3A_925, %dma_wait3A_926, %dma_wait3A_927] : memref<6x128x128xf32, #tpu.memory_space<vmem>> -> memref<1x128x128xf32, #tpu.memory_space<vmem>>
    %dma_wait3A_929 = tpu.memref_squeeze %dma_wait3A_928 : memref<1x128x128xf32, #tpu.memory_space<vmem>> -> memref<128x128xf32, #tpu.memory_space<vmem>>
    %dma_wait3A_930 = arith.constant 2304 : i32
    %dma_wait3A_931 = tpu.memref_slice %arg5[%dma_wait3A_930] : memref<3072xi32, #tpu.memory_space<vmem>> -> memref<128xi32, #tpu.memory_space<vmem>>
    %dma_wait3A_932 = arith.constant 0 : i32
    %dma_wait3A_933 = arith.constant 0 : i32
    %dma_wait3A_934 = tpu.memref_slice %arg2[%dma_wait3A_932, %dma_wait3A_933] : memref<1000000x128xf32, #tpu.memory_space<hbm>> -> memref<1000000x128xf32, #tpu.memory_space<hbm>>
    tpu.wait_indirect_dma semaphore(%arg10 : memref<!tpu.dma_semaphore, #tpu.memory_space<semaphore_mem>>) src(%dma_wait3A_934 : memref<1000000x128xf32, #tpu.memory_space<hbm>>) dst(%dma_wait3A_929 : memref<128x128xf32, #tpu.memory_space<vmem>>)
    %add3A_935 = arith.constant 2304 : i32
    %add3A_936 = arith.addi %mul3A_2, %add3A_935 : i32
    %dma_start3A_937 = arith.constant 0 : i32
    %dma_start3A_938 = arith.constant 0 : i32
    %dma_start3A_939 = arith.constant 0 : i32
    %dma_start3A_940 = tpu.memref_slice %arg6[%dma_start3A_937, %dma_start3A_938, %dma_start3A_939] : memref<6x128x128xf32, #tpu.memory_space<vmem>> -> memref<1x128x64xf32, #tpu.memory_space<vmem>>
    %dma_start3A_941 = tpu.memref_squeeze %dma_start3A_940 : memref<1x128x64xf32, #tpu.memory_space<vmem>> -> memref<128x64xf32, #tpu.memory_space<vmem>>
    %dma_start3A_942 = arith.constant 0 : i32
    %dma_start3A_943 = tpu.memref_slice %arg4[%add3A_936, %dma_start3A_942] : memref<100000x64xf32, #tpu.memory_space<hbm>> -> memref<128x64xf32, #tpu.memory_space<hbm>>
    %dma_start3A_944 = arith.constant 0 : i32
    %dma_start3A_945 = tpu.memref_slice %arg4[%add3A_936, %dma_start3A_944] : memref<100000x64xf32, #tpu.memory_space<hbm>> -> memref<128x64xf32, #tpu.memory_space<hbm>>
    %dma_start3A_946 = arith.constant 0 : i32
    %dma_start3A_947 = arith.constant 0 : i32
    %dma_start3A_948 = tpu.memref_slice %arg6[%dma_start3A_937, %dma_start3A_946, %dma_start3A_947] : memref<6x128x128xf32, #tpu.memory_space<vmem>> -> memref<1x128x64xf32, #tpu.memory_space<vmem>>
    %dma_start3A_949 = tpu.memref_squeeze %dma_start3A_948 : memref<1x128x64xf32, #tpu.memory_space<vmem>> -> memref<128x64xf32, #tpu.memory_space<vmem>>
    tpu.enqueue_dma source(%dma_start3A_949 : memref<128x64xf32, #tpu.memory_space<vmem>>) target(%dma_start3A_945 : memref<128x64xf32, #tpu.memory_space<hbm>>) target_semaphore(%arg16 : memref<!tpu.dma_semaphore, #tpu.memory_space<semaphore_mem>>)
    %dma_wait3A_950 = arith.constant 1 : i32
    %dma_wait3A_951 = arith.constant 0 : i32
    %dma_wait3A_952 = arith.constant 0 : i32
    %dma_wait3A_953 = tpu.memref_slice %arg6[%dma_wait3A_950, %dma_wait3A_951, %dma_wait3A_952] : memref<6x128x128xf32, #tpu.memory_space<vmem>> -> memref<1x128x128xf32, #tpu.memory_space<vmem>>
    %dma_wait3A_954 = tpu.memref_squeeze %dma_wait3A_953 : memref<1x128x128xf32, #tpu.memory_space<vmem>> -> memref<128x128xf32, #tpu.memory_space<vmem>>
    %dma_wait3A_955 = arith.constant 2432 : i32
    %dma_wait3A_956 = tpu.memref_slice %arg5[%dma_wait3A_955] : memref<3072xi32, #tpu.memory_space<vmem>> -> memref<128xi32, #tpu.memory_space<vmem>>
    %dma_wait3A_957 = arith.constant 0 : i32
    %dma_wait3A_958 = arith.constant 0 : i32
    %dma_wait3A_959 = tpu.memref_slice %arg2[%dma_wait3A_957, %dma_wait3A_958] : memref<1000000x128xf32, #tpu.memory_space<hbm>> -> memref<1000000x128xf32, #tpu.memory_space<hbm>>
    tpu.wait_indirect_dma semaphore(%arg11 : memref<!tpu.dma_semaphore, #tpu.memory_space<semaphore_mem>>) src(%dma_wait3A_959 : memref<1000000x128xf32, #tpu.memory_space<hbm>>) dst(%dma_wait3A_954 : memref<128x128xf32, #tpu.memory_space<vmem>>)
    %add3A_960 = arith.constant 2432 : i32
    %add3A_961 = arith.addi %mul3A_2, %add3A_960 : i32
    %dma_start3A_962 = arith.constant 1 : i32
    %dma_start3A_963 = arith.constant 0 : i32
    %dma_start3A_964 = arith.constant 0 : i32
    %dma_start3A_965 = tpu.memref_slice %arg6[%dma_start3A_962, %dma_start3A_963, %dma_start3A_964] : memref<6x128x128xf32, #tpu.memory_space<vmem>> -> memref<1x128x64xf32, #tpu.memory_space<vmem>>
    %dma_start3A_966 = tpu.memref_squeeze %dma_start3A_965 : memref<1x128x64xf32, #tpu.memory_space<vmem>> -> memref<128x64xf32, #tpu.memory_space<vmem>>
    %dma_start3A_967 = arith.constant 0 : i32
    %dma_start3A_968 = tpu.memref_slice %arg4[%add3A_961, %dma_start3A_967] : memref<100000x64xf32, #tpu.memory_space<hbm>> -> memref<128x64xf32, #tpu.memory_space<hbm>>
    %dma_start3A_969 = arith.constant 0 : i32
    %dma_start3A_970 = tpu.memref_slice %arg4[%add3A_961, %dma_start3A_969] : memref<100000x64xf32, #tpu.memory_space<hbm>> -> memref<128x64xf32, #tpu.memory_space<hbm>>
    %dma_start3A_971 = arith.constant 0 : i32
    %dma_start3A_972 = arith.constant 0 : i32
    %dma_start3A_973 = tpu.memref_slice %arg6[%dma_start3A_962, %dma_start3A_971, %dma_start3A_972] : memref<6x128x128xf32, #tpu.memory_space<vmem>> -> memref<1x128x64xf32, #tpu.memory_space<vmem>>
    %dma_start3A_974 = tpu.memref_squeeze %dma_start3A_973 : memref<1x128x64xf32, #tpu.memory_space<vmem>> -> memref<128x64xf32, #tpu.memory_space<vmem>>
    tpu.enqueue_dma source(%dma_start3A_974 : memref<128x64xf32, #tpu.memory_space<vmem>>) target(%dma_start3A_970 : memref<128x64xf32, #tpu.memory_space<hbm>>) target_semaphore(%arg17 : memref<!tpu.dma_semaphore, #tpu.memory_space<semaphore_mem>>)
    %dma_wait3A_975 = arith.constant 2 : i32
    %dma_wait3A_976 = arith.constant 0 : i32
    %dma_wait3A_977 = arith.constant 0 : i32
    %dma_wait3A_978 = tpu.memref_slice %arg6[%dma_wait3A_975, %dma_wait3A_976, %dma_wait3A_977] : memref<6x128x128xf32, #tpu.memory_space<vmem>> -> memref<1x128x128xf32, #tpu.memory_space<vmem>>
    %dma_wait3A_979 = tpu.memref_squeeze %dma_wait3A_978 : memref<1x128x128xf32, #tpu.memory_space<vmem>> -> memref<128x128xf32, #tpu.memory_space<vmem>>
    %dma_wait3A_980 = arith.constant 2560 : i32
    %dma_wait3A_981 = tpu.memref_slice %arg5[%dma_wait3A_980] : memref<3072xi32, #tpu.memory_space<vmem>> -> memref<128xi32, #tpu.memory_space<vmem>>
    %dma_wait3A_982 = arith.constant 0 : i32
    %dma_wait3A_983 = arith.constant 0 : i32
    %dma_wait3A_984 = tpu.memref_slice %arg2[%dma_wait3A_982, %dma_wait3A_983] : memref<1000000x128xf32, #tpu.memory_space<hbm>> -> memref<1000000x128xf32, #tpu.memory_space<hbm>>
    tpu.wait_indirect_dma semaphore(%arg12 : memref<!tpu.dma_semaphore, #tpu.memory_space<semaphore_mem>>) src(%dma_wait3A_984 : memref<1000000x128xf32, #tpu.memory_space<hbm>>) dst(%dma_wait3A_979 : memref<128x128xf32, #tpu.memory_space<vmem>>)
    %add3A_985 = arith.constant 2560 : i32
    %add3A_986 = arith.addi %mul3A_2, %add3A_985 : i32
    %dma_start3A_987 = arith.constant 2 : i32
    %dma_start3A_988 = arith.constant 0 : i32
    %dma_start3A_989 = arith.constant 0 : i32
    %dma_start3A_990 = tpu.memref_slice %arg6[%dma_start3A_987, %dma_start3A_988, %dma_start3A_989] : memref<6x128x128xf32, #tpu.memory_space<vmem>> -> memref<1x128x64xf32, #tpu.memory_space<vmem>>
    %dma_start3A_991 = tpu.memref_squeeze %dma_start3A_990 : memref<1x128x64xf32, #tpu.memory_space<vmem>> -> memref<128x64xf32, #tpu.memory_space<vmem>>
    %dma_start3A_992 = arith.constant 0 : i32
    %dma_start3A_993 = tpu.memref_slice %arg4[%add3A_986, %dma_start3A_992] : memref<100000x64xf32, #tpu.memory_space<hbm>> -> memref<128x64xf32, #tpu.memory_space<hbm>>
    %dma_start3A_994 = arith.constant 0 : i32
    %dma_start3A_995 = tpu.memref_slice %arg4[%add3A_986, %dma_start3A_994] : memref<100000x64xf32, #tpu.memory_space<hbm>> -> memref<128x64xf32, #tpu.memory_space<hbm>>
    %dma_start3A_996 = arith.constant 0 : i32
    %dma_start3A_997 = arith.constant 0 : i32
    %dma_start3A_998 = tpu.memref_slice %arg6[%dma_start3A_987, %dma_start3A_996, %dma_start3A_997] : memref<6x128x128xf32, #tpu.memory_space<vmem>> -> memref<1x128x64xf32, #tpu.memory_space<vmem>>
    %dma_start3A_999 = tpu.memref_squeeze %dma_start3A_998 : memref<1x128x64xf32, #tpu.memory_space<vmem>> -> memref<128x64xf32, #tpu.memory_space<vmem>>
    tpu.enqueue_dma source(%dma_start3A_999 : memref<128x64xf32, #tpu.memory_space<vmem>>) target(%dma_start3A_995 : memref<128x64xf32, #tpu.memory_space<hbm>>) target_semaphore(%arg18 : memref<!tpu.dma_semaphore, #tpu.memory_space<semaphore_mem>>)
    %dma_wait3A_1000 = arith.constant 3 : i32
    %dma_wait3A_1001 = arith.constant 0 : i32
    %dma_wait3A_1002 = arith.constant 0 : i32
    %dma_wait3A_1003 = tpu.memref_slice %arg6[%dma_wait3A_1000, %dma_wait3A_1001, %dma_wait3A_1002] : memref<6x128x128xf32, #tpu.memory_space<vmem>> -> memref<1x128x128xf32, #tpu.memory_space<vmem>>
    %dma_wait3A_1004 = tpu.memref_squeeze %dma_wait3A_1003 : memref<1x128x128xf32, #tpu.memory_space<vmem>> -> memref<128x128xf32, #tpu.memory_space<vmem>>
    %dma_wait3A_1005 = arith.constant 2688 : i32
    %dma_wait3A_1006 = tpu.memref_slice %arg5[%dma_wait3A_1005] : memref<3072xi32, #tpu.memory_space<vmem>> -> memref<128xi32, #tpu.memory_space<vmem>>
    %dma_wait3A_1007 = arith.constant 0 : i32
    %dma_wait3A_1008 = arith.constant 0 : i32
    %dma_wait3A_1009 = tpu.memref_slice %arg2[%dma_wait3A_1007, %dma_wait3A_1008] : memref<1000000x128xf32, #tpu.memory_space<hbm>> -> memref<1000000x128xf32, #tpu.memory_space<hbm>>
    tpu.wait_indirect_dma semaphore(%arg13 : memref<!tpu.dma_semaphore, #tpu.memory_space<semaphore_mem>>) src(%dma_wait3A_1009 : memref<1000000x128xf32, #tpu.memory_space<hbm>>) dst(%dma_wait3A_1004 : memref<128x128xf32, #tpu.memory_space<vmem>>)
    %add3A_1010 = arith.constant 2688 : i32
    %add3A_1011 = arith.addi %mul3A_2, %add3A_1010 : i32
    %dma_start3A_1012 = arith.constant 3 : i32
    %dma_start3A_1013 = arith.constant 0 : i32
    %dma_start3A_1014 = arith.constant 0 : i32
    %dma_start3A_1015 = tpu.memref_slice %arg6[%dma_start3A_1012, %dma_start3A_1013, %dma_start3A_1014] : memref<6x128x128xf32, #tpu.memory_space<vmem>> -> memref<1x128x64xf32, #tpu.memory_space<vmem>>
    %dma_start3A_1016 = tpu.memref_squeeze %dma_start3A_1015 : memref<1x128x64xf32, #tpu.memory_space<vmem>> -> memref<128x64xf32, #tpu.memory_space<vmem>>
    %dma_start3A_1017 = arith.constant 0 : i32
    %dma_start3A_1018 = tpu.memref_slice %arg4[%add3A_1011, %dma_start3A_1017] : memref<100000x64xf32, #tpu.memory_space<hbm>> -> memref<128x64xf32, #tpu.memory_space<hbm>>
    %dma_start3A_1019 = arith.constant 0 : i32
    %dma_start3A_1020 = tpu.memref_slice %arg4[%add3A_1011, %dma_start3A_1019] : memref<100000x64xf32, #tpu.memory_space<hbm>> -> memref<128x64xf32, #tpu.memory_space<hbm>>
    %dma_start3A_1021 = arith.constant 0 : i32
    %dma_start3A_1022 = arith.constant 0 : i32
    %dma_start3A_1023 = tpu.memref_slice %arg6[%dma_start3A_1012, %dma_start3A_1021, %dma_start3A_1022] : memref<6x128x128xf32, #tpu.memory_space<vmem>> -> memref<1x128x64xf32, #tpu.memory_space<vmem>>
    %dma_start3A_1024 = tpu.memref_squeeze %dma_start3A_1023 : memref<1x128x64xf32, #tpu.memory_space<vmem>> -> memref<128x64xf32, #tpu.memory_space<vmem>>
    tpu.enqueue_dma source(%dma_start3A_1024 : memref<128x64xf32, #tpu.memory_space<vmem>>) target(%dma_start3A_1020 : memref<128x64xf32, #tpu.memory_space<hbm>>) target_semaphore(%arg19 : memref<!tpu.dma_semaphore, #tpu.memory_space<semaphore_mem>>)
    %dma_wait3A_1025 = arith.constant 4 : i32
    %dma_wait3A_1026 = arith.constant 0 : i32
    %dma_wait3A_1027 = arith.constant 0 : i32
    %dma_wait3A_1028 = tpu.memref_slice %arg6[%dma_wait3A_1025, %dma_wait3A_1026, %dma_wait3A_1027] : memref<6x128x128xf32, #tpu.memory_space<vmem>> -> memref<1x128x128xf32, #tpu.memory_space<vmem>>
    %dma_wait3A_1029 = tpu.memref_squeeze %dma_wait3A_1028 : memref<1x128x128xf32, #tpu.memory_space<vmem>> -> memref<128x128xf32, #tpu.memory_space<vmem>>
    %dma_wait3A_1030 = arith.constant 2816 : i32
    %dma_wait3A_1031 = tpu.memref_slice %arg5[%dma_wait3A_1030] : memref<3072xi32, #tpu.memory_space<vmem>> -> memref<128xi32, #tpu.memory_space<vmem>>
    %dma_wait3A_1032 = arith.constant 0 : i32
    %dma_wait3A_1033 = arith.constant 0 : i32
    %dma_wait3A_1034 = tpu.memref_slice %arg2[%dma_wait3A_1032, %dma_wait3A_1033] : memref<1000000x128xf32, #tpu.memory_space<hbm>> -> memref<1000000x128xf32, #tpu.memory_space<hbm>>
    tpu.wait_indirect_dma semaphore(%arg14 : memref<!tpu.dma_semaphore, #tpu.memory_space<semaphore_mem>>) src(%dma_wait3A_1034 : memref<1000000x128xf32, #tpu.memory_space<hbm>>) dst(%dma_wait3A_1029 : memref<128x128xf32, #tpu.memory_space<vmem>>)
    %add3A_1035 = arith.constant 2816 : i32
    %add3A_1036 = arith.addi %mul3A_2, %add3A_1035 : i32
    %dma_start3A_1037 = arith.constant 4 : i32
    %dma_start3A_1038 = arith.constant 0 : i32
    %dma_start3A_1039 = arith.constant 0 : i32
    %dma_start3A_1040 = tpu.memref_slice %arg6[%dma_start3A_1037, %dma_start3A_1038, %dma_start3A_1039] : memref<6x128x128xf32, #tpu.memory_space<vmem>> -> memref<1x128x64xf32, #tpu.memory_space<vmem>>
    %dma_start3A_1041 = tpu.memref_squeeze %dma_start3A_1040 : memref<1x128x64xf32, #tpu.memory_space<vmem>> -> memref<128x64xf32, #tpu.memory_space<vmem>>
    %dma_start3A_1042 = arith.constant 0 : i32
    %dma_start3A_1043 = tpu.memref_slice %arg4[%add3A_1036, %dma_start3A_1042] : memref<100000x64xf32, #tpu.memory_space<hbm>> -> memref<128x64xf32, #tpu.memory_space<hbm>>
    %dma_start3A_1044 = arith.constant 0 : i32
    %dma_start3A_1045 = tpu.memref_slice %arg4[%add3A_1036, %dma_start3A_1044] : memref<100000x64xf32, #tpu.memory_space<hbm>> -> memref<128x64xf32, #tpu.memory_space<hbm>>
    %dma_start3A_1046 = arith.constant 0 : i32
    %dma_start3A_1047 = arith.constant 0 : i32
    %dma_start3A_1048 = tpu.memref_slice %arg6[%dma_start3A_1037, %dma_start3A_1046, %dma_start3A_1047] : memref<6x128x128xf32, #tpu.memory_space<vmem>> -> memref<1x128x64xf32, #tpu.memory_space<vmem>>
    %dma_start3A_1049 = tpu.memref_squeeze %dma_start3A_1048 : memref<1x128x64xf32, #tpu.memory_space<vmem>> -> memref<128x64xf32, #tpu.memory_space<vmem>>
    tpu.enqueue_dma source(%dma_start3A_1049 : memref<128x64xf32, #tpu.memory_space<vmem>>) target(%dma_start3A_1045 : memref<128x64xf32, #tpu.memory_space<hbm>>) target_semaphore(%arg20 : memref<!tpu.dma_semaphore, #tpu.memory_space<semaphore_mem>>)
    %dma_wait3A_1050 = arith.constant 5 : i32
    %dma_wait3A_1051 = arith.constant 0 : i32
    %dma_wait3A_1052 = arith.constant 0 : i32
    %dma_wait3A_1053 = tpu.memref_slice %arg6[%dma_wait3A_1050, %dma_wait3A_1051, %dma_wait3A_1052] : memref<6x128x128xf32, #tpu.memory_space<vmem>> -> memref<1x128x128xf32, #tpu.memory_space<vmem>>
    %dma_wait3A_1054 = tpu.memref_squeeze %dma_wait3A_1053 : memref<1x128x128xf32, #tpu.memory_space<vmem>> -> memref<128x128xf32, #tpu.memory_space<vmem>>
    %dma_wait3A_1055 = arith.constant 2944 : i32
    %dma_wait3A_1056 = tpu.memref_slice %arg5[%dma_wait3A_1055] : memref<3072xi32, #tpu.memory_space<vmem>> -> memref<128xi32, #tpu.memory_space<vmem>>
    %dma_wait3A_1057 = arith.constant 0 : i32
    %dma_wait3A_1058 = arith.constant 0 : i32
    %dma_wait3A_1059 = tpu.memref_slice %arg2[%dma_wait3A_1057, %dma_wait3A_1058] : memref<1000000x128xf32, #tpu.memory_space<hbm>> -> memref<1000000x128xf32, #tpu.memory_space<hbm>>
    tpu.wait_indirect_dma semaphore(%arg15 : memref<!tpu.dma_semaphore, #tpu.memory_space<semaphore_mem>>) src(%dma_wait3A_1059 : memref<1000000x128xf32, #tpu.memory_space<hbm>>) dst(%dma_wait3A_1054 : memref<128x128xf32, #tpu.memory_space<vmem>>)
    %add3A_1060 = arith.constant 2944 : i32
    %add3A_1061 = arith.addi %mul3A_2, %add3A_1060 : i32
    %dma_start3A_1062 = arith.constant 5 : i32
    %dma_start3A_1063 = arith.constant 0 : i32
    %dma_start3A_1064 = arith.constant 0 : i32
    %dma_start3A_1065 = tpu.memref_slice %arg6[%dma_start3A_1062, %dma_start3A_1063, %dma_start3A_1064] : memref<6x128x128xf32, #tpu.memory_space<vmem>> -> memref<1x128x64xf32, #tpu.memory_space<vmem>>
    %dma_start3A_1066 = tpu.memref_squeeze %dma_start3A_1065 : memref<1x128x64xf32, #tpu.memory_space<vmem>> -> memref<128x64xf32, #tpu.memory_space<vmem>>
    %dma_start3A_1067 = arith.constant 0 : i32
    %dma_start3A_1068 = tpu.memref_slice %arg4[%add3A_1061, %dma_start3A_1067] : memref<100000x64xf32, #tpu.memory_space<hbm>> -> memref<128x64xf32, #tpu.memory_space<hbm>>
    %dma_start3A_1069 = arith.constant 0 : i32
    %dma_start3A_1070 = tpu.memref_slice %arg4[%add3A_1061, %dma_start3A_1069] : memref<100000x64xf32, #tpu.memory_space<hbm>> -> memref<128x64xf32, #tpu.memory_space<hbm>>
    %dma_start3A_1071 = arith.constant 0 : i32
    %dma_start3A_1072 = arith.constant 0 : i32
    %dma_start3A_1073 = tpu.memref_slice %arg6[%dma_start3A_1062, %dma_start3A_1071, %dma_start3A_1072] : memref<6x128x128xf32, #tpu.memory_space<vmem>> -> memref<1x128x64xf32, #tpu.memory_space<vmem>>
    %dma_start3A_1074 = tpu.memref_squeeze %dma_start3A_1073 : memref<1x128x64xf32, #tpu.memory_space<vmem>> -> memref<128x64xf32, #tpu.memory_space<vmem>>
    tpu.enqueue_dma source(%dma_start3A_1074 : memref<128x64xf32, #tpu.memory_space<vmem>>) target(%dma_start3A_1070 : memref<128x64xf32, #tpu.memory_space<hbm>>) target_semaphore(%arg21 : memref<!tpu.dma_semaphore, #tpu.memory_space<semaphore_mem>>)
    %dma_wait3A_1075 = arith.constant 0 : i32
    %dma_wait3A_1076 = arith.constant 0 : i32
    %dma_wait3A_1077 = arith.constant 0 : i32
    %dma_wait3A_1078 = tpu.memref_slice %arg6[%dma_wait3A_1075, %dma_wait3A_1076, %dma_wait3A_1077] : memref<6x128x128xf32, #tpu.memory_space<vmem>> -> memref<1x128x64xf32, #tpu.memory_space<vmem>>
    %dma_wait3A_1079 = tpu.memref_squeeze %dma_wait3A_1078 : memref<1x128x64xf32, #tpu.memory_space<vmem>> -> memref<128x64xf32, #tpu.memory_space<vmem>>
    %dma_wait3A_1080 = arith.constant 0 : i32
    %dma_wait3A_1081 = tpu.memref_slice %arg4[%add3A_936, %dma_wait3A_1080] : memref<100000x64xf32, #tpu.memory_space<hbm>> -> memref<128x64xf32, #tpu.memory_space<hbm>>
    %dma_wait3A_1082 = arith.constant 0 : i32
    %dma_wait3A_1083 = tpu.memref_slice %arg4[%add3A_936, %dma_wait3A_1082] : memref<100000x64xf32, #tpu.memory_space<hbm>> -> memref<128x64xf32, #tpu.memory_space<hbm>>
    %dma_wait3A_1084 = arith.constant 0 : i32
    %dma_wait3A_1085 = arith.constant 0 : i32
    %dma_wait3A_1086 = tpu.memref_slice %arg6[%dma_wait3A_1075, %dma_wait3A_1084, %dma_wait3A_1085] : memref<6x128x128xf32, #tpu.memory_space<vmem>> -> memref<1x128x64xf32, #tpu.memory_space<vmem>>
    %dma_wait3A_1087 = tpu.memref_squeeze %dma_wait3A_1086 : memref<1x128x64xf32, #tpu.memory_space<vmem>> -> memref<128x64xf32, #tpu.memory_space<vmem>>
    tpu.wait_dma2 semaphore(%arg16 : memref<!tpu.dma_semaphore, #tpu.memory_space<semaphore_mem>>) src(%dma_wait3A_1087 : memref<128x64xf32, #tpu.memory_space<vmem>>) dst(%dma_wait3A_1083 : memref<128x64xf32, #tpu.memory_space<hbm>>)
    %dma_wait3A_1088 = arith.constant 1 : i32
    %dma_wait3A_1089 = arith.constant 0 : i32
    %dma_wait3A_1090 = arith.constant 0 : i32
    %dma_wait3A_1091 = tpu.memref_slice %arg6[%dma_wait3A_1088, %dma_wait3A_1089, %dma_wait3A_1090] : memref<6x128x128xf32, #tpu.memory_space<vmem>> -> memref<1x128x64xf32, #tpu.memory_space<vmem>>
    %dma_wait3A_1092 = tpu.memref_squeeze %dma_wait3A_1091 : memref<1x128x64xf32, #tpu.memory_space<vmem>> -> memref<128x64xf32, #tpu.memory_space<vmem>>
    %dma_wait3A_1093 = arith.constant 0 : i32
    %dma_wait3A_1094 = tpu.memref_slice %arg4[%add3A_961, %dma_wait3A_1093] : memref<100000x64xf32, #tpu.memory_space<hbm>> -> memref<128x64xf32, #tpu.memory_space<hbm>>
    %dma_wait3A_1095 = arith.constant 0 : i32
    %dma_wait3A_1096 = tpu.memref_slice %arg4[%add3A_961, %dma_wait3A_1095] : memref<100000x64xf32, #tpu.memory_space<hbm>> -> memref<128x64xf32, #tpu.memory_space<hbm>>
    %dma_wait3A_1097 = arith.constant 0 : i32
    %dma_wait3A_1098 = arith.constant 0 : i32
    %dma_wait3A_1099 = tpu.memref_slice %arg6[%dma_wait3A_1088, %dma_wait3A_1097, %dma_wait3A_1098] : memref<6x128x128xf32, #tpu.memory_space<vmem>> -> memref<1x128x64xf32, #tpu.memory_space<vmem>>
    %dma_wait3A_1100 = tpu.memref_squeeze %dma_wait3A_1099 : memref<1x128x64xf32, #tpu.memory_space<vmem>> -> memref<128x64xf32, #tpu.memory_space<vmem>>
    tpu.wait_dma2 semaphore(%arg17 : memref<!tpu.dma_semaphore, #tpu.memory_space<semaphore_mem>>) src(%dma_wait3A_1100 : memref<128x64xf32, #tpu.memory_space<vmem>>) dst(%dma_wait3A_1096 : memref<128x64xf32, #tpu.memory_space<hbm>>)
    %dma_wait3A_1101 = arith.constant 2 : i32
    %dma_wait3A_1102 = arith.constant 0 : i32
    %dma_wait3A_1103 = arith.constant 0 : i32
    %dma_wait3A_1104 = tpu.memref_slice %arg6[%dma_wait3A_1101, %dma_wait3A_1102, %dma_wait3A_1103] : memref<6x128x128xf32, #tpu.memory_space<vmem>> -> memref<1x128x64xf32, #tpu.memory_space<vmem>>
    %dma_wait3A_1105 = tpu.memref_squeeze %dma_wait3A_1104 : memref<1x128x64xf32, #tpu.memory_space<vmem>> -> memref<128x64xf32, #tpu.memory_space<vmem>>
    %dma_wait3A_1106 = arith.constant 0 : i32
    %dma_wait3A_1107 = tpu.memref_slice %arg4[%add3A_986, %dma_wait3A_1106] : memref<100000x64xf32, #tpu.memory_space<hbm>> -> memref<128x64xf32, #tpu.memory_space<hbm>>
    %dma_wait3A_1108 = arith.constant 0 : i32
    %dma_wait3A_1109 = tpu.memref_slice %arg4[%add3A_986, %dma_wait3A_1108] : memref<100000x64xf32, #tpu.memory_space<hbm>> -> memref<128x64xf32, #tpu.memory_space<hbm>>
    %dma_wait3A_1110 = arith.constant 0 : i32
    %dma_wait3A_1111 = arith.constant 0 : i32
    %dma_wait3A_1112 = tpu.memref_slice %arg6[%dma_wait3A_1101, %dma_wait3A_1110, %dma_wait3A_1111] : memref<6x128x128xf32, #tpu.memory_space<vmem>> -> memref<1x128x64xf32, #tpu.memory_space<vmem>>
    %dma_wait3A_1113 = tpu.memref_squeeze %dma_wait3A_1112 : memref<1x128x64xf32, #tpu.memory_space<vmem>> -> memref<128x64xf32, #tpu.memory_space<vmem>>
    tpu.wait_dma2 semaphore(%arg18 : memref<!tpu.dma_semaphore, #tpu.memory_space<semaphore_mem>>) src(%dma_wait3A_1113 : memref<128x64xf32, #tpu.memory_space<vmem>>) dst(%dma_wait3A_1109 : memref<128x64xf32, #tpu.memory_space<hbm>>)
    %dma_wait3A_1114 = arith.constant 3 : i32
    %dma_wait3A_1115 = arith.constant 0 : i32
    %dma_wait3A_1116 = arith.constant 0 : i32
    %dma_wait3A_1117 = tpu.memref_slice %arg6[%dma_wait3A_1114, %dma_wait3A_1115, %dma_wait3A_1116] : memref<6x128x128xf32, #tpu.memory_space<vmem>> -> memref<1x128x64xf32, #tpu.memory_space<vmem>>
    %dma_wait3A_1118 = tpu.memref_squeeze %dma_wait3A_1117 : memref<1x128x64xf32, #tpu.memory_space<vmem>> -> memref<128x64xf32, #tpu.memory_space<vmem>>
    %dma_wait3A_1119 = arith.constant 0 : i32
    %dma_wait3A_1120 = tpu.memref_slice %arg4[%add3A_1011, %dma_wait3A_1119] : memref<100000x64xf32, #tpu.memory_space<hbm>> -> memref<128x64xf32, #tpu.memory_space<hbm>>
    %dma_wait3A_1121 = arith.constant 0 : i32
    %dma_wait3A_1122 = tpu.memref_slice %arg4[%add3A_1011, %dma_wait3A_1121] : memref<100000x64xf32, #tpu.memory_space<hbm>> -> memref<128x64xf32, #tpu.memory_space<hbm>>
    %dma_wait3A_1123 = arith.constant 0 : i32
    %dma_wait3A_1124 = arith.constant 0 : i32
    %dma_wait3A_1125 = tpu.memref_slice %arg6[%dma_wait3A_1114, %dma_wait3A_1123, %dma_wait3A_1124] : memref<6x128x128xf32, #tpu.memory_space<vmem>> -> memref<1x128x64xf32, #tpu.memory_space<vmem>>
    %dma_wait3A_1126 = tpu.memref_squeeze %dma_wait3A_1125 : memref<1x128x64xf32, #tpu.memory_space<vmem>> -> memref<128x64xf32, #tpu.memory_space<vmem>>
    tpu.wait_dma2 semaphore(%arg19 : memref<!tpu.dma_semaphore, #tpu.memory_space<semaphore_mem>>) src(%dma_wait3A_1126 : memref<128x64xf32, #tpu.memory_space<vmem>>) dst(%dma_wait3A_1122 : memref<128x64xf32, #tpu.memory_space<hbm>>)
    %dma_wait3A_1127 = arith.constant 4 : i32
    %dma_wait3A_1128 = arith.constant 0 : i32
    %dma_wait3A_1129 = arith.constant 0 : i32
    %dma_wait3A_1130 = tpu.memref_slice %arg6[%dma_wait3A_1127, %dma_wait3A_1128, %dma_wait3A_1129] : memref<6x128x128xf32, #tpu.memory_space<vmem>> -> memref<1x128x64xf32, #tpu.memory_space<vmem>>
    %dma_wait3A_1131 = tpu.memref_squeeze %dma_wait3A_1130 : memref<1x128x64xf32, #tpu.memory_space<vmem>> -> memref<128x64xf32, #tpu.memory_space<vmem>>
    %dma_wait3A_1132 = arith.constant 0 : i32
    %dma_wait3A_1133 = tpu.memref_slice %arg4[%add3A_1036, %dma_wait3A_1132] : memref<100000x64xf32, #tpu.memory_space<hbm>> -> memref<128x64xf32, #tpu.memory_space<hbm>>
    %dma_wait3A_1134 = arith.constant 0 : i32
    %dma_wait3A_1135 = tpu.memref_slice %arg4[%add3A_1036, %dma_wait3A_1134] : memref<100000x64xf32, #tpu.memory_space<hbm>> -> memref<128x64xf32, #tpu.memory_space<hbm>>
    %dma_wait3A_1136 = arith.constant 0 : i32
    %dma_wait3A_1137 = arith.constant 0 : i32
    %dma_wait3A_1138 = tpu.memref_slice %arg6[%dma_wait3A_1127, %dma_wait3A_1136, %dma_wait3A_1137] : memref<6x128x128xf32, #tpu.memory_space<vmem>> -> memref<1x128x64xf32, #tpu.memory_space<vmem>>
    %dma_wait3A_1139 = tpu.memref_squeeze %dma_wait3A_1138 : memref<1x128x64xf32, #tpu.memory_space<vmem>> -> memref<128x64xf32, #tpu.memory_space<vmem>>
    tpu.wait_dma2 semaphore(%arg20 : memref<!tpu.dma_semaphore, #tpu.memory_space<semaphore_mem>>) src(%dma_wait3A_1139 : memref<128x64xf32, #tpu.memory_space<vmem>>) dst(%dma_wait3A_1135 : memref<128x64xf32, #tpu.memory_space<hbm>>)
    %dma_wait3A_1140 = arith.constant 5 : i32
    %dma_wait3A_1141 = arith.constant 0 : i32
    %dma_wait3A_1142 = arith.constant 0 : i32
    %dma_wait3A_1143 = tpu.memref_slice %arg6[%dma_wait3A_1140, %dma_wait3A_1141, %dma_wait3A_1142] : memref<6x128x128xf32, #tpu.memory_space<vmem>> -> memref<1x128x64xf32, #tpu.memory_space<vmem>>
    %dma_wait3A_1144 = tpu.memref_squeeze %dma_wait3A_1143 : memref<1x128x64xf32, #tpu.memory_space<vmem>> -> memref<128x64xf32, #tpu.memory_space<vmem>>
    %dma_wait3A_1145 = arith.constant 0 : i32
    %dma_wait3A_1146 = tpu.memref_slice %arg4[%add3A_1061, %dma_wait3A_1145] : memref<100000x64xf32, #tpu.memory_space<hbm>> -> memref<128x64xf32, #tpu.memory_space<hbm>>
    %dma_wait3A_1147 = arith.constant 0 : i32
    %dma_wait3A_1148 = tpu.memref_slice %arg4[%add3A_1061, %dma_wait3A_1147] : memref<100000x64xf32, #tpu.memory_space<hbm>> -> memref<128x64xf32, #tpu.memory_space<hbm>>
    %dma_wait3A_1149 = arith.constant 0 : i32
    %dma_wait3A_1150 = arith.constant 0 : i32
    %dma_wait3A_1151 = tpu.memref_slice %arg6[%dma_wait3A_1140, %dma_wait3A_1149, %dma_wait3A_1150] : memref<6x128x128xf32, #tpu.memory_space<vmem>> -> memref<1x128x64xf32, #tpu.memory_space<vmem>>
    %dma_wait3A_1152 = tpu.memref_squeeze %dma_wait3A_1151 : memref<1x128x64xf32, #tpu.memory_space<vmem>> -> memref<128x64xf32, #tpu.memory_space<vmem>>
    tpu.wait_dma2 semaphore(%arg21 : memref<!tpu.dma_semaphore, #tpu.memory_space<semaphore_mem>>) src(%dma_wait3A_1152 : memref<128x64xf32, #tpu.memory_space<vmem>>) dst(%dma_wait3A_1148 : memref<128x64xf32, #tpu.memory_space<hbm>>)
    %lt3A = arith.constant 13 : i32
    %lt3A_1153 = arith.cmpi slt, %add3A, %lt3A : i32
    %convert_element_type3A = arith.extui %lt3A_1153 : i1 to i32
    %cond3A = arith.constant 0 : i32
    %cond3A_1154 = arith.cmpi ne, %convert_element_type3A, %cond3A : i32
    scf.if %cond3A_1154 {
      %mul3A_1159 = arith.constant 128 : i32
      %mul3A_1160 = arith.muli %add3A, %mul3A_1159 : i32
      %add3A_1161 = arith.constant 98304 : i32
      %add3A_1162 = arith.addi %add3A_1161, %mul3A_1160 : i32
      "tpu.region"() ({
        %run_scoped3A_1179 = tpu.sem_alloc : memref<!tpu.dma_semaphore, #tpu.memory_space<semaphore_mem>>
        %dma_start3A_1180 = tpu.memref_slice %arg3[%add3A_1162] : memref<100000xi32, #tpu.memory_space<hbm>> -> memref<128xi32, #tpu.memory_space<hbm>>
        %dma_start3A_1181 = tpu.memref_slice %arg3[%add3A_1162] : memref<100000xi32, #tpu.memory_space<hbm>> -> memref<128xi32, #tpu.memory_space<hbm>>
        tpu.enqueue_dma source(%dma_start3A_1181 : memref<128xi32, #tpu.memory_space<hbm>>) target(%arg7 : memref<128xi32, #tpu.memory_space<vmem>>) target_semaphore(%run_scoped3A_1179 : memref<!tpu.dma_semaphore, #tpu.memory_space<semaphore_mem>>)
        %dma_wait3A_1182 = tpu.memref_slice %arg3[%add3A_1162] : memref<100000xi32, #tpu.memory_space<hbm>> -> memref<128xi32, #tpu.memory_space<hbm>>
        %dma_wait3A_1183 = tpu.memref_slice %arg3[%add3A_1162] : memref<100000xi32, #tpu.memory_space<hbm>> -> memref<128xi32, #tpu.memory_space<hbm>>
        tpu.wait_dma2 semaphore(%run_scoped3A_1179 : memref<!tpu.dma_semaphore, #tpu.memory_space<semaphore_mem>>) src(%dma_wait3A_1183 : memref<128xi32, #tpu.memory_space<hbm>>) dst(%arg7 : memref<128xi32, #tpu.memory_space<vmem>>)
        tpu.yield
      }) : () -> ()
      %dma_start3A_1163 = arith.constant 0 : i32
      %dma_start3A_1164 = arith.constant 0 : i32
      %dma_start3A_1165 = arith.constant 0 : i32
      %dma_start3A_1166 = tpu.memref_slice %arg6[%dma_start3A_1163, %dma_start3A_1164, %dma_start3A_1165] : memref<6x128x128xf32, #tpu.memory_space<vmem>> -> memref<1x128x128xf32, #tpu.memory_space<vmem>>
      %dma_start3A_1167 = tpu.memref_squeeze %dma_start3A_1166 : memref<1x128x128xf32, #tpu.memory_space<vmem>> -> memref<128x128xf32, #tpu.memory_space<vmem>>
      %dma_start3A_1168 = arith.constant 0 : i32
      %dma_start3A_1169 = arith.constant 0 : i32
      %dma_start3A_1170 = tpu.memref_slice %arg2[%dma_start3A_1168, %dma_start3A_1169] : memref<1000000x128xf32, #tpu.memory_space<hbm>> -> memref<1000000x128xf32, #tpu.memory_space<hbm>>
      tpu.enqueue_indirect_dma source(%dma_start3A_1170 : memref<1000000x128xf32, #tpu.memory_space<hbm>>) target(%dma_start3A_1167 : memref<128x128xf32, #tpu.memory_space<vmem>>) offsets(%arg7 : memref<128xi32, #tpu.memory_space<vmem>>) semaphore(%arg22 : memref<!tpu.dma_semaphore, #tpu.memory_space<semaphore_mem>>)
      %dma_wait3A_1171 = arith.constant 0 : i32
      %dma_wait3A_1172 = arith.constant 0 : i32
      %dma_wait3A_1173 = arith.constant 0 : i32
      %dma_wait3A_1174 = tpu.memref_slice %arg6[%dma_wait3A_1171, %dma_wait3A_1172, %dma_wait3A_1173] : memref<6x128x128xf32, #tpu.memory_space<vmem>> -> memref<1x128x128xf32, #tpu.memory_space<vmem>>
      %dma_wait3A_1175 = tpu.memref_squeeze %dma_wait3A_1174 : memref<1x128x128xf32, #tpu.memory_space<vmem>> -> memref<128x128xf32, #tpu.memory_space<vmem>>
      %dma_wait3A_1176 = arith.constant 0 : i32
      %dma_wait3A_1177 = arith.constant 0 : i32
      %dma_wait3A_1178 = tpu.memref_slice %arg2[%dma_wait3A_1176, %dma_wait3A_1177] : memref<1000000x128xf32, #tpu.memory_space<hbm>> -> memref<1000000x128xf32, #tpu.memory_space<hbm>>
      tpu.wait_indirect_dma semaphore(%arg22 : memref<!tpu.dma_semaphore, #tpu.memory_space<semaphore_mem>>) src(%dma_wait3A_1178 : memref<1000000x128xf32, #tpu.memory_space<hbm>>) dst(%dma_wait3A_1175 : memref<128x128xf32, #tpu.memory_space<vmem>>)
      %run_scoped3A = arith.constant 0 : i32
      "tpu.region"() ({
        %run_scoped3A_1179 = tpu.sem_alloc : memref<!tpu.dma_semaphore, #tpu.memory_space<semaphore_mem>>
        %dma_start3A_1180 = arith.constant 0 : i32
        %dma_start3A_1181 = arith.constant 0 : i32
        %dma_start3A_1182 = tpu.memref_slice %arg6[%run_scoped3A, %dma_start3A_1180, %dma_start3A_1181] : memref<6x128x128xf32, #tpu.memory_space<vmem>> -> memref<1x128x64xf32, #tpu.memory_space<vmem>>
        %dma_start3A_1183 = tpu.memref_squeeze %dma_start3A_1182 : memref<1x128x64xf32, #tpu.memory_space<vmem>> -> memref<128x64xf32, #tpu.memory_space<vmem>>
        %dma_start3A_1184 = arith.constant 0 : i32
        %dma_start3A_1185 = tpu.memref_slice %arg4[%add3A_1162, %dma_start3A_1184] : memref<100000x64xf32, #tpu.memory_space<hbm>> -> memref<128x64xf32, #tpu.memory_space<hbm>>
        %dma_start3A_1186 = arith.constant 0 : i32
        %dma_start3A_1187 = tpu.memref_slice %arg4[%add3A_1162, %dma_start3A_1186] : memref<100000x64xf32, #tpu.memory_space<hbm>> -> memref<128x64xf32, #tpu.memory_space<hbm>>
        %dma_start3A_1188 = arith.constant 0 : i32
        %dma_start3A_1189 = arith.constant 0 : i32
        %dma_start3A_1190 = tpu.memref_slice %arg6[%run_scoped3A, %dma_start3A_1188, %dma_start3A_1189] : memref<6x128x128xf32, #tpu.memory_space<vmem>> -> memref<1x128x64xf32, #tpu.memory_space<vmem>>
        %dma_start3A_1191 = tpu.memref_squeeze %dma_start3A_1190 : memref<1x128x64xf32, #tpu.memory_space<vmem>> -> memref<128x64xf32, #tpu.memory_space<vmem>>
        tpu.enqueue_dma source(%dma_start3A_1191 : memref<128x64xf32, #tpu.memory_space<vmem>>) target(%dma_start3A_1187 : memref<128x64xf32, #tpu.memory_space<hbm>>) target_semaphore(%run_scoped3A_1179 : memref<!tpu.dma_semaphore, #tpu.memory_space<semaphore_mem>>)
        %dma_wait3A_1192 = arith.constant 0 : i32
        %dma_wait3A_1193 = arith.constant 0 : i32
        %dma_wait3A_1194 = tpu.memref_slice %arg6[%run_scoped3A, %dma_wait3A_1192, %dma_wait3A_1193] : memref<6x128x128xf32, #tpu.memory_space<vmem>> -> memref<1x128x64xf32, #tpu.memory_space<vmem>>
        %dma_wait3A_1195 = tpu.memref_squeeze %dma_wait3A_1194 : memref<1x128x64xf32, #tpu.memory_space<vmem>> -> memref<128x64xf32, #tpu.memory_space<vmem>>
        %dma_wait3A_1196 = arith.constant 0 : i32
        %dma_wait3A_1197 = tpu.memref_slice %arg4[%add3A_1162, %dma_wait3A_1196] : memref<100000x64xf32, #tpu.memory_space<hbm>> -> memref<128x64xf32, #tpu.memory_space<hbm>>
        %dma_wait3A_1198 = arith.constant 0 : i32
        %dma_wait3A_1199 = tpu.memref_slice %arg4[%add3A_1162, %dma_wait3A_1198] : memref<100000x64xf32, #tpu.memory_space<hbm>> -> memref<128x64xf32, #tpu.memory_space<hbm>>
        %dma_wait3A_1200 = arith.constant 0 : i32
        %dma_wait3A_1201 = arith.constant 0 : i32
        %dma_wait3A_1202 = tpu.memref_slice %arg6[%run_scoped3A, %dma_wait3A_1200, %dma_wait3A_1201] : memref<6x128x128xf32, #tpu.memory_space<vmem>> -> memref<1x128x64xf32, #tpu.memory_space<vmem>>
        %dma_wait3A_1203 = tpu.memref_squeeze %dma_wait3A_1202 : memref<1x128x64xf32, #tpu.memory_space<vmem>> -> memref<128x64xf32, #tpu.memory_space<vmem>>
        tpu.wait_dma2 semaphore(%run_scoped3A_1179 : memref<!tpu.dma_semaphore, #tpu.memory_space<semaphore_mem>>) src(%dma_wait3A_1203 : memref<128x64xf32, #tpu.memory_space<vmem>>) dst(%dma_wait3A_1199 : memref<128x64xf32, #tpu.memory_space<hbm>>)
        tpu.yield
      }) : () -> ()
    } else {
    }
    %eq3A = arith.constant 13 : i32
    %eq3A_1155 = arith.cmpi eq, %add3A, %eq3A : i32
    %convert_element_type3A_1156 = arith.extui %eq3A_1155 : i1 to i32
    %cond3A_1157 = arith.constant 0 : i32
    %cond3A_1158 = arith.cmpi ne, %convert_element_type3A_1156, %cond3A_1157 : i32
    scf.if %cond3A_1158 {
      "tpu.region"() ({
        %run_scoped3A = tpu.sem_alloc : memref<!tpu.dma_semaphore, #tpu.memory_space<semaphore_mem>>
        %dma_start3A_1165 = arith.constant 99968 : i32
        %dma_start3A_1166 = tpu.memref_slice %arg3[%dma_start3A_1165] : memref<100000xi32, #tpu.memory_space<hbm>> -> memref<32xi32, #tpu.memory_space<hbm>>
        %dma_start3A_1167 = arith.constant 99968 : i32
        %dma_start3A_1168 = tpu.memref_slice %arg3[%dma_start3A_1167] : memref<100000xi32, #tpu.memory_space<hbm>> -> memref<32xi32, #tpu.memory_space<hbm>>
        tpu.enqueue_dma source(%dma_start3A_1168 : memref<32xi32, #tpu.memory_space<hbm>>) target(%arg8 : memref<32xi32, #tpu.memory_space<vmem>>) target_semaphore(%run_scoped3A : memref<!tpu.dma_semaphore, #tpu.memory_space<semaphore_mem>>)
        %dma_wait3A_1169 = arith.constant 99968 : i32
        %dma_wait3A_1170 = tpu.memref_slice %arg3[%dma_wait3A_1169] : memref<100000xi32, #tpu.memory_space<hbm>> -> memref<32xi32, #tpu.memory_space<hbm>>
        %dma_wait3A_1171 = arith.constant 99968 : i32
        %dma_wait3A_1172 = tpu.memref_slice %arg3[%dma_wait3A_1171] : memref<100000xi32, #tpu.memory_space<hbm>> -> memref<32xi32, #tpu.memory_space<hbm>>
        tpu.wait_dma2 semaphore(%run_scoped3A : memref<!tpu.dma_semaphore, #tpu.memory_space<semaphore_mem>>) src(%dma_wait3A_1172 : memref<32xi32, #tpu.memory_space<hbm>>) dst(%arg8 : memref<32xi32, #tpu.memory_space<vmem>>)
        tpu.yield
      }) : () -> ()
      %dma_start3A_1159 = arith.constant 0 : i32
      %dma_start3A_1160 = arith.constant 0 : i32
      %dma_start3A_1161 = tpu.memref_slice %arg2[%dma_start3A_1159, %dma_start3A_1160] : memref<1000000x128xf32, #tpu.memory_space<hbm>> -> memref<1000000x128xf32, #tpu.memory_space<hbm>>
      tpu.enqueue_indirect_dma source(%dma_start3A_1161 : memref<1000000x128xf32, #tpu.memory_space<hbm>>) target(%arg9 : memref<32x128xf32, #tpu.memory_space<vmem>>) offsets(%arg8 : memref<32xi32, #tpu.memory_space<vmem>>) semaphore(%arg22 : memref<!tpu.dma_semaphore, #tpu.memory_space<semaphore_mem>>)
      %dma_wait3A_1162 = arith.constant 0 : i32
      %dma_wait3A_1163 = arith.constant 0 : i32
      %dma_wait3A_1164 = tpu.memref_slice %arg2[%dma_wait3A_1162, %dma_wait3A_1163] : memref<1000000x128xf32, #tpu.memory_space<hbm>> -> memref<1000000x128xf32, #tpu.memory_space<hbm>>
      tpu.wait_indirect_dma semaphore(%arg22 : memref<!tpu.dma_semaphore, #tpu.memory_space<semaphore_mem>>) src(%dma_wait3A_1164 : memref<1000000x128xf32, #tpu.memory_space<hbm>>) dst(%arg9 : memref<32x128xf32, #tpu.memory_space<vmem>>)
      "tpu.region"() ({
        %run_scoped3A = tpu.sem_alloc : memref<!tpu.dma_semaphore, #tpu.memory_space<semaphore_mem>>
        %dma_start3A_1165 = arith.constant 0 : i32
        %dma_start3A_1166 = arith.constant 0 : i32
        %dma_start3A_1167 = tpu.memref_slice %arg9[%dma_start3A_1165, %dma_start3A_1166] : memref<32x128xf32, #tpu.memory_space<vmem>> -> memref<32x64xf32, #tpu.memory_space<vmem>>
        %dma_start3A_1168 = arith.constant 99968 : i32
        %dma_start3A_1169 = arith.constant 0 : i32
        %dma_start3A_1170 = tpu.memref_slice %arg4[%dma_start3A_1168, %dma_start3A_1169] : memref<100000x64xf32, #tpu.memory_space<hbm>> -> memref<32x64xf32, #tpu.memory_space<hbm>>
        %dma_start3A_1171 = arith.constant 99968 : i32
        %dma_start3A_1172 = arith.constant 0 : i32
        %dma_start3A_1173 = tpu.memref_slice %arg4[%dma_start3A_1171, %dma_start3A_1172] : memref<100000x64xf32, #tpu.memory_space<hbm>> -> memref<32x64xf32, #tpu.memory_space<hbm>>
        %dma_start3A_1174 = arith.constant 0 : i32
        %dma_start3A_1175 = arith.constant 0 : i32
        %dma_start3A_1176 = tpu.memref_slice %arg9[%dma_start3A_1174, %dma_start3A_1175] : memref<32x128xf32, #tpu.memory_space<vmem>> -> memref<32x64xf32, #tpu.memory_space<vmem>>
        tpu.enqueue_dma source(%dma_start3A_1176 : memref<32x64xf32, #tpu.memory_space<vmem>>) target(%dma_start3A_1173 : memref<32x64xf32, #tpu.memory_space<hbm>>) target_semaphore(%run_scoped3A : memref<!tpu.dma_semaphore, #tpu.memory_space<semaphore_mem>>)
        %dma_wait3A_1177 = arith.constant 0 : i32
        %dma_wait3A_1178 = arith.constant 0 : i32
        %dma_wait3A_1179 = tpu.memref_slice %arg9[%dma_wait3A_1177, %dma_wait3A_1178] : memref<32x128xf32, #tpu.memory_space<vmem>> -> memref<32x64xf32, #tpu.memory_space<vmem>>
        %dma_wait3A_1180 = arith.constant 99968 : i32
        %dma_wait3A_1181 = arith.constant 0 : i32
        %dma_wait3A_1182 = tpu.memref_slice %arg4[%dma_wait3A_1180, %dma_wait3A_1181] : memref<100000x64xf32, #tpu.memory_space<hbm>> -> memref<32x64xf32, #tpu.memory_space<hbm>>
        %dma_wait3A_1183 = arith.constant 99968 : i32
        %dma_wait3A_1184 = arith.constant 0 : i32
        %dma_wait3A_1185 = tpu.memref_slice %arg4[%dma_wait3A_1183, %dma_wait3A_1184] : memref<100000x64xf32, #tpu.memory_space<hbm>> -> memref<32x64xf32, #tpu.memory_space<hbm>>
        %dma_wait3A_1186 = arith.constant 0 : i32
        %dma_wait3A_1187 = arith.constant 0 : i32
        %dma_wait3A_1188 = tpu.memref_slice %arg9[%dma_wait3A_1186, %dma_wait3A_1187] : memref<32x128xf32, #tpu.memory_space<vmem>> -> memref<32x64xf32, #tpu.memory_space<vmem>>
        tpu.wait_dma2 semaphore(%run_scoped3A : memref<!tpu.dma_semaphore, #tpu.memory_space<semaphore_mem>>) src(%dma_wait3A_1188 : memref<32x64xf32, #tpu.memory_space<vmem>>) dst(%dma_wait3A_1185 : memref<32x64xf32, #tpu.memory_space<hbm>>)
        tpu.yield
      }) : () -> ()
    } else {
    }
    return
  }
}

</mosaic_0001>

<sc_bundles>
// kernel: kernel.3.cloned.1.call-start
scs
__scs_entry_jumppad:
0x0: {  	(pc) =	sbr.rel $0x88, $3  }
0x1: {  	(tag) =	ssettag $0x0;
	lr =	simm.s32 $0x1  }
0x2: {  	[smem:$0x3F9F] =	sst lr;
	_ =	strace $0xD0000000  }
0x3: {  	_ = 	snop  }
0x4: {  	_ = 	snop  }
0x5: {  	_ = 	snop  }
0x6: {  	_ = 	snop  }
0x7: {  	_ = 	snop  }
__scs_overlays_trampoline_lowered:
0x8: {  	[smem:$0x3FAE] =	sst s0  }
0x9: {  	[smem:$0x3FAF] =	sst s1  }
0xa: {  	[smem:$0x3FB0] =	sst s2  }
0xb: {  	[smem:$0x3FB1] =	sst s3  }
0xc: {  	[smem:$0x3FB2] =	sst s4  }
0xd: {  	[smem:$0x3FB3] =	sst s5  }
0xe: {  	[smem:$0x3FB4] =	sst s6  }
0xf: {  	[smem:$0x3FB5] =	sst s7  }
0x10: {  	[smem:$0x3FB6] =	sst s8  }
0x11: {  	[smem:$0x3FB7] =	sst s9;
	s0 =	simm.s32 @!p0 $0x0  }
0x12: {  	s1 =	sld [smem:$0x3F9D];
	s0 =	simm.s32 @p0 $0x1  }
0x13: {  	[smem:$0x3FB8] =	sst s0;
	s0 =	simm.s32 @!p1 $0x0  }
0x14: {  	s2 =	sld [smem:$0x3F9C];
	s0 =	simm.s32 @p1 $0x1  }
0x15: {  	[smem:$0x3FB9] =	sst s0;
	s0 =	simm.s32 @!p2 $0x0  }
0x16: {  	s3 =	sld [smem:$0x3FDB];
	s0 =	simm.s32 @p2 $0x1  }
0x17: {  	s4 =	simm.s32 $0x1BF5;
	[smem:$0x3FBB] =	sst s0  }
0x18: {  	s0 =	sld [smem:$0x3F9E];
	_ =	swait.ge [sflag:s4], $0x0  }
0x19: {  	s7 =	sld [smem:$0x3F9F]  }
0x1a: {  	s8 =	sadd.s32 $0xFFFFE003, lr  }
0x1b: {  	s9 =	sadd.s32 $0xFFFFFEF7, lr;
	s5 =	simm.s32 $0xFFFFFFFF;
	p2 =	slt.u32 s8, $0xFFFFF086  }
0x1c: {  	p1 =	slt.u32 s9, $0xF7A;
	s5 =	simm.s32 @!p2 $0x0  }
0x1d: {  	s5 =	simm.s32 @p1 $0x1;
	p0 =	seq.s32 s7, s2  }
0x1e: {  	s7 =	smul.u32 @!p0 $0xF7A, s2;
	p2 =	seq.s32 @!p0 s5, $0x0  }
0x1f: {  	s9 =	smul.u32 $0xF7A, s1;
	s8 =	simm.s32 @!p0 $0x1BF5;
	p2 =	por !p2, p0  }
0x20: {  	[sflag:s8] =	ssyncset.s32 @!p0 $0xFFFFF086;
	s6 =	sadd.s32 @!p0 s3, s7;
	s7 =	simm.s32 @!p0 $0x108  }
0x21: {  	s3 =	sadd.s32 s3, s9;
	s6 =	sadd.s32 @!p0 $0x88, s6;
	s7 =	simm.s32 @p2 $0x1082  }
0x22: {  	[simem:s7], [sflag:s8] =	dma.local @!p0 [hbm:s6], $0xF7A  }
0x23: {  	s9 =	sor.u32 $0xD0000000, s2;
	s6 =	simm.s32 $0x108;
	_ =	swait.ge @!p0 [sflag:s8], $0x0  }
0x24: {  	s3 =	sadd.s32 $0x88, s3;
	s6 =	simm.s32 @!p1 $0x1082;
	[sflag:s4] =	ssyncset.s32 $0xFFFFF086  }
0x25: {  	[simem:s6], [sflag:s4] =	dma.local [hbm:s3], $0xF7A  }
0x26: {  	[smem:$0x3F9F] =	sst s1;
	(tag) =	ssettag s2;
	_ =	strace s9  }
0x27: {  	s1 =	sld [smem:$0x3FAF]  }
0x28: {  	s2 =	sld [smem:$0x3FB0]  }
0x29: {  	s4 =	sld [smem:$0x3FB2]  }
0x2a: {  	p0 =	seq.s32 s5, $0x0;
	s5 =	sld [smem:$0x3FB3]  }
0x2b: {  	s6 =	sld [smem:$0x3FB4]  }
0x2c: {  	s7 =	sld [smem:$0x3FB5]  }
0x2d: {  	s3 =	simm.s32 $0x108;
	s8 =	sld [smem:$0x3FB6]  }
0x2e: {  	s3 =	simm.s32 @!p0 $0x1082;
	s9 =	sld [smem:$0x3FB7]  }
0x2f: {  	lr =	sadd.s32 s0, s3;
	s0 =	sld [smem:$0x3FAE]  }
0x30: {  	s3 =	sld [smem:$0x3FB1]  }
0x31: {  	[smem:$0x3FBA] =	sst s10  }
0x32: {  	s10 =	sld [smem:$0x3FB8];
	_ =	sdelay $0x3  }
0x33: {  	p0 =	seq.s32 s10, $0x1;
	s10 =	sld [smem:$0x3FBA];
	_ =	sdelay $0x3  }
0x34: {  	[smem:$0x3FBA] =	sst s10  }
0x35: {  	s10 =	sld [smem:$0x3FB9];
	_ =	sdelay $0x3  }
0x36: {  	p1 =	seq.s32 s10, $0x1;
	s10 =	sld [smem:$0x3FBA];
	_ =	sdelay $0x3  }
0x37: {  	[smem:$0x3FBA] =	sst s10  }
0x38: {  	s10 =	sld [smem:$0x3FBB]  }
0x39: {  	_ = 	snop;
	(pc) =	sbr.ind lr, $3  }
0x3a: {  	_ = 	snop  }
0x3b: {  	_ = 	snop  }
0x3c: {  	p2 =	seq.s32 s10, $0x1;
	s10 =	sld [smem:$0x3FBA]  }
0x3d: {  	_ =	shalt  }
0x3e: {  	_ =	shalt  }
0x3f: {  	_ =	shalt  }
0x40: {  	_ =	shalt  }
0x41: {  	_ =	shalt  }
0x42: {  	_ =	shalt  }
0x43: {  	_ =	shalt  }
0x44: {  	_ =	shalt  }
0x45: {  	_ =	shalt  }
0x46: {  	_ =	shalt  }
0x47: {  	_ =	shalt  }
0x48: {  	_ =	shalt  }
0x49: {  	_ =	shalt  }
0x4a: {  	_ =	shalt  }
0x4b: {  	_ =	shalt  }
0x4c: {  	_ =	shalt  }
0x4d: {  	_ =	shalt  }
0x4e: {  	_ =	shalt  }
0x4f: {  	_ =	shalt  }
0x50: {  	_ =	shalt  }
0x51: {  	_ =	shalt  }
0x52: {  	_ =	shalt  }
0x53: {  	_ =	shalt  }
0x54: {  	_ =	shalt  }
0x55: {  	_ =	shalt  }
0x56: {  	_ =	shalt  }
0x57: {  	_ =	shalt  }
0x58: {  	_ =	shalt  }
0x59: {  	_ =	shalt  }
0x5a: {  	_ =	shalt  }
0x5b: {  	_ =	shalt  }
0x5c: {  	_ =	shalt  }
0x5d: {  	_ =	shalt  }
0x5e: {  	_ =	shalt  }
0x5f: {  	_ =	shalt  }
0x60: {  	_ =	shalt  }
0x61: {  	_ =	shalt  }
0x62: {  	_ =	shalt  }
0x63: {  	_ =	shalt  }
0x64: {  	_ =	shalt  }
0x65: {  	_ =	shalt  }
0x66: {  	_ =	shalt  }
0x67: {  	_ =	shalt  }
0x68: {  	_ =	shalt  }
0x69: {  	_ =	shalt  }
0x6a: {  	_ =	shalt  }
0x6b: {  	_ =	shalt  }
0x6c: {  	_ =	shalt  }
0x6d: {  	_ =	shalt  }
0x6e: {  	_ =	shalt  }
0x6f: {  	_ =	shalt  }
0x70: {  	_ =	shalt  }
0x71: {  	_ =	shalt  }
0x72: {  	_ =	shalt  }
0x73: {  	_ =	shalt  }
0x74: {  	_ =	shalt  }
0x75: {  	_ =	shalt  }
0x76: {  	_ =	shalt  }
0x77: {  	_ =	shalt  }
0x78: {  	_ =	shalt  }
0x79: {  	_ =	shalt  }
0x7a: {  	_ =	shalt  }
0x7b: {  	_ =	shalt  }
0x7c: {  	_ =	shalt  }
0x7d: {  	_ =	shalt  }
0x7e: {  	_ =	shalt  }
0x7f: {  	_ =	shalt  }
0x80: {  	_ =	shalt  }
0x81: {  	_ =	shalt  }
0x82: {  	_ =	shalt  }
0x83: {  	_ =	shalt  }
0x84: {  	_ =	shalt  }
0x85: {  	_ =	shalt  }
0x86: {  	_ =	shalt  }
0x87: {  	_ =	shalt  }
.Lfunc_end0:
.L_simem_size_0:
called_computation_lowered:
.L_overlay_start_0:
0x88: {  	s2 =	sld [smem:$0x3FD9]  }
0x89: {  	s3 =	sld [smem:$0x3FFE];
	_ =	sdelay $0x1  }
0x8a: {  	s1 =	srdreg.scid  }
0x8b: {  	s0 =	sand.u32 $0x1, s1  }
0x8c: {  	s17 =	sshll.u32 s0, $0xA;
	s2 =	sadd.s32 s3, s2  }
0x8d: {  	s2 =	sadd.s32 s2, s17  }
0x8e: {  	[smem:$0x3FC6] =	sst s2  }
0x8f: {  	_ = 	snop  }
0x90: {  	s2 =	sld [smem:$0x3FC9]  }
0x91: {  	s18 =	sld [smem:$0x3FD0];
	(tm) =	ssettm $0x1  }
0x92: {  	s4 =	sld [smem:$0x3FFB];
	_ =	sdelay $0x3  }
0x93: {  	_ =	strace s4  }
0x94: {  	s4 =	sld [smem:$0x3FFC];
	_ =	sdelay $0x3  }
0x95: {  	_ =	strace s4  }
0x96: {  	s4 =	sld [smem:$0x3FFD];
	_ =	sdelay $0x3  }
0x97: {  	_ =	strace s4  }
0x98: {  	_ =	strace $0x8FFFFFFF  }
0x99: {  	s19 =	sld [smem:$0x3FDB];
	_ =	sdelay $0x1  }
0x9a: {  	s5 =	simm.s32 $_scs_section_size  }
0x9b: {  	s6 =	simm.s32 $_size__tile_overlayer_lowered;
	s7 =	simm.s32 $_tile_overlayer_lowered  }
0x9c: {  	s22 =	simm.s32 $0x1BFF;
	s21 =	sshll.u32 s7, $0x1;
	s4 =	sadd.s32 s5, s19  }
0x9d: {  	s8 =	simm.s32 $0x0;
	s20 =	sshll.u32 s6, $0x1;
	s6 =	sadd.s32 s21, s4  }
0x9e: {  	[timem:s8], [sflag:s22] =	dma.local [hbm:s6], s20  }
0x9f: {  	_ =	swait.ge [sflag:s22], s20  }
0xa0: {  	s5 =	ssub.s32 $0x0, s20;
	[sflag:s22] =	ssyncset.done $0x0  }
0xa1: {  	[sflag:s22] =	ssyncadd.s32 s5;
	_ =	sdelay $0x1  }
0xa2: {  	s23 =	simm.s32 $0x1B8B  }
0xa3: {  	_ =	swait.ge [sflag:s23], $0x1  }
0xa4: {  	[sflag:s23] =	ssyncset.done $0x0  }
0xa5: {  	s25 =	simm.s32 $0x1B8E;
	s24 =	sld [smem:$0x3FFE];
	[sflag:s23] =	ssyncadd.s32 $0xFFFFFFFF  }
0xa6: {  	s26 =	simm.s32 $execute0_lowered;
	[smem:$0x3FD2] =	sst s25  }
0xa7: {  	s6 =	sshll.u32 s26, $0x1;
	_ =	strace $0x80000046;
	[dreg:$0x1] =	wrdreg $0xFFFFFFFF  }
0xa8: {  	s28 =	simm.s32 $_size_execute0_lowered;
	s4 =	sadd.s32 s4, s6;
	[dreg:$0x0] =	wrdreg $0x0  }
0xa9: {  	s6 =	sshll.u32 s28, $0x1;
	[dreg:$0x2] =	wrdreg s4  }
0xaa: {  	[dreg:$0x3] =	wrdreg s6  }
0xab: {  	[dreg:$0x4] =	wrdreg $0xC0  }
0xac: {  	_ =	task [dreg:s8], $0x5FFFF  }
0xad: {  	[dreg:$0x1] =	wrdreg $0xFFFFFFFF  }
0xae: {  	[dreg:$0x0] =	wrdreg $0x60  }
0xaf: {  	[dreg:$0x2] =	wrdreg s24  }
0xb0: {  	[dreg:$0x3] =	wrdreg s2  }
0xb1: {  	[dreg:$0x4] =	wrdreg s18  }
0xb2: {  	[dreg:$0x5] =	wrdreg $0x9  }
0xb3: {  	_ =	task.clear_ibuf [dreg:s8], $0x6FFFF;
	_ =	strace $0x90000046  }
0xb4: {  	s29 =	simm.s32 $0x9;
	_ =	strace $0x80000048  }
0xb5: {  	_ =	swait.ge [sflag:s29], $0x1  }
0xb6: {  	[sflag:s29] =	ssyncadd.s32 $0xFFFFFFFF  }
0xb7: {  	_ =	strace $0x90000048  }
0xb8: {  	_ =	sfence  }
0xb9: {  	s30 =	sld [smem:$0x0];
	_ =	sdelay $0x2  }
0xba: {  	s31 =	sshll.u32 s1, $0xD;
	s1 =	sshrl.u32 s1, $0x2  }
0xbb: {  	s3 =	sand.u32 $0x4000, s31;
	s1 =	sadd.s32 s1, s30  }
0xbc: {  	s0 =	sor.u32 s3, s0;
	s1 =	sshll.u32 s1, $0x11  }
0xbd: {  	s0 =	sor.u32 s1, s0  }
0xbe: {  	s0 =	sadd.s32 $0x8F2B, s0  }
0xbf: {  	[sflag:s0] =	ssyncadd.remote.s32 $0x1  }
0xc0: {  	_ =	sfence.sel $0xFFFF  }
0xc1: {  	[dreg:$0x0] =	wrdreg $0xFFFFFFFF;
	(pc) =	sbr.abs _section_cstart, $3  }
0xc2: {  	[dreg:$0x1] =	wrdreg $0xFFFFFFFF  }
0xc3: {  	_ =	task.clear_ibuf [dreg:s8], $0x2FFFF;
	_ =	strace $0x9FFFFFFF  }
0xc4: {  	(tm) =	ssettm $0x7FFFFFFF  }
0xc5: {  	_ =	shalt  }
tec
execute0_lowered:
.L_overlay_start_1:
0x0: {  	(tag) =	ssettag $0x1  }
0x1: {  	s0 =	rddreg [dreg:$0x0]  }
0x2: {  	s1 =	srdreg.scid;
	s2 =	stileid.u32  }
0x3: {  	s3 =	rddreg [dreg:$0x1];
	s1 =	sand.u32 $0x1, s1;
	s2 =	sshll.u32 s2, $0x1  }
0x4: {  	s4 =	rddreg [dreg:$0x2];
	s0 =	sadd.s32 $0xF42800, s0;
	s20 =	sor.u32 s1, s2  }
0x5: {  	s26 =	sadd.s32 $0x30D0, s3;
	s2 =	simm.s32 $0x0;
	s5 =	smul.u32 $0x180, s20  }
0x6: {  	s1 =	ssub.s32 $0x2, s1;
	[smem:$0x7FF] =	sst s2;
	s6 =	smul.u32 $0x30000, s20  }
0x7: {  	s7 =	sshrl.u32 s1, $0x1;
	s8 =	smul.u32 $0x6000, s20;
	s21 =	sshll.u32 s20, $0x7  }
0x8: {  	p0 =	sgt.u32 s20, $0xC;
	p1 =	sne.s32 s20, $0xD;
	_ =	strace $0x80000047  }
0x9: {  	[dreg:$0x4] =	wrdreg s0;
	s0 =	ssub.s32 s1, s7;
	s21 =	sor.u32 $0x18000, s21  }
0xa: {  	[dreg:$0x7] =	wrdreg s26;
	s24 =	sshrl.u32 s6, $0x3;
	s5 =	sadd.s32 s3, s5  }
0xb: {  	s22 =	sshrl.u32 s21, $0x3;
	s23 =	sshll.u32 s21, $0x3;
	s0 =	smax.u32 s0, $0x1  }
0xc: {  	[dreg:$0x5] =	wrdreg s5;
	s5 =	sadd.s32 s4, s8;
	s1 =	sadd.s32 s4, s24  }
0xd: {  	s25 =	sadd.s32 s3, s22;
	s23 =	sadd.s32 s4, s23;
	[dreg:$0x8] =	wrdreg s0  }
0xe: {  	s6 =	sadd.s32 $0x2000, s1;
	s7 =	sadd.s32 $0x2400, s1;
	s8 =	sadd.s32 $0x2800, s1  }
0xf: {  	s9 =	sadd.s32 $0x2C00, s1;
	s10 =	sadd.s32 $0x3000, s1;
	s11 =	sadd.s32 $0x3400, s1  }
0x10: {  	s12 =	sadd.s32 $0x3800, s1;
	s13 =	sadd.s32 $0x3C00, s1;
	s14 =	sadd.s32 $0x4000, s1  }
0x11: {  	s15 =	sadd.s32 $0x4400, s1;
	s16 =	sadd.s32 $0x4800, s1;
	s17 =	sadd.s32 $0x4C00, s1  }
.Ltmp0:
0x12: {  	s18 =	sadd.s32 $0x5000, s1;
	s19 =	sadd.s32 $0x5400, s1;
	(pc) =	sbr.rel .LBB2_1-.Ltmp0, $4  }
0x13: {  	s20 =	sadd.s32 $0x5800, s1;
	s21 =	sadd.s32 $0x5C00, s1;
	[dreg:$0x6] =	wrdreg s25  }
0x14: {  	s25 =	sadd.s32 $0xC3400, s4;
	s28 =	sadd.s32 $0x400, s5;
	s29 =	sadd.s32 $0x800, s5  }
0x15: {  	s30 =	sadd.s32 $0xC00, s5;
	s31 =	sadd.s32 $0x1000, s5;
	s1 =	sadd.s32 $0x1400, s5  }
0x16: {  	s0 =	sadd.s32 $0x1800, s5;
	s24 =	sadd.s32 $0x1C00, s5;
	s4 =	simm.s32 $0x0  }
.LBB2_56:
0x17: {  	[hbm4b:s3+s2] =	stream.linear.scatter [tilespmem:s22], [sflag:$0xE], $0x40, $0x38;
	[tilespmem:$0x19CA0] =	vst v63  }
0x18: {  	s26 =	simm.s32 $0xE  }
0x19: {  	_ =	swait.ge [sflag:s26], $0x800  }
0x1a: {  	[sflag:s26] =	ssyncset.done $0x0  }
0x1b: {  	s4 =	rddreg [dreg:$0x9];
	[sflag:s26] =	ssyncadd.s32 $0xFFFFF800  }
.LBB2_57:
0x1c: {  	s4 =	sadd.s32 $0x1, s4;
	s3 =	rddreg [dreg:$0x8]  }
0x1d: {  	p2 =	sne.s32 s4, s3  }
.Ltmp1:
0x1e: {  	_ = 	snop;
	(pc) =	sbr.rel @!p2 .LBB2_58-.Ltmp1, $1  }
0x1f: {  	_ =	sdelay $0x3  }
.LBB2_1:
0x20: {  	[dreg:$0x9] =	wrdreg s4  }
0x21: {  	s3 =	rddreg [dreg:$0x5];
	s22 =	simm.s32 $0xE  }
0x22: {  	[tilespmem:s2], [sflag:$0xE] =	stream.linear.gather [hbm4b:s3+s2], $0xC00, $0x38;
	[tilespmem:$0x19CA0] =	vst v63  }
0x23: {  	_ =	swait.ge [sflag:s22], $0xC00  }
0x24: {  	s4 =	simm.s32 $0x80;
	[sflag:s22] =	ssyncset.done $0x0  }
0x25: {  	s3 =	rddreg [dreg:$0x4];
	[sflag:s22] =	ssyncadd.s32 $0xFFFFF400;
	s22 =	simm.s32 $0xC00  }
0x26: {  	[tilespmem:s22], [sflag:$0x1] =	stream.indirect.gather [hbm4b:s3+s4], $0x80, s2, s4, $0xb8;
	[tilespmem:$0x19CA0] =	vst v63  }
0x27: {  	s26 =	simm.s32 $0x4C00  }
0x28: {  	[tilespmem:s26], [sflag:$0x2] =	stream.indirect.gather [hbm4b:s3+s4], $0x80, s4, s4, $0xb8;
	[tilespmem:$0x19CA0] =	vst v63  }
0x29: {  	s22 =	simm.s32 $0x100;
	s26 =	simm.s32 $0x8C00  }
0x2a: {  	[tilespmem:s26], [sflag:$0x3] =	stream.indirect.gather [hbm4b:s3+s4], $0x80, s22, s4, $0xb8;
	[tilespmem:$0x19CA0] =	vst v63  }
0x2b: {  	s22 =	simm.s32 $0x180;
	s26 =	simm.s32 $0xCC00  }
0x2c: {  	[tilespmem:s26], [sflag:$0x4] =	stream.indirect.gather [hbm4b:s3+s4], $0x80, s22, s4, $0xb8;
	[tilespmem:$0x19CA0] =	vst v63  }
0x2d: {  	s22 =	simm.s32 $0x200;
	s26 =	simm.s32 $0x10C00  }
0x2e: {  	[tilespmem:s26], [sflag:$0x5] =	stream.indirect.gather [hbm4b:s3+s4], $0x80, s22, s4, $0xb8;
	[tilespmem:$0x19CA0] =	vst v63  }
0x2f: {  	s22 =	simm.s32 $0x280;
	s26 =	simm.s32 $0x14C00  }
0x30: {  	[tilespmem:s26], [sflag:$0x6] =	stream.indirect.gather [hbm4b:s3+s4], $0x80, s22, s4, $0xb8;
	[tilespmem:$0x19CA0] =	vst v63  }
0x31: {  	s26 =	simm.s32 $0x1  }
0x32: {  	_ =	swait.ge [sflag:s26], $0x4000  }
0x33: {  	s22 =	simm.s32 $0x8;
	s3 =	sadd.s32 $0x0, s5;
	[sflag:s26] =	ssyncset.done $0x0  }
0x34: {  	s4 =	simm.s32 $0xC00;
	[sflag:s26] =	ssyncadd.s32 $0xFFFFC000;
	s26 =	simm.s32 $0xC80  }
.LBB2_2:
0x35: {  	[hbm4b:s3+s2] =	stream.linear.scatter [tilespmem:s4], [sflag:$0x7], $0x40, $0x38;
	[tilespmem:$0x19CA0] =	vst v63  }
0x36: {  	s3 =	smov.u32 s22;
	s4 =	smov.u32 s26;
	p2 =	sne.s32 s22, $0x3F8  }
.Ltmp2:
0x37: {  	s22 =	sadd.s32 $0x8, s22;
	(pc) =	sbr.rel @p2 .LBB2_2-.Ltmp2, $2  }
0x38: {  	_ =	sdelay $0x2  }
0x39: {  	s26 =	sadd.s32 $0x80, s26;
	s3 =	sadd.s32 s3, s5  }
0x3a: {  	[hbm4b:s3+s2] =	stream.linear.scatter [tilespmem:s4], [sflag:$0x7], $0x40, $0x38;
	[tilespmem:$0x19CA0] =	vst v63  }
0x3b: {  	s22 =	simm.s32 $0x7  }
0x3c: {  	_ =	swait.ge [sflag:s22], $0x2000  }
0x3d: {  	s4 =	simm.s32 $0x80;
	s26 =	simm.s32 $0xC00;
	[sflag:s22] =	ssyncset.done $0x0  }
0x3e: {  	s3 =	rddreg [dreg:$0x4];
	[sflag:s22] =	ssyncadd.s32 $0xFFFFE000;
	s22 =	simm.s32 $0x300  }
0x3f: {  	[tilespmem:s26], [sflag:$0x1] =	stream.indirect.gather [hbm4b:s3+s4], $0x80, s22, s4, $0xb8;
	[tilespmem:$0x19CA0] =	vst v63  }
0x40: {  	s26 =	simm.s32 $0x2  }
0x41: {  	_ =	swait.ge [sflag:s26], $0x4000  }
0x42: {  	s22 =	simm.s32 $0x4C00;
	s3 =	sadd.s32 $0x0, s28;
	[sflag:s26] =	ssyncset.done $0x0  }
0x43: {  	s4 =	simm.s32 $0x4C80;
	[sflag:s26] =	ssyncadd.s32 $0xFFFFC000;
	s26 =	simm.s32 $0x8  }
.LBB2_4:
0x44: {  	[hbm4b:s3+s2] =	stream.linear.scatter [tilespmem:s22], [sflag:$0x8], $0x40, $0x38;
	[tilespmem:$0x19CA0] =	vst v63  }
0x45: {  	s3 =	smov.u32 s26;
	s22 =	smov.u32 s4;
	p2 =	sne.s32 s26, $0x3F8  }
.Ltmp3:
0x46: {  	s26 =	sadd.s32 $0x8, s26;
	(pc) =	sbr.rel @p2 .LBB2_4-.Ltmp3, $2  }
0x47: {  	_ =	sdelay $0x2  }
0x48: {  	s4 =	sadd.s32 $0x80, s4;
	s3 =	sadd.s32 s3, s28  }
0x49: {  	[hbm4b:s3+s2] =	stream.linear.scatter [tilespmem:s22], [sflag:$0x8], $0x40, $0x38;
	[tilespmem:$0x19CA0] =	vst v63  }
0x4a: {  	s22 =	simm.s32 $0x8  }
0x4b: {  	_ =	swait.ge [sflag:s22], $0x2000  }
0x4c: {  	s4 =	simm.s32 $0x80;
	s26 =	simm.s32 $0x380;
	[sflag:s22] =	ssyncset.done $0x0  }
0x4d: {  	s3 =	rddreg [dreg:$0x4];
	[sflag:s22] =	ssyncadd.s32 $0xFFFFE000;
	s22 =	simm.s32 $0x4C00  }
0x4e: {  	[tilespmem:s22], [sflag:$0x2] =	stream.indirect.gather [hbm4b:s3+s4], $0x80, s26, s4, $0xb8;
	[tilespmem:$0x19CA0] =	vst v63  }
0x4f: {  	s26 =	simm.s32 $0x3  }
0x50: {  	_ =	swait.ge [sflag:s26], $0x4000  }
0x51: {  	s22 =	simm.s32 $0x8C00;
	s3 =	sadd.s32 $0x0, s29;
	[sflag:s26] =	ssyncset.done $0x0  }
0x52: {  	s4 =	simm.s32 $0x8C80;
	[sflag:s26] =	ssyncadd.s32 $0xFFFFC000;
	s26 =	simm.s32 $0x8  }
.LBB2_6:
0x53: {  	[hbm4b:s3+s2] =	stream.linear.scatter [tilespmem:s22], [sflag:$0x9], $0x40, $0x38;
	[tilespmem:$0x19CA0] =	vst v63  }
0x54: {  	s3 =	smov.u32 s26;
	s22 =	smov.u32 s4;
	p2 =	sne.s32 s26, $0x3F8  }
.Ltmp4:
0x55: {  	s26 =	sadd.s32 $0x8, s26;
	(pc) =	sbr.rel @p2 .LBB2_6-.Ltmp4, $2  }
0x56: {  	_ =	sdelay $0x2  }
0x57: {  	s4 =	sadd.s32 $0x80, s4;
	s3 =	sadd.s32 s3, s29  }
0x58: {  	[hbm4b:s3+s2] =	stream.linear.scatter [tilespmem:s22], [sflag:$0x9], $0x40, $0x38;
	[tilespmem:$0x19CA0] =	vst v63  }
0x59: {  	s22 =	simm.s32 $0x9  }
0x5a: {  	_ =	swait.ge [sflag:s22], $0x2000  }
0x5b: {  	s4 =	simm.s32 $0x80;
	s26 =	simm.s32 $0x400;
	[sflag:s22] =	ssyncset.done $0x0  }
0x5c: {  	s3 =	rddreg [dreg:$0x4];
	[sflag:s22] =	ssyncadd.s32 $0xFFFFE000;
	s22 =	simm.s32 $0x8C00  }
0x5d: {  	[tilespmem:s22], [sflag:$0x3] =	stream.indirect.gather [hbm4b:s3+s4], $0x80, s26, s4, $0xb8;
	[tilespmem:$0x19CA0] =	vst v63  }
0x5e: {  	s26 =	simm.s32 $0x4  }
0x5f: {  	_ =	swait.ge [sflag:s26], $0x4000  }
0x60: {  	s22 =	simm.s32 $0xCC00;
	s3 =	sadd.s32 $0x0, s30;
	[sflag:s26] =	ssyncset.done $0x0  }
0x61: {  	s4 =	simm.s32 $0xCC80;
	[sflag:s26] =	ssyncadd.s32 $0xFFFFC000;
	s26 =	simm.s32 $0x8  }
.LBB2_8:
0x62: {  	[hbm4b:s3+s2] =	stream.linear.scatter [tilespmem:s22], [sflag:$0xA], $0x40, $0x38;
	[tilespmem:$0x19CA0] =	vst v63  }
0x63: {  	s3 =	smov.u32 s26;
	s22 =	smov.u32 s4;
	p2 =	sne.s32 s26, $0x3F8  }
.Ltmp5:
0x64: {  	s26 =	sadd.s32 $0x8, s26;
	(pc) =	sbr.rel @p2 .LBB2_8-.Ltmp5, $2  }
0x65: {  	_ =	sdelay $0x2  }
0x66: {  	s4 =	sadd.s32 $0x80, s4;
	s3 =	sadd.s32 s3, s30  }
0x67: {  	[hbm4b:s3+s2] =	stream.linear.scatter [tilespmem:s22], [sflag:$0xA], $0x40, $0x38;
	[tilespmem:$0x19CA0] =	vst v63  }
0x68: {  	s22 =	simm.s32 $0xA  }
0x69: {  	_ =	swait.ge [sflag:s22], $0x2000  }
0x6a: {  	s4 =	simm.s32 $0x80;
	s26 =	simm.s32 $0x480;
	[sflag:s22] =	ssyncset.done $0x0  }
0x6b: {  	s3 =	rddreg [dreg:$0x4];
	[sflag:s22] =	ssyncadd.s32 $0xFFFFE000;
	s22 =	simm.s32 $0xCC00  }
0x6c: {  	[tilespmem:s22], [sflag:$0x4] =	stream.indirect.gather [hbm4b:s3+s4], $0x80, s26, s4, $0xb8;
	[tilespmem:$0x19CA0] =	vst v63  }
0x6d: {  	s26 =	simm.s32 $0x5  }
0x6e: {  	_ =	swait.ge [sflag:s26], $0x4000  }
0x6f: {  	s22 =	simm.s32 $0x10C00;
	s3 =	sadd.s32 $0x0, s31;
	[sflag:s26] =	ssyncset.done $0x0  }
0x70: {  	s4 =	simm.s32 $0x10C80;
	[sflag:s26] =	ssyncadd.s32 $0xFFFFC000;
	s26 =	simm.s32 $0x8  }
.LBB2_10:
0x71: {  	[hbm4b:s3+s2] =	stream.linear.scatter [tilespmem:s22], [sflag:$0xB], $0x40, $0x38;
	[tilespmem:$0x19CA0] =	vst v63  }
0x72: {  	s3 =	smov.u32 s26;
	s22 =	smov.u32 s4;
	p2 =	sne.s32 s26, $0x3F8  }
.Ltmp6:
0x73: {  	s26 =	sadd.s32 $0x8, s26;
	(pc) =	sbr.rel @p2 .LBB2_10-.Ltmp6, $2  }
0x74: {  	_ =	sdelay $0x2  }
0x75: {  	s4 =	sadd.s32 $0x80, s4;
	s3 =	sadd.s32 s3, s31  }
0x76: {  	[hbm4b:s3+s2] =	stream.linear.scatter [tilespmem:s22], [sflag:$0xB], $0x40, $0x38;
	[tilespmem:$0x19CA0] =	vst v63  }
0x77: {  	s22 =	simm.s32 $0xB  }
0x78: {  	_ =	swait.ge [sflag:s22], $0x2000  }
0x79: {  	s4 =	simm.s32 $0x80;
	s26 =	simm.s32 $0x500;
	[sflag:s22] =	ssyncset.done $0x0  }
0x7a: {  	s3 =	rddreg [dreg:$0x4];
	[sflag:s22] =	ssyncadd.s32 $0xFFFFE000;
	s22 =	simm.s32 $0x10C00  }
0x7b: {  	[tilespmem:s22], [sflag:$0x5] =	stream.indirect.gather [hbm4b:s3+s4], $0x80, s26, s4, $0xb8;
	[tilespmem:$0x19CA0] =	vst v63  }
0x7c: {  	s26 =	simm.s32 $0x6  }
0x7d: {  	_ =	swait.ge [sflag:s26], $0x4000  }
0x7e: {  	s22 =	simm.s32 $0x14C00;
	s3 =	sadd.s32 $0x0, s1;
	[sflag:s26] =	ssyncset.done $0x0  }
0x7f: {  	s4 =	simm.s32 $0x14C80;
	[sflag:s26] =	ssyncadd.s32 $0xFFFFC000;
	s26 =	simm.s32 $0x8  }
.LBB2_12:
0x80: {  	[hbm4b:s3+s2] =	stream.linear.scatter [tilespmem:s22], [sflag:$0xC], $0x40, $0x38;
	[tilespmem:$0x19CA0] =	vst v63  }
0x81: {  	s3 =	smov.u32 s26;
	s22 =	smov.u32 s4;
	p2 =	sne.s32 s26, $0x3F8  }
.Ltmp7:
0x82: {  	s26 =	sadd.s32 $0x8, s26;
	(pc) =	sbr.rel @p2 .LBB2_12-.Ltmp7, $2  }
0x83: {  	_ =	sdelay $0x2  }
0x84: {  	s4 =	sadd.s32 $0x80, s4;
	s3 =	sadd.s32 s3, s1  }
0x85: {  	[hbm4b:s3+s2] =	stream.linear.scatter [tilespmem:s22], [sflag:$0xC], $0x40, $0x38;
	[tilespmem:$0x19CA0] =	vst v63  }
0x86: {  	s22 =	simm.s32 $0xC  }
0x87: {  	_ =	swait.ge [sflag:s22], $0x2000  }
0x88: {  	s4 =	simm.s32 $0x80;
	s26 =	simm.s32 $0x580;
	[sflag:s22] =	ssyncset.done $0x0  }
0x89: {  	s3 =	rddreg [dreg:$0x4];
	[sflag:s22] =	ssyncadd.s32 $0xFFFFE000;
	s22 =	simm.s32 $0x14C00  }
0x8a: {  	[tilespmem:s22], [sflag:$0x6] =	stream.indirect.gather [hbm4b:s3+s4], $0x80, s26, s4, $0xb8;
	[tilespmem:$0x19CA0] =	vst v63  }
0x8b: {  	s26 =	simm.s32 $0x1  }
0x8c: {  	_ =	swait.ge [sflag:s26], $0x4000  }
0x8d: {  	s22 =	simm.s32 $0xC00;
	s3 =	sadd.s32 $0x0, s0;
	[sflag:s26] =	ssyncset.done $0x0  }
0x8e: {  	s4 =	simm.s32 $0xC80;
	[sflag:s26] =	ssyncadd.s32 $0xFFFFC000;
	s26 =	simm.s32 $0x8  }
.LBB2_14:
0x8f: {  	[hbm4b:s3+s2] =	stream.linear.scatter [tilespmem:s22], [sflag:$0x7], $0x40, $0x38;
	[tilespmem:$0x19CA0] =	vst v63  }
0x90: {  	s3 =	smov.u32 s26;
	s22 =	smov.u32 s4;
	p2 =	sne.s32 s26, $0x3F8  }
.Ltmp8:
0x91: {  	s26 =	sadd.s32 $0x8, s26;
	(pc) =	sbr.rel @p2 .LBB2_14-.Ltmp8, $2  }
0x92: {  	_ =	sdelay $0x2  }
0x93: {  	s4 =	sadd.s32 $0x80, s4;
	s3 =	sadd.s32 s3, s0  }
0x94: {  	[hbm4b:s3+s2] =	stream.linear.scatter [tilespmem:s22], [sflag:$0x7], $0x40, $0x38;
	[tilespmem:$0x19CA0] =	vst v63  }
0x95: {  	s22 =	simm.s32 $0x7  }
0x96: {  	_ =	swait.ge [sflag:s22], $0x2000  }
0x97: {  	s4 =	simm.s32 $0x80;
	s26 =	simm.s32 $0x600;
	[sflag:s22] =	ssyncset.done $0x0  }
0x98: {  	s3 =	rddreg [dreg:$0x4];
	[sflag:s22] =	ssyncadd.s32 $0xFFFFE000;
	s22 =	simm.s32 $0xC00  }
0x99: {  	[tilespmem:s22], [sflag:$0x1] =	stream.indirect.gather [hbm4b:s3+s4], $0x80, s26, s4, $0xb8;
	[tilespmem:$0x19CA0] =	vst v63  }
0x9a: {  	s26 =	simm.s32 $0x2  }
0x9b: {  	_ =	swait.ge [sflag:s26], $0x4000  }
0x9c: {  	s22 =	simm.s32 $0x4C00;
	s3 =	sadd.s32 $0x0, s24;
	[sflag:s26] =	ssyncset.done $0x0  }
0x9d: {  	s4 =	simm.s32 $0x4C80;
	[sflag:s26] =	ssyncadd.s32 $0xFFFFC000;
	s26 =	simm.s32 $0x8  }
.LBB2_16:
0x9e: {  	[hbm4b:s3+s2] =	stream.linear.scatter [tilespmem:s22], [sflag:$0x8], $0x40, $0x38;
	[tilespmem:$0x19CA0] =	vst v63  }
0x9f: {  	s3 =	smov.u32 s26;
	s22 =	smov.u32 s4;
	p2 =	sne.s32 s26, $0x3F8  }
.Ltmp9:
0xa0: {  	s26 =	sadd.s32 $0x8, s26;
	(pc) =	sbr.rel @p2 .LBB2_16-.Ltmp9, $2  }
0xa1: {  	_ =	sdelay $0x2  }
0xa2: {  	s4 =	sadd.s32 $0x80, s4;
	s3 =	sadd.s32 s3, s24  }
0xa3: {  	[hbm4b:s3+s2] =	stream.linear.scatter [tilespmem:s22], [sflag:$0x8], $0x40, $0x38;
	[tilespmem:$0x19CA0] =	vst v63  }
0xa4: {  	s22 =	simm.s32 $0x8  }
0xa5: {  	_ =	swait.ge [sflag:s22], $0x2000  }
0xa6: {  	s4 =	simm.s32 $0x80;
	s26 =	simm.s32 $0x680;
	[sflag:s22] =	ssyncset.done $0x0  }
0xa7: {  	s3 =	rddreg [dreg:$0x4];
	[sflag:s22] =	ssyncadd.s32 $0xFFFFE000;
	s22 =	simm.s32 $0x4C00  }
0xa8: {  	[tilespmem:s22], [sflag:$0x2] =	stream.indirect.gather [hbm4b:s3+s4], $0x80, s26, s4, $0xb8;
	[tilespmem:$0x19CA0] =	vst v63  }
0xa9: {  	s26 =	simm.s32 $0x3  }
0xaa: {  	_ =	swait.ge [sflag:s26], $0x4000  }
0xab: {  	s22 =	simm.s32 $0x8C00;
	s3 =	sadd.s32 $0x0, s6;
	[sflag:s26] =	ssyncset.done $0x0  }
0xac: {  	s4 =	simm.s32 $0x8C80;
	[sflag:s26] =	ssyncadd.s32 $0xFFFFC000;
	s26 =	simm.s32 $0x8  }
.LBB2_18:
0xad: {  	[hbm4b:s3+s2] =	stream.linear.scatter [tilespmem:s22], [sflag:$0x9], $0x40, $0x38;
	[tilespmem:$0x19CA0] =	vst v63  }
0xae: {  	s3 =	smov.u32 s26;
	s22 =	smov.u32 s4;
	p2 =	sne.s32 s26, $0x3F8  }
.Ltmp10:
0xaf: {  	s26 =	sadd.s32 $0x8, s26;
	(pc) =	sbr.rel @p2 .LBB2_18-.Ltmp10, $2  }
0xb0: {  	_ =	sdelay $0x2  }
0xb1: {  	s4 =	sadd.s32 $0x80, s4;
	s3 =	sadd.s32 s3, s6  }
0xb2: {  	[hbm4b:s3+s2] =	stream.linear.scatter [tilespmem:s22], [sflag:$0x9], $0x40, $0x38;
	[tilespmem:$0x19CA0] =	vst v63  }
0xb3: {  	s22 =	simm.s32 $0x9  }
0xb4: {  	_ =	swait.ge [sflag:s22], $0x2000  }
0xb5: {  	s4 =	simm.s32 $0x80;
	s26 =	simm.s32 $0x700;
	[sflag:s22] =	ssyncset.done $0x0  }
0xb6: {  	s3 =	rddreg [dreg:$0x4];
	[sflag:s22] =	ssyncadd.s32 $0xFFFFE000;
	s22 =	simm.s32 $0x8C00  }
0xb7: {  	[tilespmem:s22], [sflag:$0x3] =	stream.indirect.gather [hbm4b:s3+s4], $0x80, s26, s4, $0xb8;
	[tilespmem:$0x19CA0] =	vst v63  }
0xb8: {  	s26 =	simm.s32 $0x4  }
0xb9: {  	_ =	swait.ge [sflag:s26], $0x4000  }
0xba: {  	s22 =	simm.s32 $0xCC00;
	s3 =	sadd.s32 $0x0, s7;
	[sflag:s26] =	ssyncset.done $0x0  }
0xbb: {  	s4 =	simm.s32 $0xCC80;
	[sflag:s26] =	ssyncadd.s32 $0xFFFFC000;
	s26 =	simm.s32 $0x8  }
.LBB2_20:
0xbc: {  	[hbm4b:s3+s2] =	stream.linear.scatter [tilespmem:s22], [sflag:$0xA], $0x40, $0x38;
	[tilespmem:$0x19CA0] =	vst v63  }
0xbd: {  	s3 =	smov.u32 s26;
	s22 =	smov.u32 s4;
	p2 =	sne.s32 s26, $0x3F8  }
.Ltmp11:
0xbe: {  	s26 =	sadd.s32 $0x8, s26;
	(pc) =	sbr.rel @p2 .LBB2_20-.Ltmp11, $2  }
0xbf: {  	_ =	sdelay $0x2  }
0xc0: {  	s4 =	sadd.s32 $0x80, s4;
	s3 =	sadd.s32 s3, s7  }
0xc1: {  	[hbm4b:s3+s2] =	stream.linear.scatter [tilespmem:s22], [sflag:$0xA], $0x40, $0x38;
	[tilespmem:$0x19CA0] =	vst v63  }
0xc2: {  	s22 =	simm.s32 $0xA  }
0xc3: {  	_ =	swait.ge [sflag:s22], $0x2000  }
0xc4: {  	s4 =	simm.s32 $0x80;
	s26 =	simm.s32 $0x780;
	[sflag:s22] =	ssyncset.done $0x0  }
0xc5: {  	s3 =	rddreg [dreg:$0x4];
	[sflag:s22] =	ssyncadd.s32 $0xFFFFE000;
	s22 =	simm.s32 $0xCC00  }
0xc6: {  	[tilespmem:s22], [sflag:$0x4] =	stream.indirect.gather [hbm4b:s3+s4], $0x80, s26, s4, $0xb8;
	[tilespmem:$0x19CA0] =	vst v63  }
0xc7: {  	s26 =	simm.s32 $0x5  }
0xc8: {  	_ =	swait.ge [sflag:s26], $0x4000  }
0xc9: {  	s22 =	simm.s32 $0x10C00;
	s3 =	sadd.s32 $0x0, s8;
	[sflag:s26] =	ssyncset.done $0x0  }
0xca: {  	s4 =	simm.s32 $0x10C80;
	[sflag:s26] =	ssyncadd.s32 $0xFFFFC000;
	s26 =	simm.s32 $0x8  }
.LBB2_22:
0xcb: {  	[hbm4b:s3+s2] =	stream.linear.scatter [tilespmem:s22], [sflag:$0xB], $0x40, $0x38;
	[tilespmem:$0x19CA0] =	vst v63  }
0xcc: {  	s3 =	smov.u32 s26;
	s22 =	smov.u32 s4;
	p2 =	sne.s32 s26, $0x3F8  }
.Ltmp12:
0xcd: {  	s26 =	sadd.s32 $0x8, s26;
	(pc) =	sbr.rel @p2 .LBB2_22-.Ltmp12, $2  }
0xce: {  	_ =	sdelay $0x2  }
0xcf: {  	s4 =	sadd.s32 $0x80, s4;
	s3 =	sadd.s32 s3, s8  }
0xd0: {  	[hbm4b:s3+s2] =	stream.linear.scatter [tilespmem:s22], [sflag:$0xB], $0x40, $0x38;
	[tilespmem:$0x19CA0] =	vst v63  }
0xd1: {  	s22 =	simm.s32 $0xB  }
0xd2: {  	_ =	swait.ge [sflag:s22], $0x2000  }
0xd3: {  	s4 =	simm.s32 $0x80;
	s26 =	simm.s32 $0x800;
	[sflag:s22] =	ssyncset.done $0x0  }
0xd4: {  	s3 =	rddreg [dreg:$0x4];
	[sflag:s22] =	ssyncadd.s32 $0xFFFFE000;
	s22 =	simm.s32 $0x10C00  }
0xd5: {  	[tilespmem:s22], [sflag:$0x5] =	stream.indirect.gather [hbm4b:s3+s4], $0x80, s26, s4, $0xb8;
	[tilespmem:$0x19CA0] =	vst v63  }
0xd6: {  	s26 =	simm.s32 $0x6  }
0xd7: {  	_ =	swait.ge [sflag:s26], $0x4000  }
0xd8: {  	s22 =	simm.s32 $0x14C00;
	s3 =	sadd.s32 $0x0, s9;
	[sflag:s26] =	ssyncset.done $0x0  }
0xd9: {  	s4 =	simm.s32 $0x14C80;
	[sflag:s26] =	ssyncadd.s32 $0xFFFFC000;
	s26 =	simm.s32 $0x8  }
.LBB2_24:
0xda: {  	[hbm4b:s3+s2] =	stream.linear.scatter [tilespmem:s22], [sflag:$0xC], $0x40, $0x38;
	[tilespmem:$0x19CA0] =	vst v63  }
0xdb: {  	s3 =	smov.u32 s26;
	s22 =	smov.u32 s4;
	p2 =	sne.s32 s26, $0x3F8  }
.Ltmp13:
0xdc: {  	s26 =	sadd.s32 $0x8, s26;
	(pc) =	sbr.rel @p2 .LBB2_24-.Ltmp13, $2  }
0xdd: {  	_ =	sdelay $0x2  }
0xde: {  	s4 =	sadd.s32 $0x80, s4;
	s3 =	sadd.s32 s3, s9  }
0xdf: {  	[hbm4b:s3+s2] =	stream.linear.scatter [tilespmem:s22], [sflag:$0xC], $0x40, $0x38;
	[tilespmem:$0x19CA0] =	vst v63  }
0xe0: {  	s22 =	simm.s32 $0xC  }
0xe1: {  	_ =	swait.ge [sflag:s22], $0x2000  }
0xe2: {  	s4 =	simm.s32 $0x80;
	s26 =	simm.s32 $0x880;
	[sflag:s22] =	ssyncset.done $0x0  }
0xe3: {  	s3 =	rddreg [dreg:$0x4];
	[sflag:s22] =	ssyncadd.s32 $0xFFFFE000;
	s22 =	simm.s32 $0x14C00  }
0xe4: {  	[tilespmem:s22], [sflag:$0x6] =	stream.indirect.gather [hbm4b:s3+s4], $0x80, s26, s4, $0xb8;
	[tilespmem:$0x19CA0] =	vst v63  }
0xe5: {  	s26 =	simm.s32 $0x1  }
0xe6: {  	_ =	swait.ge [sflag:s26], $0x4000  }
0xe7: {  	s22 =	simm.s32 $0xC00;
	s3 =	sadd.s32 $0x0, s10;
	[sflag:s26] =	ssyncset.done $0x0  }
0xe8: {  	s4 =	simm.s32 $0xC80;
	[sflag:s26] =	ssyncadd.s32 $0xFFFFC000;
	s26 =	simm.s32 $0x8  }
.LBB2_26:
0xe9: {  	[hbm4b:s3+s2] =	stream.linear.scatter [tilespmem:s22], [sflag:$0x7], $0x40, $0x38;
	[tilespmem:$0x19CA0] =	vst v63  }
0xea: {  	s3 =	smov.u32 s26;
	s22 =	smov.u32 s4;
	p2 =	sne.s32 s26, $0x3F8  }
.Ltmp14:
0xeb: {  	s26 =	sadd.s32 $0x8, s26;
	(pc) =	sbr.rel @p2 .LBB2_26-.Ltmp14, $2  }
0xec: {  	_ =	sdelay $0x2  }
0xed: {  	s4 =	sadd.s32 $0x80, s4;
	s3 =	sadd.s32 s3, s10  }
0xee: {  	[hbm4b:s3+s2] =	stream.linear.scatter [tilespmem:s22], [sflag:$0x7], $0x40, $0x38;
	[tilespmem:$0x19CA0] =	vst v63  }
0xef: {  	s22 =	simm.s32 $0x7  }
0xf0: {  	_ =	swait.ge [sflag:s22], $0x2000  }
0xf1: {  	s4 =	simm.s32 $0x80;
	s26 =	simm.s32 $0x900;
	[sflag:s22] =	ssyncset.done $0x0  }
0xf2: {  	s3 =	rddreg [dreg:$0x4];
	[sflag:s22] =	ssyncadd.s32 $0xFFFFE000;
	s22 =	simm.s32 $0xC00  }
0xf3: {  	[tilespmem:s22], [sflag:$0x1] =	stream.indirect.gather [hbm4b:s3+s4], $0x80, s26, s4, $0xb8;
	[tilespmem:$0x19CA0] =	vst v63  }
0xf4: {  	s26 =	simm.s32 $0x2  }
0xf5: {  	_ =	swait.ge [sflag:s26], $0x4000  }
0xf6: {  	s22 =	simm.s32 $0x4C00;
	s3 =	sadd.s32 $0x0, s11;
	[sflag:s26] =	ssyncset.done $0x0  }
0xf7: {  	s4 =	simm.s32 $0x4C80;
	[sflag:s26] =	ssyncadd.s32 $0xFFFFC000;
	s26 =	simm.s32 $0x8  }
.LBB2_28:
0xf8: {  	[hbm4b:s3+s2] =	stream.linear.scatter [tilespmem:s22], [sflag:$0x8], $0x40, $0x38;
	[tilespmem:$0x19CA0] =	vst v63  }
0xf9: {  	s3 =	smov.u32 s26;
	s22 =	smov.u32 s4;
	p2 =	sne.s32 s26, $0x3F8  }
.Ltmp15:
0xfa: {  	s26 =	sadd.s32 $0x8, s26;
	(pc) =	sbr.rel @p2 .LBB2_28-.Ltmp15, $2  }
0xfb: {  	_ =	sdelay $0x2  }
0xfc: {  	s4 =	sadd.s32 $0x80, s4;
	s3 =	sadd.s32 s3, s11  }
0xfd: {  	[hbm4b:s3+s2] =	stream.linear.scatter [tilespmem:s22], [sflag:$0x8], $0x40, $0x38;
	[tilespmem:$0x19CA0] =	vst v63  }
0xfe: {  	s22 =	simm.s32 $0x8  }
0xff: {  	_ =	swait.ge [sflag:s22], $0x2000  }
0x100: {  	s4 =	simm.s32 $0x80;
	s26 =	simm.s32 $0x980;
	[sflag:s22] =	ssyncset.done $0x0  }
0x101: {  	s3 =	rddreg [dreg:$0x4];
	[sflag:s22] =	ssyncadd.s32 $0xFFFFE000;
	s22 =	simm.s32 $0x4C00  }
0x102: {  	[tilespmem:s22], [sflag:$0x2] =	stream.indirect.gather [hbm4b:s3+s4], $0x80, s26, s4, $0xb8;
	[tilespmem:$0x19CA0] =	vst v63  }
0x103: {  	s26 =	simm.s32 $0x3  }
0x104: {  	_ =	swait.ge [sflag:s26], $0x4000  }
0x105: {  	s22 =	simm.s32 $0x8C00;
	s3 =	sadd.s32 $0x0, s12;
	[sflag:s26] =	ssyncset.done $0x0  }
0x106: {  	s4 =	simm.s32 $0x8C80;
	[sflag:s26] =	ssyncadd.s32 $0xFFFFC000;
	s26 =	simm.s32 $0x8  }
.LBB2_30:
0x107: {  	[hbm4b:s3+s2] =	stream.linear.scatter [tilespmem:s22], [sflag:$0x9], $0x40, $0x38;
	[tilespmem:$0x19CA0] =	vst v63  }
0x108: {  	s3 =	smov.u32 s26;
	s22 =	smov.u32 s4;
	p2 =	sne.s32 s26, $0x3F8  }
.Ltmp16:
0x109: {  	s26 =	sadd.s32 $0x8, s26;
	(pc) =	sbr.rel @p2 .LBB2_30-.Ltmp16, $2  }
0x10a: {  	_ =	sdelay $0x2  }
0x10b: {  	s4 =	sadd.s32 $0x80, s4;
	s3 =	sadd.s32 s3, s12  }
0x10c: {  	[hbm4b:s3+s2] =	stream.linear.scatter [tilespmem:s22], [sflag:$0x9], $0x40, $0x38;
	[tilespmem:$0x19CA0] =	vst v63  }
0x10d: {  	s22 =	simm.s32 $0x9  }
0x10e: {  	_ =	swait.ge [sflag:s22], $0x2000  }
0x10f: {  	s4 =	simm.s32 $0x80;
	s26 =	simm.s32 $0xA00;
	[sflag:s22] =	ssyncset.done $0x0  }
0x110: {  	s3 =	rddreg [dreg:$0x4];
	[sflag:s22] =	ssyncadd.s32 $0xFFFFE000;
	s22 =	simm.s32 $0x8C00  }
0x111: {  	[tilespmem:s22], [sflag:$0x3] =	stream.indirect.gather [hbm4b:s3+s4], $0x80, s26, s4, $0xb8;
	[tilespmem:$0x19CA0] =	vst v63  }
0x112: {  	s26 =	simm.s32 $0x4  }
0x113: {  	_ =	swait.ge [sflag:s26], $0x4000  }
0x114: {  	s22 =	simm.s32 $0xCC00;
	s3 =	sadd.s32 $0x0, s13;
	[sflag:s26] =	ssyncset.done $0x0  }
0x115: {  	s4 =	simm.s32 $0xCC80;
	[sflag:s26] =	ssyncadd.s32 $0xFFFFC000;
	s26 =	simm.s32 $0x8  }
.LBB2_32:
0x116: {  	[hbm4b:s3+s2] =	stream.linear.scatter [tilespmem:s22], [sflag:$0xA], $0x40, $0x38;
	[tilespmem:$0x19CA0] =	vst v63  }
0x117: {  	s3 =	smov.u32 s26;
	s22 =	smov.u32 s4;
	p2 =	sne.s32 s26, $0x3F8  }
.Ltmp17:
0x118: {  	s26 =	sadd.s32 $0x8, s26;
	(pc) =	sbr.rel @p2 .LBB2_32-.Ltmp17, $2  }
0x119: {  	_ =	sdelay $0x2  }
0x11a: {  	s4 =	sadd.s32 $0x80, s4;
	s3 =	sadd.s32 s3, s13  }
0x11b: {  	[hbm4b:s3+s2] =	stream.linear.scatter [tilespmem:s22], [sflag:$0xA], $0x40, $0x38;
	[tilespmem:$0x19CA0] =	vst v63  }
0x11c: {  	s22 =	simm.s32 $0xA  }
0x11d: {  	_ =	swait.ge [sflag:s22], $0x2000  }
0x11e: {  	s4 =	simm.s32 $0x80;
	s26 =	simm.s32 $0xA80;
	[sflag:s22] =	ssyncset.done $0x0  }
0x11f: {  	s3 =	rddreg [dreg:$0x4];
	[sflag:s22] =	ssyncadd.s32 $0xFFFFE000;
	s22 =	simm.s32 $0xCC00  }
0x120: {  	[tilespmem:s22], [sflag:$0x4] =	stream.indirect.gather [hbm4b:s3+s4], $0x80, s26, s4, $0xb8;
	[tilespmem:$0x19CA0] =	vst v63  }
0x121: {  	s26 =	simm.s32 $0x5  }
0x122: {  	_ =	swait.ge [sflag:s26], $0x4000  }
0x123: {  	s22 =	simm.s32 $0x10C00;
	s3 =	sadd.s32 $0x0, s14;
	[sflag:s26] =	ssyncset.done $0x0  }
0x124: {  	s4 =	simm.s32 $0x10C80;
	[sflag:s26] =	ssyncadd.s32 $0xFFFFC000;
	s26 =	simm.s32 $0x8  }
.LBB2_34:
0x125: {  	[hbm4b:s3+s2] =	stream.linear.scatter [tilespmem:s22], [sflag:$0xB], $0x40, $0x38;
	[tilespmem:$0x19CA0] =	vst v63  }
0x126: {  	s3 =	smov.u32 s26;
	s22 =	smov.u32 s4;
	p2 =	sne.s32 s26, $0x3F8  }
.Ltmp18:
0x127: {  	s26 =	sadd.s32 $0x8, s26;
	(pc) =	sbr.rel @p2 .LBB2_34-.Ltmp18, $2  }
0x128: {  	_ =	sdelay $0x2  }
0x129: {  	s4 =	sadd.s32 $0x80, s4;
	s3 =	sadd.s32 s3, s14  }
0x12a: {  	[hbm4b:s3+s2] =	stream.linear.scatter [tilespmem:s22], [sflag:$0xB], $0x40, $0x38;
	[tilespmem:$0x19CA0] =	vst v63  }
0x12b: {  	s22 =	simm.s32 $0xB  }
0x12c: {  	_ =	swait.ge [sflag:s22], $0x2000  }
0x12d: {  	s4 =	simm.s32 $0x80;
	s26 =	simm.s32 $0xB00;
	[sflag:s22] =	ssyncset.done $0x0  }
0x12e: {  	s3 =	rddreg [dreg:$0x4];
	[sflag:s22] =	ssyncadd.s32 $0xFFFFE000;
	s22 =	simm.s32 $0x10C00  }
0x12f: {  	[tilespmem:s22], [sflag:$0x5] =	stream.indirect.gather [hbm4b:s3+s4], $0x80, s26, s4, $0xb8;
	[tilespmem:$0x19CA0] =	vst v63  }
0x130: {  	s26 =	simm.s32 $0x6  }
0x131: {  	_ =	swait.ge [sflag:s26], $0x4000  }
0x132: {  	s22 =	simm.s32 $0x14C00;
	s3 =	sadd.s32 $0x0, s15;
	[sflag:s26] =	ssyncset.done $0x0  }
0x133: {  	s4 =	simm.s32 $0x14C80;
	[sflag:s26] =	ssyncadd.s32 $0xFFFFC000;
	s26 =	simm.s32 $0x8  }
.LBB2_36:
0x134: {  	[hbm4b:s3+s2] =	stream.linear.scatter [tilespmem:s22], [sflag:$0xC], $0x40, $0x38;
	[tilespmem:$0x19CA0] =	vst v63  }
0x135: {  	s3 =	smov.u32 s26;
	s22 =	smov.u32 s4;
	p2 =	sne.s32 s26, $0x3F8  }
.Ltmp19:
0x136: {  	s26 =	sadd.s32 $0x8, s26;
	(pc) =	sbr.rel @p2 .LBB2_36-.Ltmp19, $2  }
0x137: {  	_ =	sdelay $0x2  }
0x138: {  	s4 =	sadd.s32 $0x80, s4;
	s3 =	sadd.s32 s3, s15  }
0x139: {  	[hbm4b:s3+s2] =	stream.linear.scatter [tilespmem:s22], [sflag:$0xC], $0x40, $0x38;
	[tilespmem:$0x19CA0] =	vst v63  }
0x13a: {  	s22 =	simm.s32 $0xC  }
0x13b: {  	_ =	swait.ge [sflag:s22], $0x2000  }
0x13c: {  	s4 =	simm.s32 $0x80;
	s26 =	simm.s32 $0xB80;
	[sflag:s22] =	ssyncset.done $0x0  }
0x13d: {  	s3 =	rddreg [dreg:$0x4];
	[sflag:s22] =	ssyncadd.s32 $0xFFFFE000;
	s22 =	simm.s32 $0x14C00  }
0x13e: {  	[tilespmem:s22], [sflag:$0x6] =	stream.indirect.gather [hbm4b:s3+s4], $0x80, s26, s4, $0xb8;
	[tilespmem:$0x19CA0] =	vst v63  }
0x13f: {  	s26 =	simm.s32 $0x1  }
0x140: {  	_ =	swait.ge [sflag:s26], $0x4000  }
0x141: {  	s22 =	simm.s32 $0xC00;
	s3 =	sadd.s32 $0x0, s16;
	[sflag:s26] =	ssyncset.done $0x0  }
0x142: {  	s4 =	simm.s32 $0xC80;
	[sflag:s26] =	ssyncadd.s32 $0xFFFFC000;
	s26 =	simm.s32 $0x8  }
.LBB2_38:
0x143: {  	[hbm4b:s3+s2] =	stream.linear.scatter [tilespmem:s22], [sflag:$0x7], $0x40, $0x38;
	[tilespmem:$0x19CA0] =	vst v63  }
0x144: {  	s3 =	smov.u32 s26;
	s22 =	smov.u32 s4;
	p2 =	sne.s32 s26, $0x3F8  }
.Ltmp20:
0x145: {  	s26 =	sadd.s32 $0x8, s26;
	(pc) =	sbr.rel @p2 .LBB2_38-.Ltmp20, $2  }
0x146: {  	_ =	sdelay $0x2  }
0x147: {  	s4 =	sadd.s32 $0x80, s4;
	s3 =	sadd.s32 s3, s16  }
0x148: {  	[hbm4b:s3+s2] =	stream.linear.scatter [tilespmem:s22], [sflag:$0x7], $0x40, $0x38;
	[tilespmem:$0x19CA0] =	vst v63  }
0x149: {  	s26 =	simm.s32 $0x2  }
0x14a: {  	_ =	swait.ge [sflag:s26], $0x4000  }
0x14b: {  	s22 =	simm.s32 $0x4C00;
	s3 =	sadd.s32 $0x0, s17;
	[sflag:s26] =	ssyncset.done $0x0  }
0x14c: {  	s4 =	simm.s32 $0x4C80;
	[sflag:s26] =	ssyncadd.s32 $0xFFFFC000;
	s26 =	simm.s32 $0x8  }
.LBB2_40:
0x14d: {  	[hbm4b:s3+s2] =	stream.linear.scatter [tilespmem:s22], [sflag:$0x8], $0x40, $0x38;
	[tilespmem:$0x19CA0] =	vst v63  }
0x14e: {  	s3 =	smov.u32 s26;
	s22 =	smov.u32 s4;
	p2 =	sne.s32 s26, $0x3F8  }
.Ltmp21:
0x14f: {  	s26 =	sadd.s32 $0x8, s26;
	(pc) =	sbr.rel @p2 .LBB2_40-.Ltmp21, $2  }
0x150: {  	_ =	sdelay $0x2  }
0x151: {  	s4 =	sadd.s32 $0x80, s4;
	s3 =	sadd.s32 s3, s17  }
0x152: {  	[hbm4b:s3+s2] =	stream.linear.scatter [tilespmem:s22], [sflag:$0x8], $0x40, $0x38;
	[tilespmem:$0x19CA0] =	vst v63  }
0x153: {  	s26 =	simm.s32 $0x3  }
0x154: {  	_ =	swait.ge [sflag:s26], $0x4000  }
0x155: {  	s22 =	simm.s32 $0x8C00;
	s3 =	sadd.s32 $0x0, s18;
	[sflag:s26] =	ssyncset.done $0x0  }
0x156: {  	s4 =	simm.s32 $0x8C80;
	[sflag:s26] =	ssyncadd.s32 $0xFFFFC000;
	s26 =	simm.s32 $0x8  }
.LBB2_42:
0x157: {  	[hbm4b:s3+s2] =	stream.linear.scatter [tilespmem:s22], [sflag:$0x9], $0x40, $0x38;
	[tilespmem:$0x19CA0] =	vst v63  }
0x158: {  	s3 =	smov.u32 s26;
	s22 =	smov.u32 s4;
	p2 =	sne.s32 s26, $0x3F8  }
.Ltmp22:
0x159: {  	s26 =	sadd.s32 $0x8, s26;
	(pc) =	sbr.rel @p2 .LBB2_42-.Ltmp22, $2  }
0x15a: {  	_ =	sdelay $0x2  }
0x15b: {  	s4 =	sadd.s32 $0x80, s4;
	s3 =	sadd.s32 s3, s18  }
0x15c: {  	[hbm4b:s3+s2] =	stream.linear.scatter [tilespmem:s22], [sflag:$0x9], $0x40, $0x38;
	[tilespmem:$0x19CA0] =	vst v63  }
0x15d: {  	s26 =	simm.s32 $0x4  }
0x15e: {  	_ =	swait.ge [sflag:s26], $0x4000  }
0x15f: {  	s22 =	simm.s32 $0xCC00;
	s3 =	sadd.s32 $0x0, s19;
	[sflag:s26] =	ssyncset.done $0x0  }
0x160: {  	s4 =	simm.s32 $0xCC80;
	[sflag:s26] =	ssyncadd.s32 $0xFFFFC000;
	s26 =	simm.s32 $0x8  }
.LBB2_44:
0x161: {  	[hbm4b:s3+s2] =	stream.linear.scatter [tilespmem:s22], [sflag:$0xA], $0x40, $0x38;
	[tilespmem:$0x19CA0] =	vst v63  }
0x162: {  	s3 =	smov.u32 s26;
	s22 =	smov.u32 s4;
	p2 =	sne.s32 s26, $0x3F8  }
.Ltmp23:
0x163: {  	s26 =	sadd.s32 $0x8, s26;
	(pc) =	sbr.rel @p2 .LBB2_44-.Ltmp23, $2  }
0x164: {  	_ =	sdelay $0x2  }
0x165: {  	s4 =	sadd.s32 $0x80, s4;
	s3 =	sadd.s32 s3, s19  }
0x166: {  	[hbm4b:s3+s2] =	stream.linear.scatter [tilespmem:s22], [sflag:$0xA], $0x40, $0x38;
	[tilespmem:$0x19CA0] =	vst v63  }
0x167: {  	s26 =	simm.s32 $0x5  }
0x168: {  	_ =	swait.ge [sflag:s26], $0x4000  }
0x169: {  	s22 =	simm.s32 $0x10C00;
	s3 =	sadd.s32 $0x0, s20;
	[sflag:s26] =	ssyncset.done $0x0  }
0x16a: {  	s4 =	simm.s32 $0x10C80;
	[sflag:s26] =	ssyncadd.s32 $0xFFFFC000;
	s26 =	simm.s32 $0x8  }
.LBB2_46:
0x16b: {  	[hbm4b:s3+s2] =	stream.linear.scatter [tilespmem:s22], [sflag:$0xB], $0x40, $0x38;
	[tilespmem:$0x19CA0] =	vst v63  }
0x16c: {  	s3 =	smov.u32 s26;
	s22 =	smov.u32 s4;
	p2 =	sne.s32 s26, $0x3F8  }
.Ltmp24:
0x16d: {  	s26 =	sadd.s32 $0x8, s26;
	(pc) =	sbr.rel @p2 .LBB2_46-.Ltmp24, $2  }
0x16e: {  	_ =	sdelay $0x2  }
0x16f: {  	s4 =	sadd.s32 $0x80, s4;
	s3 =	sadd.s32 s3, s20  }
0x170: {  	[hbm4b:s3+s2] =	stream.linear.scatter [tilespmem:s22], [sflag:$0xB], $0x40, $0x38;
	[tilespmem:$0x19CA0] =	vst v63  }
0x171: {  	s26 =	simm.s32 $0x6  }
0x172: {  	_ =	swait.ge [sflag:s26], $0x4000  }
0x173: {  	s22 =	simm.s32 $0x14C00;
	s3 =	sadd.s32 $0x0, s21;
	[sflag:s26] =	ssyncset.done $0x0  }
0x174: {  	s4 =	simm.s32 $0x14C80;
	[sflag:s26] =	ssyncadd.s32 $0xFFFFC000;
	s26 =	simm.s32 $0x8  }
.LBB2_48:
0x175: {  	[hbm4b:s3+s2] =	stream.linear.scatter [tilespmem:s22], [sflag:$0xC], $0x40, $0x38;
	[tilespmem:$0x19CA0] =	vst v63  }
0x176: {  	s3 =	smov.u32 s26;
	s22 =	smov.u32 s4;
	p2 =	sne.s32 s26, $0x3F8  }
.Ltmp25:
0x177: {  	s26 =	sadd.s32 $0x8, s26;
	(pc) =	sbr.rel @p2 .LBB2_48-.Ltmp25, $2  }
0x178: {  	_ =	sdelay $0x2  }
0x179: {  	s4 =	sadd.s32 $0x80, s4;
	s3 =	sadd.s32 s3, s21  }
0x17a: {  	[hbm4b:s3+s2] =	stream.linear.scatter [tilespmem:s22], [sflag:$0xC], $0x40, $0x38;
	[tilespmem:$0x19CA0] =	vst v63  }
0x17b: {  	s4 =	simm.s32 $0x7  }
0x17c: {  	_ =	swait.ge [sflag:s4], $0x2000  }
0x17d: {  	[sflag:s4] =	ssyncset.done $0x0  }
0x17e: {  	s22 =	simm.s32 $0x8;
	[sflag:s4] =	ssyncadd.s32 $0xFFFFE000  }
0x17f: {  	_ =	swait.ge [sflag:s22], $0x2000  }
0x180: {  	[sflag:s22] =	ssyncset.done $0x0  }
0x181: {  	s26 =	simm.s32 $0x9;
	[sflag:s22] =	ssyncadd.s32 $0xFFFFE000  }
0x182: {  	_ =	swait.ge [sflag:s26], $0x2000  }
0x183: {  	[sflag:s26] =	ssyncset.done $0x0  }
0x184: {  	s4 =	simm.s32 $0xA;
	[sflag:s26] =	ssyncadd.s32 $0xFFFFE000  }
0x185: {  	_ =	swait.ge [sflag:s4], $0x2000  }
0x186: {  	[sflag:s4] =	ssyncset.done $0x0  }
0x187: {  	s22 =	simm.s32 $0xB;
	[sflag:s4] =	ssyncadd.s32 $0xFFFFE000  }
0x188: {  	_ =	swait.ge [sflag:s22], $0x2000  }
.Ltmp26:
0x189: {  	[sflag:s22] =	ssyncset.done $0x0;
	(pc) =	sbr.rel @p0 .LBB2_53-.Ltmp26, $4  }
0x18a: {  	s26 =	simm.s32 $0xC;
	[sflag:s22] =	ssyncadd.s32 $0xFFFFE000  }
0x18b: {  	_ =	swait.ge [sflag:s26], $0x2000  }
0x18c: {  	[sflag:s26] =	ssyncset.done $0x0  }
0x18d: {  	[sflag:s26] =	ssyncadd.s32 $0xFFFFE000  }
0x18e: {  	s3 =	simm.s32 $0x0  }
0x18f: {  	s4 =	rddreg [dreg:$0x6];
	s26 =	simm.s32 $0x18C00;
	s22 =	simm.s32 $0xE  }
0x190: {  	[tilespmem:s26], [sflag:$0xE] =	stream.linear.gather [hbm4b:s4+s3], $0x80, $0x38;
	[tilespmem:$0x19CA0] =	vst v63  }
0x191: {  	_ =	swait.ge [sflag:s22], $0x80  }
0x192: {  	s4 =	simm.s32 $0x80;
	[sflag:s22] =	ssyncset.done $0x0  }
0x193: {  	s3 =	rddreg [dreg:$0x4];
	[sflag:s22] =	ssyncadd.s32 $0xFFFFFF80;
	s22 =	simm.s32 $0xC00  }
0x194: {  	[tilespmem:s22], [sflag:$0xD] =	stream.indirect.gather [hbm4b:s3+s4], $0x80, s26, s4, $0xb8;
	[tilespmem:$0x19CA0] =	vst v63  }
0x195: {  	s26 =	simm.s32 $0xD  }
0x196: {  	_ =	swait.ge [sflag:s26], $0x4000  }
0x197: {  	s3 =	sadd.s32 $0x0, s23;
	[sflag:s26] =	ssyncset.done $0x0  }
0x198: {  	s4 =	simm.s32 $0xC80;
	[sflag:s26] =	ssyncadd.s32 $0xFFFFC000;
	s26 =	simm.s32 $0x8  }
.LBB2_51:
0x199: {  	[hbm4b:s3+s2] =	stream.linear.scatter [tilespmem:s22], [sflag:$0xE], $0x40, $0x38;
	[tilespmem:$0x19CA0] =	vst v63  }
0x19a: {  	s3 =	smov.u32 s26;
	s22 =	smov.u32 s4;
	p2 =	sne.s32 s26, $0x3F8  }
.Ltmp27:
0x19b: {  	s26 =	sadd.s32 $0x8, s26;
	(pc) =	sbr.rel @p2 .LBB2_51-.Ltmp27, $2  }
0x19c: {  	_ =	sdelay $0x2  }
0x19d: {  	s4 =	sadd.s32 $0x80, s4;
	s3 =	sadd.s32 s3, s23  }
0x19e: {  	[hbm4b:s3+s2] =	stream.linear.scatter [tilespmem:s22], [sflag:$0xE], $0x40, $0x38;
	[tilespmem:$0x19CA0] =	vst v63  }
.Ltmp28:
0x19f: {  	_ = 	snop;
	(pc) =	sbr.rel .LBB2_57-.Ltmp28, $4  }
0x1a0: {  	s26 =	simm.s32 $0xE  }
0x1a1: {  	_ =	swait.ge [sflag:s26], $0x2000  }
0x1a2: {  	[sflag:s26] =	ssyncset.done $0x0  }
0x1a3: {  	s4 =	rddreg [dreg:$0x9];
	[sflag:s26] =	ssyncadd.s32 $0xFFFFE000  }
.LBB2_53:
.Ltmp29:
0x1a4: {  	(pc) =	sbr.rel @p1 .LBB2_57-.Ltmp29, $2  }
0x1a5: {  	_ =	sdelay $0x2  }
0x1a6: {  	s4 =	rddreg [dreg:$0x9]  }
0x1a7: {  	s3 =	simm.s32 $0x0  }
0x1a8: {  	s4 =	rddreg [dreg:$0x7];
	s26 =	simm.s32 $0x18C80;
	s22 =	simm.s32 $0xE  }
0x1a9: {  	[tilespmem:s26], [sflag:$0xE] =	stream.linear.gather [hbm4b:s4+s3], $0x20, $0x38;
	[tilespmem:$0x19CA0] =	vst v63  }
0x1aa: {  	_ =	swait.ge [sflag:s22], $0x20  }
0x1ab: {  	s4 =	simm.s32 $0x20;
	[sflag:s22] =	ssyncset.done $0x0  }
0x1ac: {  	s3 =	rddreg [dreg:$0x4];
	[sflag:s22] =	ssyncadd.s32 $0xFFFFFFE0;
	s22 =	simm.s32 $0x18CA0  }
0x1ad: {  	[tilespmem:s22], [sflag:$0xD] =	stream.indirect.gather [hbm4b:s3+s4], $0x80, s26, s4, $0xb8;
	[tilespmem:$0x19CA0] =	vst v63  }
0x1ae: {  	s26 =	simm.s32 $0xD  }
0x1af: {  	_ =	swait.ge [sflag:s26], $0x1000  }
0x1b0: {  	s3 =	sadd.s32 $0x0, s25;
	[sflag:s26] =	ssyncset.done $0x0  }
0x1b1: {  	s4 =	simm.s32 $0x18D20;
	[sflag:s26] =	ssyncadd.s32 $0xFFFFF000;
	s26 =	simm.s32 $0x8  }
.LBB2_55:
0x1b2: {  	[hbm4b:s3+s2] =	stream.linear.scatter [tilespmem:s22], [sflag:$0xE], $0x40, $0x38;
	[tilespmem:$0x19CA0] =	vst v63  }
0x1b3: {  	s3 =	smov.u32 s26;
	s22 =	smov.u32 s4;
	p2 =	sne.s32 s26, $0xF8  }
.Ltmp30:
0x1b4: {  	s26 =	sadd.s32 $0x8, s26;
	(pc) =	sbr.rel @p2 .LBB2_55-.Ltmp30, $2  }
0x1b5: {  	_ =	sdelay $0x2  }
0x1b6: {  	s4 =	sadd.s32 $0x80, s4;
	s3 =	sadd.s32 s3, s25  }
.Ltmp31:
0x1b7: {  	_ = 	snop;
	(pc) =	sbr.rel .LBB2_56-.Ltmp31, $1  }
0x1b8: {  	_ =	sdelay $0x3  }
.LBB2_58:
0x1b9: {  	_ =	sfence.sel $0x180000  }
0x1ba: {  	[bflag:$0x0] =	sbarrier.arrive $0xFFFF  }
0x1bb: {  	_ =	strace $0x90000047  }
0x1bc: {  	s0 =	stileid.u32;
	[bflag:$0x2] =	sbarrier.arrive $0xFFFF  }
0x1bd: {  	p0 =	sne.s32 s0, $0x0;
	s0 =	rddreg [dreg:$0x3]  }
0x1be: {  	s0 =	sadd.s32 @!p0 $0x100000, s0  }
0x1bf: {  	[sflag:s0] =	ssyncadd.tile.s32 @!p0 $0x1;
	_ =	shalt  }
.Lfunc_end2:
_tile_overlayer_lowered:
.L_overlay_start_2:
0x1c0: {  	(tag) =	ssettag $0x2  }
0x1c1: {  	s0 =	rddreg [dreg:$0x0];
	s2 =	stileid.u32  }
0x1c2: {  	s1 =	rddreg [dreg:$0x1];
	p0 =	sne.s32 s2, $0x0  }
0x1c3: {  	s3 =	rddreg [dreg:$0x2];
	[bflag:$0x3] =	sbarrier.arrive $0xFFFF;
	s2 =	simm.s32 @!p0 $0x1C0E  }
0x1c4: {  	[timem:s3], [sflag:s2] =	dma.local @!p0 [hbm:s0], s1  }
0x1c5: {  	s0 =	simm.s32 @!p0 $0xE  }
0x1c6: {  	_ =	swait.ge @!p0 [sflag:s0], s1  }
0x1c7: {  	s1 =	ssub.s32 @!p0 $0x0, s1;
	[sflag:s0] =	ssyncset.done @!p0 $0x0  }
0x1c8: {  	[sflag:s0] =	ssyncadd.s32 @!p0 s1  }
0x1c9: {  	[bflag:$0x3] =	sbarrier.arrive $0xFFFF  }
0x1ca: {  	_ =	shalt  }

</sc_bundles>
